<compile_context>
chip_gen: v7x
topology: tpu7x:2x2x1
jax: 0.10.2.dev20260603
libtpu: 0.0.44.dev20260713+nightly
codegen_flags: <defaults>
</compile_context>

<pallas_src>
import jax
import jax.numpy as jnp
from jax import lax
from jax.experimental import pallas as pl
from jax.experimental.pallas import tpu as pltpu
from jax.experimental.pallas import tpu_sc as plsc

NQ = 16
ND = 32
NCAND = 1000000
K = 100

BLK = 131072
NBLK = 8
NPAD = NBLK * BLK
CHUNK = 128
NCHUNK = NPAD // CHUNK
L2N = NCHUNK // 16
P2_L2N = (K * CHUNK) // 16
P2_L2PAD = 1024

NEG = float("-inf")


def _score_body(q_ref, c_ref, scores_ref, cmax_ref):
    i = pl.program_id(0)
    q = q_ref[...]
    c = c_ref[...]
    s = lax.dot_general(q, c, (((1,), (0,)), ((), ())),
                        preferred_element_type=jnp.float32)
    gidx = i * BLK + lax.broadcasted_iota(jnp.int32, (NQ, BLK), 1)
    s = jnp.where(gidx < NCAND, s, NEG)
    s3 = s.reshape(NQ, BLK // CHUNK, CHUNK)
    scores_ref[...] = s3
    cmax_ref[...] = jnp.max(s3, axis=2)


def _stage_a(queries, candidates):
    return pl.pallas_call(
        _score_body,
        grid=(NBLK,),
        in_specs=[
            pl.BlockSpec((NQ, ND), lambda i: (0, 0)),
            pl.BlockSpec((ND, BLK), lambda i: (0, i)),
        ],
        out_specs=[
            pl.BlockSpec((NQ, BLK // CHUNK, CHUNK), lambda i: (0, i, 0)),
            pl.BlockSpec((NQ, BLK // CHUNK), lambda i: (0, i)),
        ],
        out_shape=[
            jax.ShapeDtypeStruct((NQ, NCHUNK, CHUNK), jnp.float32),
            jax.ShapeDtypeStruct((NQ, NCHUNK), jnp.float32),
        ],
        compiler_params=pltpu.CompilerParams(
            dimension_semantics=("arbitrary",),
            vmem_limit_bytes=61440 * 1024),
    )(queries, candidates)


def _ffsv(mask):
    return plsc.all_reduce_ffs(mask)


def _pcv(mask):
    return plsc.all_reduce_population_count(mask)


def _hmax(v):
    return lax.reduce_max(v, (0,))


def _sel_body(scores_hbm, cmax_hbm, ids_hbm, vals_out, idx_out,
              cm_buf, l2_buf, chunk_ids, score_buf,
              p2l2, val_buf, idx_buf, gath_ids, sem):
    cid = lax.axis_index("c")
    sid = lax.axis_index("s")
    q = sid
    lane = lax.iota(jnp.int32, 16)
    neg16 = jnp.full((16,), NEG, jnp.float32)

    @pl.when(cid == 0)
    def _():
        pltpu.sync_copy(cmax_hbm.at[q], cm_buf)
        l2_buf[pl.ds(L2N, 16)] = neg16
        for g in range(8):
            chunk_ids[pl.ds(g * 16, 16)] = jnp.zeros((16,), jnp.int32)
            idx_buf[pl.ds(g * 16, 16)] = jnp.zeros((16,), jnp.int32)
            val_buf[pl.ds(g * 16, 16)] = jnp.zeros((16,), jnp.float32)

        def build_l2(g, _):
            acc = neg16
            for j in range(16):
                v = plsc.load_gather(cm_buf, [lane * 16 + g * 256 + j])
                acc = jnp.maximum(acc, v)
            l2_buf[pl.ds(g * 16, 16)] = acc
            return 0

        lax.fori_loop(0, L2N // 16, build_l2, 0)

        def _l3_group(buf, g):
            acc = neg16
            for j in range(16):
                acc = jnp.maximum(
                    acc, plsc.load_gather(buf, [lane * 16 + g * 256 + j]))
            return acc

        v0 = _l3_group(l2_buf, 0)
        v1 = _l3_group(l2_buf, 1)

        def extract_chunk(t, carry):
            v0, v1 = carry
            m = _hmax(jnp.maximum(v0, v1))
            use_hi = _pcv(v0 == m) == 0
            grp = jnp.where(use_hi, v1, v0)
            jv = jnp.where(use_hi, 16, 0) + _ffsv(grp == m)
            u = plsc.load_gather(l2_buf, [jv * 16 + lane])
            iov = _ffsv(u == m)
            iv = jv * 16 + iov
            w = plsc.load_gather(cm_buf, [iv * 16 + lane])
            cov = _ffsv(w == m)
            plsc.store_scatter(chunk_ids, [jnp.full((16,), t, jnp.int32)],
                               iv * 16 + cov, mask=lane == 0)
            w2 = jnp.where(lane == cov, NEG, w)
            plsc.store_scatter(cm_buf, [iv * 16 + lane], w2)
            um = jnp.where(lane == iov, NEG, u)
            nvw = _hmax(w2)
            nvuv = jnp.maximum(jnp.full((16,), _hmax(um), jnp.float32),
                               jnp.full((16,), nvw, jnp.float32))
            plsc.store_scatter(l2_buf, [jv * 16 + lane],
                               jnp.where(lane == iov, nvw, u))
            joff = _ffsv(grp == m)
            upd = lane == joff
            v0n = jnp.where(jnp.logical_and(jnp.logical_not(use_hi), upd),
                            nvuv, v0)
            v1n = jnp.where(jnp.logical_and(use_hi, upd), nvuv, v1)
            return (v0n, v1n)

        carry = lax.fori_loop(0, 64, extract_chunk, (v0, v1))
        cpA = pltpu.async_copy(scores_hbm.at[q].at[chunk_ids.at[pl.ds(0, 64)]],
                               score_buf.at[pl.ds(0, 64)], sem)
        lax.fori_loop(64, K, extract_chunk, carry)

        cpB = pltpu.async_copy(scores_hbm.at[q].at[chunk_ids.at[pl.ds(64, 64)]],
                               score_buf.at[pl.ds(64, 64)], sem)
        cpA.wait()
        cpB.wait()

        for g in range(P2_L2N, P2_L2PAD, 16):
            p2l2[pl.ds(g, 16)] = neg16

        def build_p2l2(g, _):
            acc = neg16
            for j in range(16):
                f = lane * 16 + g * 256 + j
                v = plsc.load_gather(score_buf, [f >> 7, f & 127])
                acc = jnp.maximum(acc, v)
            p2l2[pl.ds(g * 16, 16)] = acc
            return 0

        lax.fori_loop(0, P2_L2N // 16, build_p2l2, 0)

        t0 = _l3_group(p2l2, 0)
        t1 = _l3_group(p2l2, 1)
        t2 = _l3_group(p2l2, 2)
        t3 = _l3_group(p2l2, 3)

        def extract_elem(t, carry):
            t0, t1, t2, t3 = carry
            m = _hmax(jnp.maximum(jnp.maximum(t0, t1), jnp.maximum(t2, t3)))
            p0 = _pcv(t0 == m) > 0
            p1 = _pcv(t1 == m) > 0
            p2 = _pcv(t2 == m) > 0
            gv = jnp.where(p0, 0, jnp.where(p1, 1, jnp.where(p2, 2, 3)))
            grp = jnp.where(p0, t0, jnp.where(p1, t1, jnp.where(p2, t2, t3)))
            joff = _ffsv(grp == m)
            jv = gv * 16 + joff
            u = plsc.load_gather(p2l2, [jv * 16 + lane])
            iov = _ffsv(u == m)
            ev = jv * 16 + iov
            rowv = ev >> 3
            colv = (ev & 7) * 16 + lane
            w = plsc.load_gather(score_buf, [rowv, colv])
            cov = _ffsv(w == m)
            fv = ev * 16 + cov
            tsplat = jnp.full((16,), t, jnp.int32)
            plsc.store_scatter(val_buf, [tsplat],
                               jnp.full((16,), m, jnp.float32), mask=lane == 0)
            cidx = plsc.load_gather(chunk_ids, [fv >> 7])
            plsc.store_scatter(idx_buf, [tsplat],
                               cidx * CHUNK + (fv & 127), mask=lane == 0)
            w2 = jnp.where(lane == cov, NEG, w)
            plsc.store_scatter(score_buf, [rowv, colv], w2)
            um = jnp.where(lane == iov, NEG, u)
            nvw = _hmax(w2)
            nvuv = jnp.maximum(jnp.full((16,), _hmax(um), jnp.float32),
                               jnp.full((16,), nvw, jnp.float32))
            plsc.store_scatter(p2l2, [jv * 16 + lane],
                               jnp.where(lane == iov, nvw, u))
            upd = lane == joff
            np0 = jnp.logical_not(p0)
            np1 = jnp.logical_not(p1)
            t0n = jnp.where(jnp.logical_and(p0, upd), nvuv, t0)
            t1n = jnp.where(jnp.logical_and(jnp.logical_and(np0, p1), upd),
                            nvuv, t1)
            t2n = jnp.where(
                jnp.logical_and(jnp.logical_and(np0, jnp.logical_and(np1, p2)),
                                upd), nvuv, t2)
            t3n = jnp.where(
                jnp.logical_and(
                    jnp.logical_and(np0, jnp.logical_and(
                        np1, jnp.logical_not(p2))), upd), nvuv, t3)
            return (t0n, t1n, t2n, t3n)

        lax.fori_loop(0, K, extract_elem, (t0, t1, t2, t3))

        pltpu.async_copy(ids_hbm.at[idx_buf], gath_ids, sem).wait()
        pltpu.sync_copy(val_buf, vals_out.at[q])
        pltpu.sync_copy(gath_ids, idx_out.at[q])


def _stage_b(scores3, cmax, identifiers):
    mesh = plsc.VectorSubcoreMesh(core_axis_name="c", subcore_axis_name="s")
    kfn = pl.kernel(
        _sel_body,
        out_type=[
            jax.ShapeDtypeStruct((NQ, 128), jnp.float32),
            jax.ShapeDtypeStruct((NQ, 128), jnp.int32),
        ],
        mesh=mesh,
        scratch_types=[
            pltpu.VMEM((NCHUNK,), jnp.float32),
            pltpu.VMEM((L2N + 16,), jnp.float32),
            pltpu.VMEM((128,), jnp.int32),
            pltpu.VMEM((128, CHUNK), jnp.float32),
            pltpu.VMEM((P2_L2PAD,), jnp.float32),
            pltpu.VMEM((128,), jnp.float32),
            pltpu.VMEM((128,), jnp.int32),
            pltpu.VMEM((128,), jnp.int32),
            pltpu.SemaphoreType.DMA,
        ],
        compiler_params=pltpu.CompilerParams(needs_layout_passes=False),
    )
    return kfn(scores3, cmax, identifiers)


def kernel(queries, candidates, identifiers, k):
    scores3, cmax = _stage_a(queries, candidates.T)
    vals, idx = _stage_b(scores3, cmax, identifiers)
    return (vals[:, :K], idx[:, :K])

# --- scband reference (transcript-rebuilt; emitter-appended) ---
"""Pipeline reference for scband-my-model-87522843559452 (READ-ONLY COPY).

The authoritative reference and input builder live on the scoring server;
editing this copy changes nothing except your own understanding.
"""

import jax, jax.numpy as jnp
import numpy as np

Q = 16
K_CAND = 1000000
D = 32
TOPK = 100


def setup_inputs(seed: int = 0) -> dict:
    key = jax.random.key(seed)
    kq, kc = jax.random.split(key)
    queries = jax.random.normal(kq, (Q, D), dtype=jnp.float32)
    candidates = jax.random.normal(kc, (K_CAND, D), dtype=jnp.float32)
    identifiers = jnp.arange(K_CAND, dtype=jnp.int32)
    return {"queries": queries, "candidates": candidates, "identifiers": identifiers, "k": TOPK}


def reference(queries, candidates, identifiers, k):
    # Brute-force two-tower retrieval: score all candidates, take top-k,
    # gather candidate identifiers (faithful to MyModel.call after query embedding).
    scores = jnp.matmul(queries, candidates.T)  # [Q, K_CAND]
    values, indices = jax.lax.top_k(scores, TOPK)  # [Q, k] each
    k_zero = jnp.asarray(k, dtype=indices.dtype) - jnp.asarray(k, dtype=indices.dtype)
    indices = indices + k_zero
    top_identifiers = jnp.take(identifiers, indices, axis=0)  # [Q, k]
    return (values, top_identifiers)

if __name__ == "__main__":
    import jax
    _d = setup_inputs()
    print(jax.jit(kernel)(*tuple(_d.values())))

</pallas_src>

<mosaic_0001>
#map = affine_map<(d0, d1) -> (0, 0, 0)>
#map1 = affine_map<(d0, d1) -> (0, 0)>
#map2 = affine_map<(d0, d1) -> (0)>
module attributes {stable_mosaic.version = 14 : i64} {
  func.func @_sel_body(%arg0: i32, %arg1: i32, %arg2: memref<16x8192x128xf32, #tpu.memory_space<hbm>>, %arg3: memref<16x8192xf32, #tpu.memory_space<hbm>>, %arg4: memref<1000000xi32, #tpu.memory_space<hbm>>, %arg5: memref<16x128xf32, #tpu.memory_space<hbm>>, %arg6: memref<16x128xi32, #tpu.memory_space<hbm>>, %arg7: memref<8192xf32, #tpu.memory_space<vmem>>, %arg8: memref<528xf32, #tpu.memory_space<vmem>>, %arg9: memref<128xi32, #tpu.memory_space<vmem>>, %arg10: memref<128x128xf32, #tpu.memory_space<vmem>>, %arg11: memref<1024xf32, #tpu.memory_space<vmem>>, %arg12: memref<128xf32, #tpu.memory_space<vmem>>, %arg13: memref<128xi32, #tpu.memory_space<vmem>>, %arg14: memref<128xi32, #tpu.memory_space<vmem>>, %arg15: memref<!tpu.dma_semaphore, #tpu.memory_space<semaphore_mem>>) attributes {dimension_semantics = [#tpu.dimension_semantics<core_parallel>, #tpu.dimension_semantics<subcore_parallel>], iteration_bounds = array<i64: 2, 16>, scalar_prefetch = 0 : i64, scratch_operands = 9 : i64, tpu.core_type = #tpu.core_type<sc_vector_subcore>, window_params = [{transform_indices = #map}, {transform_indices = #map1}, {transform_indices = #map2}, {transform_indices = #map1}, {transform_indices = #map1}]} {
    %iota3A = tpu.iota {dimensions = array<i32: 0>} : vector<16xi32>
    %broadcast_in_dim3A = arith.constant 0xFF800000 : f32
    %broadcast_in_dim3A_0 = vector.broadcast %broadcast_in_dim3A : f32 to vector<16xf32>
    %eq3A = arith.constant 0 : i32
    %eq3A_1 = arith.cmpi eq, %arg0, %eq3A : i32
    %convert_element_type3A = arith.extui %eq3A_1 : i1 to i32
    %cond3A = arith.constant 0 : i32
    %cond3A_2 = arith.cmpi ne, %convert_element_type3A, %cond3A : i32
    scf.if %cond3A_2 {
      "tpu.region"() ({
        %run_scoped3A = tpu.sem_alloc : memref<!tpu.dma_semaphore, #tpu.memory_space<semaphore_mem>>
        %dma_start3A_1261 = arith.constant 0 : i32
        %dma_start3A_1262 = tpu.memref_slice %arg3[%arg1, %dma_start3A_1261] : memref<16x8192xf32, #tpu.memory_space<hbm>> -> memref<1x8192xf32, #tpu.memory_space<hbm>>
        %dma_start3A_1263 = tpu.memref_squeeze %dma_start3A_1262 : memref<1x8192xf32, #tpu.memory_space<hbm>> -> memref<8192xf32, #tpu.memory_space<hbm>>
        %dma_start3A_1264 = arith.constant 0 : i32
        %dma_start3A_1265 = tpu.memref_slice %arg3[%arg1, %dma_start3A_1264] : memref<16x8192xf32, #tpu.memory_space<hbm>> -> memref<1x8192xf32, #tpu.memory_space<hbm>>
        %dma_start3A_1266 = tpu.memref_squeeze %dma_start3A_1265 : memref<1x8192xf32, #tpu.memory_space<hbm>> -> memref<8192xf32, #tpu.memory_space<hbm>>
        tpu.enqueue_dma source(%dma_start3A_1266 : memref<8192xf32, #tpu.memory_space<hbm>>) target(%arg7 : memref<8192xf32, #tpu.memory_space<vmem>>) target_semaphore(%run_scoped3A : memref<!tpu.dma_semaphore, #tpu.memory_space<semaphore_mem>>)
        %dma_wait3A_1267 = arith.constant 0 : i32
        %dma_wait3A_1268 = tpu.memref_slice %arg3[%arg1, %dma_wait3A_1267] : memref<16x8192xf32, #tpu.memory_space<hbm>> -> memref<1x8192xf32, #tpu.memory_space<hbm>>
        %dma_wait3A_1269 = tpu.memref_squeeze %dma_wait3A_1268 : memref<1x8192xf32, #tpu.memory_space<hbm>> -> memref<8192xf32, #tpu.memory_space<hbm>>
        %dma_wait3A_1270 = arith.constant 0 : i32
        %dma_wait3A_1271 = tpu.memref_slice %arg3[%arg1, %dma_wait3A_1270] : memref<16x8192xf32, #tpu.memory_space<hbm>> -> memref<1x8192xf32, #tpu.memory_space<hbm>>
        %dma_wait3A_1272 = tpu.memref_squeeze %dma_wait3A_1271 : memref<1x8192xf32, #tpu.memory_space<hbm>> -> memref<8192xf32, #tpu.memory_space<hbm>>
        tpu.wait_dma2 semaphore(%run_scoped3A : memref<!tpu.dma_semaphore, #tpu.memory_space<semaphore_mem>>) src(%dma_wait3A_1272 : memref<8192xf32, #tpu.memory_space<hbm>>) dst(%arg7 : memref<8192xf32, #tpu.memory_space<vmem>>)
        tpu.yield
      }) : () -> ()
      %swap3A = arith.constant 512 : index
      %swap3A_3 = tpu.vector_load %arg8[%swap3A] {strides = array<i32>} : memref<528xf32, #tpu.memory_space<vmem>>, vector<16xf32>,
      tpu.vector_store %arg8[%swap3A], %broadcast_in_dim3A_0 {strides = array<i32>} : memref<528xf32, #tpu.memory_space<vmem>>, vector<16xf32>,
      %broadcast_in_dim3A_4 = arith.constant 0 : i32
      %broadcast_in_dim3A_5 = vector.broadcast %broadcast_in_dim3A_4 : i32 to vector<16xi32>
      %swap3A_6 = arith.constant 0 : index
      %swap3A_7 = tpu.vector_load %arg9[%swap3A_6] {strides = array<i32>} : memref<128xi32, #tpu.memory_space<vmem>>, vector<16xi32>,
      tpu.vector_store %arg9[%swap3A_6], %broadcast_in_dim3A_5 {strides = array<i32>} : memref<128xi32, #tpu.memory_space<vmem>>, vector<16xi32>,
      %broadcast_in_dim3A_8 = arith.constant 0 : i32
      %broadcast_in_dim3A_9 = vector.broadcast %broadcast_in_dim3A_8 : i32 to vector<16xi32>
      %swap3A_10 = arith.constant 0 : index
      %swap3A_11 = tpu.vector_load %arg13[%swap3A_10] {strides = array<i32>} : memref<128xi32, #tpu.memory_space<vmem>>, vector<16xi32>,
      tpu.vector_store %arg13[%swap3A_10], %broadcast_in_dim3A_9 {strides = array<i32>} : memref<128xi32, #tpu.memory_space<vmem>>, vector<16xi32>,
      %broadcast_in_dim3A_12 = arith.constant 0.000000e+00 : f32
      %broadcast_in_dim3A_13 = vector.broadcast %broadcast_in_dim3A_12 : f32 to vector<16xf32>
      %swap3A_14 = arith.constant 0 : index
      %swap3A_15 = tpu.vector_load %arg12[%swap3A_14] {strides = array<i32>} : memref<128xf32, #tpu.memory_space<vmem>>, vector<16xf32>,
      tpu.vector_store %arg12[%swap3A_14], %broadcast_in_dim3A_13 {strides = array<i32>} : memref<128xf32, #tpu.memory_space<vmem>>, vector<16xf32>,
      %broadcast_in_dim3A_16 = arith.constant 0 : i32
      %broadcast_in_dim3A_17 = vector.broadcast %broadcast_in_dim3A_16 : i32 to vector<16xi32>
      %swap3A_18 = arith.constant 16 : index
      %swap3A_19 = tpu.vector_load %arg9[%swap3A_18] {strides = array<i32>} : memref<128xi32, #tpu.memory_space<vmem>>, vector<16xi32>,
      tpu.vector_store %arg9[%swap3A_18], %broadcast_in_dim3A_17 {strides = array<i32>} : memref<128xi32, #tpu.memory_space<vmem>>, vector<16xi32>,
      %broadcast_in_dim3A_20 = arith.constant 0 : i32
      %broadcast_in_dim3A_21 = vector.broadcast %broadcast_in_dim3A_20 : i32 to vector<16xi32>
      %swap3A_22 = arith.constant 16 : index
      %swap3A_23 = tpu.vector_load %arg13[%swap3A_22] {strides = array<i32>} : memref<128xi32, #tpu.memory_space<vmem>>, vector<16xi32>,
      tpu.vector_store %arg13[%swap3A_22], %broadcast_in_dim3A_21 {strides = array<i32>} : memref<128xi32, #tpu.memory_space<vmem>>, vector<16xi32>,
      %broadcast_in_dim3A_24 = arith.constant 0.000000e+00 : f32
      %broadcast_in_dim3A_25 = vector.broadcast %broadcast_in_dim3A_24 : f32 to vector<16xf32>
      %swap3A_26 = arith.constant 16 : index
      %swap3A_27 = tpu.vector_load %arg12[%swap3A_26] {strides = array<i32>} : memref<128xf32, #tpu.memory_space<vmem>>, vector<16xf32>,
      tpu.vector_store %arg12[%swap3A_26], %broadcast_in_dim3A_25 {strides = array<i32>} : memref<128xf32, #tpu.memory_space<vmem>>, vector<16xf32>,
      %broadcast_in_dim3A_28 = arith.constant 0 : i32
      %broadcast_in_dim3A_29 = vector.broadcast %broadcast_in_dim3A_28 : i32 to vector<16xi32>
      %swap3A_30 = arith.constant 32 : index
      %swap3A_31 = tpu.vector_load %arg9[%swap3A_30] {strides = array<i32>} : memref<128xi32, #tpu.memory_space<vmem>>, vector<16xi32>,
      tpu.vector_store %arg9[%swap3A_30], %broadcast_in_dim3A_29 {strides = array<i32>} : memref<128xi32, #tpu.memory_space<vmem>>, vector<16xi32>,
      %broadcast_in_dim3A_32 = arith.constant 0 : i32
      %broadcast_in_dim3A_33 = vector.broadcast %broadcast_in_dim3A_32 : i32 to vector<16xi32>
      %swap3A_34 = arith.constant 32 : index
      %swap3A_35 = tpu.vector_load %arg13[%swap3A_34] {strides = array<i32>} : memref<128xi32, #tpu.memory_space<vmem>>, vector<16xi32>,
      tpu.vector_store %arg13[%swap3A_34], %broadcast_in_dim3A_33 {strides = array<i32>} : memref<128xi32, #tpu.memory_space<vmem>>, vector<16xi32>,
      %broadcast_in_dim3A_36 = arith.constant 0.000000e+00 : f32
      %broadcast_in_dim3A_37 = vector.broadcast %broadcast_in_dim3A_36 : f32 to vector<16xf32>
      %swap3A_38 = arith.constant 32 : index
      %swap3A_39 = tpu.vector_load %arg12[%swap3A_38] {strides = array<i32>} : memref<128xf32, #tpu.memory_space<vmem>>, vector<16xf32>,
      tpu.vector_store %arg12[%swap3A_38], %broadcast_in_dim3A_37 {strides = array<i32>} : memref<128xf32, #tpu.memory_space<vmem>>, vector<16xf32>,
      %broadcast_in_dim3A_40 = arith.constant 0 : i32
      %broadcast_in_dim3A_41 = vector.broadcast %broadcast_in_dim3A_40 : i32 to vector<16xi32>
      %swap3A_42 = arith.constant 48 : index
      %swap3A_43 = tpu.vector_load %arg9[%swap3A_42] {strides = array<i32>} : memref<128xi32, #tpu.memory_space<vmem>>, vector<16xi32>,
      tpu.vector_store %arg9[%swap3A_42], %broadcast_in_dim3A_41 {strides = array<i32>} : memref<128xi32, #tpu.memory_space<vmem>>, vector<16xi32>,
      %broadcast_in_dim3A_44 = arith.constant 0 : i32
      %broadcast_in_dim3A_45 = vector.broadcast %broadcast_in_dim3A_44 : i32 to vector<16xi32>
      %swap3A_46 = arith.constant 48 : index
      %swap3A_47 = tpu.vector_load %arg13[%swap3A_46] {strides = array<i32>} : memref<128xi32, #tpu.memory_space<vmem>>, vector<16xi32>,
      tpu.vector_store %arg13[%swap3A_46], %broadcast_in_dim3A_45 {strides = array<i32>} : memref<128xi32, #tpu.memory_space<vmem>>, vector<16xi32>,
      %broadcast_in_dim3A_48 = arith.constant 0.000000e+00 : f32
      %broadcast_in_dim3A_49 = vector.broadcast %broadcast_in_dim3A_48 : f32 to vector<16xf32>
      %swap3A_50 = arith.constant 48 : index
      %swap3A_51 = tpu.vector_load %arg12[%swap3A_50] {strides = array<i32>} : memref<128xf32, #tpu.memory_space<vmem>>, vector<16xf32>,
      tpu.vector_store %arg12[%swap3A_50], %broadcast_in_dim3A_49 {strides = array<i32>} : memref<128xf32, #tpu.memory_space<vmem>>, vector<16xf32>,
      %broadcast_in_dim3A_52 = arith.constant 0 : i32
      %broadcast_in_dim3A_53 = vector.broadcast %broadcast_in_dim3A_52 : i32 to vector<16xi32>
      %swap3A_54 = arith.constant 64 : index
      %swap3A_55 = tpu.vector_load %arg9[%swap3A_54] {strides = array<i32>} : memref<128xi32, #tpu.memory_space<vmem>>, vector<16xi32>,
      tpu.vector_store %arg9[%swap3A_54], %broadcast_in_dim3A_53 {strides = array<i32>} : memref<128xi32, #tpu.memory_space<vmem>>, vector<16xi32>,
      %broadcast_in_dim3A_56 = arith.constant 0 : i32
      %broadcast_in_dim3A_57 = vector.broadcast %broadcast_in_dim3A_56 : i32 to vector<16xi32>
      %swap3A_58 = arith.constant 64 : index
      %swap3A_59 = tpu.vector_load %arg13[%swap3A_58] {strides = array<i32>} : memref<128xi32, #tpu.memory_space<vmem>>, vector<16xi32>,
      tpu.vector_store %arg13[%swap3A_58], %broadcast_in_dim3A_57 {strides = array<i32>} : memref<128xi32, #tpu.memory_space<vmem>>, vector<16xi32>,
      %broadcast_in_dim3A_60 = arith.constant 0.000000e+00 : f32
      %broadcast_in_dim3A_61 = vector.broadcast %broadcast_in_dim3A_60 : f32 to vector<16xf32>
      %swap3A_62 = arith.constant 64 : index
      %swap3A_63 = tpu.vector_load %arg12[%swap3A_62] {strides = array<i32>} : memref<128xf32, #tpu.memory_space<vmem>>, vector<16xf32>,
      tpu.vector_store %arg12[%swap3A_62], %broadcast_in_dim3A_61 {strides = array<i32>} : memref<128xf32, #tpu.memory_space<vmem>>, vector<16xf32>,
      %broadcast_in_dim3A_64 = arith.constant 0 : i32
      %broadcast_in_dim3A_65 = vector.broadcast %broadcast_in_dim3A_64 : i32 to vector<16xi32>
      %swap3A_66 = arith.constant 80 : index
      %swap3A_67 = tpu.vector_load %arg9[%swap3A_66] {strides = array<i32>} : memref<128xi32, #tpu.memory_space<vmem>>, vector<16xi32>,
      tpu.vector_store %arg9[%swap3A_66], %broadcast_in_dim3A_65 {strides = array<i32>} : memref<128xi32, #tpu.memory_space<vmem>>, vector<16xi32>,
      %broadcast_in_dim3A_68 = arith.constant 0 : i32
      %broadcast_in_dim3A_69 = vector.broadcast %broadcast_in_dim3A_68 : i32 to vector<16xi32>
      %swap3A_70 = arith.constant 80 : index
      %swap3A_71 = tpu.vector_load %arg13[%swap3A_70] {strides = array<i32>} : memref<128xi32, #tpu.memory_space<vmem>>, vector<16xi32>,
      tpu.vector_store %arg13[%swap3A_70], %broadcast_in_dim3A_69 {strides = array<i32>} : memref<128xi32, #tpu.memory_space<vmem>>, vector<16xi32>,
      %broadcast_in_dim3A_72 = arith.constant 0.000000e+00 : f32
      %broadcast_in_dim3A_73 = vector.broadcast %broadcast_in_dim3A_72 : f32 to vector<16xf32>
      %swap3A_74 = arith.constant 80 : index
      %swap3A_75 = tpu.vector_load %arg12[%swap3A_74] {strides = array<i32>} : memref<128xf32, #tpu.memory_space<vmem>>, vector<16xf32>,
      tpu.vector_store %arg12[%swap3A_74], %broadcast_in_dim3A_73 {strides = array<i32>} : memref<128xf32, #tpu.memory_space<vmem>>, vector<16xf32>,
      %broadcast_in_dim3A_76 = arith.constant 0 : i32
      %broadcast_in_dim3A_77 = vector.broadcast %broadcast_in_dim3A_76 : i32 to vector<16xi32>
      %swap3A_78 = arith.constant 96 : index
      %swap3A_79 = tpu.vector_load %arg9[%swap3A_78] {strides = array<i32>} : memref<128xi32, #tpu.memory_space<vmem>>, vector<16xi32>,
      tpu.vector_store %arg9[%swap3A_78], %broadcast_in_dim3A_77 {strides = array<i32>} : memref<128xi32, #tpu.memory_space<vmem>>, vector<16xi32>,
      %broadcast_in_dim3A_80 = arith.constant 0 : i32
      %broadcast_in_dim3A_81 = vector.broadcast %broadcast_in_dim3A_80 : i32 to vector<16xi32>
      %swap3A_82 = arith.constant 96 : index
      %swap3A_83 = tpu.vector_load %arg13[%swap3A_82] {strides = array<i32>} : memref<128xi32, #tpu.memory_space<vmem>>, vector<16xi32>,
      tpu.vector_store %arg13[%swap3A_82], %broadcast_in_dim3A_81 {strides = array<i32>} : memref<128xi32, #tpu.memory_space<vmem>>, vector<16xi32>,
      %broadcast_in_dim3A_84 = arith.constant 0.000000e+00 : f32
      %broadcast_in_dim3A_85 = vector.broadcast %broadcast_in_dim3A_84 : f32 to vector<16xf32>
      %swap3A_86 = arith.constant 96 : index
      %swap3A_87 = tpu.vector_load %arg12[%swap3A_86] {strides = array<i32>} : memref<128xf32, #tpu.memory_space<vmem>>, vector<16xf32>,
      tpu.vector_store %arg12[%swap3A_86], %broadcast_in_dim3A_85 {strides = array<i32>} : memref<128xf32, #tpu.memory_space<vmem>>, vector<16xf32>,
      %broadcast_in_dim3A_88 = arith.constant 0 : i32
      %broadcast_in_dim3A_89 = vector.broadcast %broadcast_in_dim3A_88 : i32 to vector<16xi32>
      %swap3A_90 = arith.constant 112 : index
      %swap3A_91 = tpu.vector_load %arg9[%swap3A_90] {strides = array<i32>} : memref<128xi32, #tpu.memory_space<vmem>>, vector<16xi32>,
      tpu.vector_store %arg9[%swap3A_90], %broadcast_in_dim3A_89 {strides = array<i32>} : memref<128xi32, #tpu.memory_space<vmem>>, vector<16xi32>,
      %broadcast_in_dim3A_92 = arith.constant 0 : i32
      %broadcast_in_dim3A_93 = vector.broadcast %broadcast_in_dim3A_92 : i32 to vector<16xi32>
      %swap3A_94 = arith.constant 112 : index
      %swap3A_95 = tpu.vector_load %arg13[%swap3A_94] {strides = array<i32>} : memref<128xi32, #tpu.memory_space<vmem>>, vector<16xi32>,
      tpu.vector_store %arg13[%swap3A_94], %broadcast_in_dim3A_93 {strides = array<i32>} : memref<128xi32, #tpu.memory_space<vmem>>, vector<16xi32>,
      %broadcast_in_dim3A_96 = arith.constant 0.000000e+00 : f32
      %broadcast_in_dim3A_97 = vector.broadcast %broadcast_in_dim3A_96 : f32 to vector<16xf32>
      %swap3A_98 = arith.constant 112 : index
      %swap3A_99 = tpu.vector_load %arg12[%swap3A_98] {strides = array<i32>} : memref<128xf32, #tpu.memory_space<vmem>>, vector<16xf32>,
      tpu.vector_store %arg12[%swap3A_98], %broadcast_in_dim3A_97 {strides = array<i32>} : memref<128xf32, #tpu.memory_space<vmem>>, vector<16xf32>,
      %scan3A = arith.constant 0 : i32
      %scan3A_100 = arith.constant 0 : i32
      %scan3A_101 = arith.constant 32 : i32
      %scan3A_102 = arith.addi %scan3A_100, %scan3A_101 : i32
      %scan3A_103 = arith.constant 1 : i32
      %scan3A_104 = scf.for %scan3A_1261 = %scan3A_100 to %scan3A_102 step %scan3A_103 iter_args(%scan3A_1262 = %scan3A) -> (i32)  : i32 {
        %mul3A_1263 = arith.constant 16 : i32
        %mul3A_1264 = vector.broadcast %mul3A_1263 : i32 to vector<16xi32>
        %mul3A_1265 = arith.muli %iota3A, %mul3A_1264 : vector<16xi32>
        %mul3A_1266 = arith.constant 256 : i32
        %mul3A_1267 = arith.muli %scan3A_1261, %mul3A_1266 : i32
        %add3A_1268 = vector.broadcast %mul3A_1267 : i32 to vector<16xi32>
        %add3A_1269 = arith.addi %mul3A_1265, %add3A_1268 : vector<16xi32>
        %add3A_1270 = arith.constant 0 : i32
        %add3A_1271 = vector.broadcast %add3A_1270 : i32 to vector<16xi32>
        %add3A_1272 = arith.addi %add3A_1269, %add3A_1271 : vector<16xi32>
        %gather3A_1273 = tpu.vector_load_idx %arg7[%add3A_1272] : memref<8192xf32, #tpu.memory_space<vmem>>[vector<16xi32>], vector<16xf32>,
        %max3A_1274 = arith.maximumf %broadcast_in_dim3A_0, %gather3A_1273 : vector<16xf32>
        %mul3A_1275 = arith.constant 16 : i32
        %mul3A_1276 = vector.broadcast %mul3A_1275 : i32 to vector<16xi32>
        %mul3A_1277 = arith.muli %iota3A, %mul3A_1276 : vector<16xi32>
        %mul3A_1278 = arith.constant 256 : i32
        %mul3A_1279 = arith.muli %scan3A_1261, %mul3A_1278 : i32
        %add3A_1280 = vector.broadcast %mul3A_1279 : i32 to vector<16xi32>
        %add3A_1281 = arith.addi %mul3A_1277, %add3A_1280 : vector<16xi32>
        %add3A_1282 = arith.constant 1 : i32
        %add3A_1283 = vector.broadcast %add3A_1282 : i32 to vector<16xi32>
        %add3A_1284 = arith.addi %add3A_1281, %add3A_1283 : vector<16xi32>
        %gather3A_1285 = tpu.vector_load_idx %arg7[%add3A_1284] : memref<8192xf32, #tpu.memory_space<vmem>>[vector<16xi32>], vector<16xf32>,
        %max3A_1286 = arith.maximumf %max3A_1274, %gather3A_1285 : vector<16xf32>
        %mul3A_1287 = arith.constant 16 : i32
        %mul3A_1288 = vector.broadcast %mul3A_1287 : i32 to vector<16xi32>
        %mul3A_1289 = arith.muli %iota3A, %mul3A_1288 : vector<16xi32>
        %mul3A_1290 = arith.constant 256 : i32
        %mul3A_1291 = arith.muli %scan3A_1261, %mul3A_1290 : i32
        %add3A_1292 = vector.broadcast %mul3A_1291 : i32 to vector<16xi32>
        %add3A_1293 = arith.addi %mul3A_1289, %add3A_1292 : vector<16xi32>
        %add3A_1294 = arith.constant 2 : i32
        %add3A_1295 = vector.broadcast %add3A_1294 : i32 to vector<16xi32>
        %add3A_1296 = arith.addi %add3A_1293, %add3A_1295 : vector<16xi32>
        %gather3A_1297 = tpu.vector_load_idx %arg7[%add3A_1296] : memref<8192xf32, #tpu.memory_space<vmem>>[vector<16xi32>], vector<16xf32>,
        %max3A_1298 = arith.maximumf %max3A_1286, %gather3A_1297 : vector<16xf32>
        %mul3A_1299 = arith.constant 16 : i32
        %mul3A_1300 = vector.broadcast %mul3A_1299 : i32 to vector<16xi32>
        %mul3A_1301 = arith.muli %iota3A, %mul3A_1300 : vector<16xi32>
        %mul3A_1302 = arith.constant 256 : i32
        %mul3A_1303 = arith.muli %scan3A_1261, %mul3A_1302 : i32
        %add3A_1304 = vector.broadcast %mul3A_1303 : i32 to vector<16xi32>
        %add3A_1305 = arith.addi %mul3A_1301, %add3A_1304 : vector<16xi32>
        %add3A_1306 = arith.constant 3 : i32
        %add3A_1307 = vector.broadcast %add3A_1306 : i32 to vector<16xi32>
        %add3A_1308 = arith.addi %add3A_1305, %add3A_1307 : vector<16xi32>
        %gather3A_1309 = tpu.vector_load_idx %arg7[%add3A_1308] : memref<8192xf32, #tpu.memory_space<vmem>>[vector<16xi32>], vector<16xf32>,
        %max3A_1310 = arith.maximumf %max3A_1298, %gather3A_1309 : vector<16xf32>
        %mul3A_1311 = arith.constant 16 : i32
        %mul3A_1312 = vector.broadcast %mul3A_1311 : i32 to vector<16xi32>
        %mul3A_1313 = arith.muli %iota3A, %mul3A_1312 : vector<16xi32>
        %mul3A_1314 = arith.constant 256 : i32
        %mul3A_1315 = arith.muli %scan3A_1261, %mul3A_1314 : i32
        %add3A_1316 = vector.broadcast %mul3A_1315 : i32 to vector<16xi32>
        %add3A_1317 = arith.addi %mul3A_1313, %add3A_1316 : vector<16xi32>
        %add3A_1318 = arith.constant 4 : i32
        %add3A_1319 = vector.broadcast %add3A_1318 : i32 to vector<16xi32>
        %add3A_1320 = arith.addi %add3A_1317, %add3A_1319 : vector<16xi32>
        %gather3A_1321 = tpu.vector_load_idx %arg7[%add3A_1320] : memref<8192xf32, #tpu.memory_space<vmem>>[vector<16xi32>], vector<16xf32>,
        %max3A_1322 = arith.maximumf %max3A_1310, %gather3A_1321 : vector<16xf32>
        %mul3A_1323 = arith.constant 16 : i32
        %mul3A_1324 = vector.broadcast %mul3A_1323 : i32 to vector<16xi32>
        %mul3A_1325 = arith.muli %iota3A, %mul3A_1324 : vector<16xi32>
        %mul3A_1326 = arith.constant 256 : i32
        %mul3A_1327 = arith.muli %scan3A_1261, %mul3A_1326 : i32
        %add3A_1328 = vector.broadcast %mul3A_1327 : i32 to vector<16xi32>
        %add3A_1329 = arith.addi %mul3A_1325, %add3A_1328 : vector<16xi32>
        %add3A_1330 = arith.constant 5 : i32
        %add3A_1331 = vector.broadcast %add3A_1330 : i32 to vector<16xi32>
        %add3A_1332 = arith.addi %add3A_1329, %add3A_1331 : vector<16xi32>
        %gather3A_1333 = tpu.vector_load_idx %arg7[%add3A_1332] : memref<8192xf32, #tpu.memory_space<vmem>>[vector<16xi32>], vector<16xf32>,
        %max3A_1334 = arith.maximumf %max3A_1322, %gather3A_1333 : vector<16xf32>
        %mul3A_1335 = arith.constant 16 : i32
        %mul3A_1336 = vector.broadcast %mul3A_1335 : i32 to vector<16xi32>
        %mul3A_1337 = arith.muli %iota3A, %mul3A_1336 : vector<16xi32>
        %mul3A_1338 = arith.constant 256 : i32
        %mul3A_1339 = arith.muli %scan3A_1261, %mul3A_1338 : i32
        %add3A_1340 = vector.broadcast %mul3A_1339 : i32 to vector<16xi32>
        %add3A_1341 = arith.addi %mul3A_1337, %add3A_1340 : vector<16xi32>
        %add3A_1342 = arith.constant 6 : i32
        %add3A_1343 = vector.broadcast %add3A_1342 : i32 to vector<16xi32>
        %add3A_1344 = arith.addi %add3A_1341, %add3A_1343 : vector<16xi32>
        %gather3A_1345 = tpu.vector_load_idx %arg7[%add3A_1344] : memref<8192xf32, #tpu.memory_space<vmem>>[vector<16xi32>], vector<16xf32>,
        %max3A_1346 = arith.maximumf %max3A_1334, %gather3A_1345 : vector<16xf32>
        %mul3A_1347 = arith.constant 16 : i32
        %mul3A_1348 = vector.broadcast %mul3A_1347 : i32 to vector<16xi32>
        %mul3A_1349 = arith.muli %iota3A, %mul3A_1348 : vector<16xi32>
        %mul3A_1350 = arith.constant 256 : i32
        %mul3A_1351 = arith.muli %scan3A_1261, %mul3A_1350 : i32
        %add3A_1352 = vector.broadcast %mul3A_1351 : i32 to vector<16xi32>
        %add3A_1353 = arith.addi %mul3A_1349, %add3A_1352 : vector<16xi32>
        %add3A_1354 = arith.constant 7 : i32
        %add3A_1355 = vector.broadcast %add3A_1354 : i32 to vector<16xi32>
        %add3A_1356 = arith.addi %add3A_1353, %add3A_1355 : vector<16xi32>
        %gather3A_1357 = tpu.vector_load_idx %arg7[%add3A_1356] : memref<8192xf32, #tpu.memory_space<vmem>>[vector<16xi32>], vector<16xf32>,
        %max3A_1358 = arith.maximumf %max3A_1346, %gather3A_1357 : vector<16xf32>
        %mul3A_1359 = arith.constant 16 : i32
        %mul3A_1360 = vector.broadcast %mul3A_1359 : i32 to vector<16xi32>
        %mul3A_1361 = arith.muli %iota3A, %mul3A_1360 : vector<16xi32>
        %mul3A_1362 = arith.constant 256 : i32
        %mul3A_1363 = arith.muli %scan3A_1261, %mul3A_1362 : i32
        %add3A_1364 = vector.broadcast %mul3A_1363 : i32 to vector<16xi32>
        %add3A_1365 = arith.addi %mul3A_1361, %add3A_1364 : vector<16xi32>
        %add3A_1366 = arith.constant 8 : i32
        %add3A_1367 = vector.broadcast %add3A_1366 : i32 to vector<16xi32>
        %add3A_1368 = arith.addi %add3A_1365, %add3A_1367 : vector<16xi32>
        %gather3A_1369 = tpu.vector_load_idx %arg7[%add3A_1368] : memref<8192xf32, #tpu.memory_space<vmem>>[vector<16xi32>], vector<16xf32>,
        %max3A_1370 = arith.maximumf %max3A_1358, %gather3A_1369 : vector<16xf32>
        %mul3A_1371 = arith.constant 16 : i32
        %mul3A_1372 = vector.broadcast %mul3A_1371 : i32 to vector<16xi32>
        %mul3A_1373 = arith.muli %iota3A, %mul3A_1372 : vector<16xi32>
        %mul3A_1374 = arith.constant 256 : i32
        %mul3A_1375 = arith.muli %scan3A_1261, %mul3A_1374 : i32
        %add3A_1376 = vector.broadcast %mul3A_1375 : i32 to vector<16xi32>
        %add3A_1377 = arith.addi %mul3A_1373, %add3A_1376 : vector<16xi32>
        %add3A_1378 = arith.constant 9 : i32
        %add3A_1379 = vector.broadcast %add3A_1378 : i32 to vector<16xi32>
        %add3A_1380 = arith.addi %add3A_1377, %add3A_1379 : vector<16xi32>
        %gather3A_1381 = tpu.vector_load_idx %arg7[%add3A_1380] : memref<8192xf32, #tpu.memory_space<vmem>>[vector<16xi32>], vector<16xf32>,
        %max3A_1382 = arith.maximumf %max3A_1370, %gather3A_1381 : vector<16xf32>
        %mul3A_1383 = arith.constant 16 : i32
        %mul3A_1384 = vector.broadcast %mul3A_1383 : i32 to vector<16xi32>
        %mul3A_1385 = arith.muli %iota3A, %mul3A_1384 : vector<16xi32>
        %mul3A_1386 = arith.constant 256 : i32
        %mul3A_1387 = arith.muli %scan3A_1261, %mul3A_1386 : i32
        %add3A_1388 = vector.broadcast %mul3A_1387 : i32 to vector<16xi32>
        %add3A_1389 = arith.addi %mul3A_1385, %add3A_1388 : vector<16xi32>
        %add3A_1390 = arith.constant 10 : i32
        %add3A_1391 = vector.broadcast %add3A_1390 : i32 to vector<16xi32>
        %add3A_1392 = arith.addi %add3A_1389, %add3A_1391 : vector<16xi32>
        %gather3A_1393 = tpu.vector_load_idx %arg7[%add3A_1392] : memref<8192xf32, #tpu.memory_space<vmem>>[vector<16xi32>], vector<16xf32>,
        %max3A_1394 = arith.maximumf %max3A_1382, %gather3A_1393 : vector<16xf32>
        %mul3A_1395 = arith.constant 16 : i32
        %mul3A_1396 = vector.broadcast %mul3A_1395 : i32 to vector<16xi32>
        %mul3A_1397 = arith.muli %iota3A, %mul3A_1396 : vector<16xi32>
        %mul3A_1398 = arith.constant 256 : i32
        %mul3A_1399 = arith.muli %scan3A_1261, %mul3A_1398 : i32
        %add3A_1400 = vector.broadcast %mul3A_1399 : i32 to vector<16xi32>
        %add3A_1401 = arith.addi %mul3A_1397, %add3A_1400 : vector<16xi32>
        %add3A_1402 = arith.constant 11 : i32
        %add3A_1403 = vector.broadcast %add3A_1402 : i32 to vector<16xi32>
        %add3A_1404 = arith.addi %add3A_1401, %add3A_1403 : vector<16xi32>
        %gather3A_1405 = tpu.vector_load_idx %arg7[%add3A_1404] : memref<8192xf32, #tpu.memory_space<vmem>>[vector<16xi32>], vector<16xf32>,
        %max3A_1406 = arith.maximumf %max3A_1394, %gather3A_1405 : vector<16xf32>
        %mul3A_1407 = arith.constant 16 : i32
        %mul3A_1408 = vector.broadcast %mul3A_1407 : i32 to vector<16xi32>
        %mul3A_1409 = arith.muli %iota3A, %mul3A_1408 : vector<16xi32>
        %mul3A_1410 = arith.constant 256 : i32
        %mul3A_1411 = arith.muli %scan3A_1261, %mul3A_1410 : i32
        %add3A_1412 = vector.broadcast %mul3A_1411 : i32 to vector<16xi32>
        %add3A_1413 = arith.addi %mul3A_1409, %add3A_1412 : vector<16xi32>
        %add3A_1414 = arith.constant 12 : i32
        %add3A_1415 = vector.broadcast %add3A_1414 : i32 to vector<16xi32>
        %add3A_1416 = arith.addi %add3A_1413, %add3A_1415 : vector<16xi32>
        %gather3A_1417 = tpu.vector_load_idx %arg7[%add3A_1416] : memref<8192xf32, #tpu.memory_space<vmem>>[vector<16xi32>], vector<16xf32>,
        %max3A_1418 = arith.maximumf %max3A_1406, %gather3A_1417 : vector<16xf32>
        %mul3A_1419 = arith.constant 16 : i32
        %mul3A_1420 = vector.broadcast %mul3A_1419 : i32 to vector<16xi32>
        %mul3A_1421 = arith.muli %iota3A, %mul3A_1420 : vector<16xi32>
        %mul3A_1422 = arith.constant 256 : i32
        %mul3A_1423 = arith.muli %scan3A_1261, %mul3A_1422 : i32
        %add3A_1424 = vector.broadcast %mul3A_1423 : i32 to vector<16xi32>
        %add3A_1425 = arith.addi %mul3A_1421, %add3A_1424 : vector<16xi32>
        %add3A_1426 = arith.constant 13 : i32
        %add3A_1427 = vector.broadcast %add3A_1426 : i32 to vector<16xi32>
        %add3A_1428 = arith.addi %add3A_1425, %add3A_1427 : vector<16xi32>
        %gather3A_1429 = tpu.vector_load_idx %arg7[%add3A_1428] : memref<8192xf32, #tpu.memory_space<vmem>>[vector<16xi32>], vector<16xf32>,
        %max3A_1430 = arith.maximumf %max3A_1418, %gather3A_1429 : vector<16xf32>
        %mul3A_1431 = arith.constant 16 : i32
        %mul3A_1432 = vector.broadcast %mul3A_1431 : i32 to vector<16xi32>
        %mul3A_1433 = arith.muli %iota3A, %mul3A_1432 : vector<16xi32>
        %mul3A_1434 = arith.constant 256 : i32
        %mul3A_1435 = arith.muli %scan3A_1261, %mul3A_1434 : i32
        %add3A_1436 = vector.broadcast %mul3A_1435 : i32 to vector<16xi32>
        %add3A_1437 = arith.addi %mul3A_1433, %add3A_1436 : vector<16xi32>
        %add3A_1438 = arith.constant 14 : i32
        %add3A_1439 = vector.broadcast %add3A_1438 : i32 to vector<16xi32>
        %add3A_1440 = arith.addi %add3A_1437, %add3A_1439 : vector<16xi32>
        %gather3A_1441 = tpu.vector_load_idx %arg7[%add3A_1440] : memref<8192xf32, #tpu.memory_space<vmem>>[vector<16xi32>], vector<16xf32>,
        %max3A_1442 = arith.maximumf %max3A_1430, %gather3A_1441 : vector<16xf32>
        %mul3A_1443 = arith.constant 16 : i32
        %mul3A_1444 = vector.broadcast %mul3A_1443 : i32 to vector<16xi32>
        %mul3A_1445 = arith.muli %iota3A, %mul3A_1444 : vector<16xi32>
        %mul3A_1446 = arith.constant 256 : i32
        %mul3A_1447 = arith.muli %scan3A_1261, %mul3A_1446 : i32
        %add3A_1448 = vector.broadcast %mul3A_1447 : i32 to vector<16xi32>
        %add3A_1449 = arith.addi %mul3A_1445, %add3A_1448 : vector<16xi32>
        %add3A_1450 = arith.constant 15 : i32
        %add3A_1451 = vector.broadcast %add3A_1450 : i32 to vector<16xi32>
        %add3A_1452 = arith.addi %add3A_1449, %add3A_1451 : vector<16xi32>
        %gather3A_1453 = tpu.vector_load_idx %arg7[%add3A_1452] : memref<8192xf32, #tpu.memory_space<vmem>>[vector<16xi32>], vector<16xf32>,
        %max3A_1454 = arith.maximumf %max3A_1442, %gather3A_1453 : vector<16xf32>
        %mul3A_1455 = arith.constant 16 : i32
        %mul3A_1456 = arith.muli %scan3A_1261, %mul3A_1455 : i32
        %swap3A_1457 = arith.index_cast %mul3A_1456 : i32 to index
        %swap3A_1458 = tpu.vector_load %arg8[%swap3A_1457] {strides = array<i32>} : memref<528xf32, #tpu.memory_space<vmem>>, vector<16xf32>,
        tpu.vector_store %arg8[%swap3A_1457], %max3A_1454 {strides = array<i32>} : memref<528xf32, #tpu.memory_space<vmem>>, vector<16xf32>,
        %scan3A_1459 = arith.constant 0 : i32
        scf.yield %scan3A_1459 : i32
      }
      %scan3A_105 = arith.constant 32 : i32
      %mul3A = arith.constant 16 : i32
      %mul3A_106 = vector.broadcast %mul3A : i32 to vector<16xi32>
      %mul3A_107 = arith.muli %iota3A, %mul3A_106 : vector<16xi32>
      %add3A = arith.constant 0 : i32
      %add3A_108 = vector.broadcast %add3A : i32 to vector<16xi32>
      %add3A_109 = arith.addi %mul3A_107, %add3A_108 : vector<16xi32>
      %add3A_110 = arith.constant 0 : i32
      %add3A_111 = vector.broadcast %add3A_110 : i32 to vector<16xi32>
      %add3A_112 = arith.addi %add3A_109, %add3A_111 : vector<16xi32>
      %gather3A = tpu.vector_load_idx %arg8[%add3A_112] : memref<528xf32, #tpu.memory_space<vmem>>[vector<16xi32>], vector<16xf32>,
      %max3A = arith.maximumf %broadcast_in_dim3A_0, %gather3A : vector<16xf32>
      %mul3A_113 = arith.constant 16 : i32
      %mul3A_114 = vector.broadcast %mul3A_113 : i32 to vector<16xi32>
      %mul3A_115 = arith.muli %iota3A, %mul3A_114 : vector<16xi32>
      %add3A_116 = arith.constant 0 : i32
      %add3A_117 = vector.broadcast %add3A_116 : i32 to vector<16xi32>
      %add3A_118 = arith.addi %mul3A_115, %add3A_117 : vector<16xi32>
      %add3A_119 = arith.constant 1 : i32
      %add3A_120 = vector.broadcast %add3A_119 : i32 to vector<16xi32>
      %add3A_121 = arith.addi %add3A_118, %add3A_120 : vector<16xi32>
      %gather3A_122 = tpu.vector_load_idx %arg8[%add3A_121] : memref<528xf32, #tpu.memory_space<vmem>>[vector<16xi32>], vector<16xf32>,
      %max3A_123 = arith.maximumf %max3A, %gather3A_122 : vector<16xf32>
      %mul3A_124 = arith.constant 16 : i32
      %mul3A_125 = vector.broadcast %mul3A_124 : i32 to vector<16xi32>
      %mul3A_126 = arith.muli %iota3A, %mul3A_125 : vector<16xi32>
      %add3A_127 = arith.constant 0 : i32
      %add3A_128 = vector.broadcast %add3A_127 : i32 to vector<16xi32>
      %add3A_129 = arith.addi %mul3A_126, %add3A_128 : vector<16xi32>
      %add3A_130 = arith.constant 2 : i32
      %add3A_131 = vector.broadcast %add3A_130 : i32 to vector<16xi32>
      %add3A_132 = arith.addi %add3A_129, %add3A_131 : vector<16xi32>
      %gather3A_133 = tpu.vector_load_idx %arg8[%add3A_132] : memref<528xf32, #tpu.memory_space<vmem>>[vector<16xi32>], vector<16xf32>,
      %max3A_134 = arith.maximumf %max3A_123, %gather3A_133 : vector<16xf32>
      %mul3A_135 = arith.constant 16 : i32
      %mul3A_136 = vector.broadcast %mul3A_135 : i32 to vector<16xi32>
      %mul3A_137 = arith.muli %iota3A, %mul3A_136 : vector<16xi32>
      %add3A_138 = arith.constant 0 : i32
      %add3A_139 = vector.broadcast %add3A_138 : i32 to vector<16xi32>
      %add3A_140 = arith.addi %mul3A_137, %add3A_139 : vector<16xi32>
      %add3A_141 = arith.constant 3 : i32
      %add3A_142 = vector.broadcast %add3A_141 : i32 to vector<16xi32>
      %add3A_143 = arith.addi %add3A_140, %add3A_142 : vector<16xi32>
      %gather3A_144 = tpu.vector_load_idx %arg8[%add3A_143] : memref<528xf32, #tpu.memory_space<vmem>>[vector<16xi32>], vector<16xf32>,
      %max3A_145 = arith.maximumf %max3A_134, %gather3A_144 : vector<16xf32>
      %mul3A_146 = arith.constant 16 : i32
      %mul3A_147 = vector.broadcast %mul3A_146 : i32 to vector<16xi32>
      %mul3A_148 = arith.muli %iota3A, %mul3A_147 : vector<16xi32>
      %add3A_149 = arith.constant 0 : i32
      %add3A_150 = vector.broadcast %add3A_149 : i32 to vector<16xi32>
      %add3A_151 = arith.addi %mul3A_148, %add3A_150 : vector<16xi32>
      %add3A_152 = arith.constant 4 : i32
      %add3A_153 = vector.broadcast %add3A_152 : i32 to vector<16xi32>
      %add3A_154 = arith.addi %add3A_151, %add3A_153 : vector<16xi32>
      %gather3A_155 = tpu.vector_load_idx %arg8[%add3A_154] : memref<528xf32, #tpu.memory_space<vmem>>[vector<16xi32>], vector<16xf32>,
      %max3A_156 = arith.maximumf %max3A_145, %gather3A_155 : vector<16xf32>
      %mul3A_157 = arith.constant 16 : i32
      %mul3A_158 = vector.broadcast %mul3A_157 : i32 to vector<16xi32>
      %mul3A_159 = arith.muli %iota3A, %mul3A_158 : vector<16xi32>
      %add3A_160 = arith.constant 0 : i32
      %add3A_161 = vector.broadcast %add3A_160 : i32 to vector<16xi32>
      %add3A_162 = arith.addi %mul3A_159, %add3A_161 : vector<16xi32>
      %add3A_163 = arith.constant 5 : i32
      %add3A_164 = vector.broadcast %add3A_163 : i32 to vector<16xi32>
      %add3A_165 = arith.addi %add3A_162, %add3A_164 : vector<16xi32>
      %gather3A_166 = tpu.vector_load_idx %arg8[%add3A_165] : memref<528xf32, #tpu.memory_space<vmem>>[vector<16xi32>], vector<16xf32>,
      %max3A_167 = arith.maximumf %max3A_156, %gather3A_166 : vector<16xf32>
      %mul3A_168 = arith.constant 16 : i32
      %mul3A_169 = vector.broadcast %mul3A_168 : i32 to vector<16xi32>
      %mul3A_170 = arith.muli %iota3A, %mul3A_169 : vector<16xi32>
      %add3A_171 = arith.constant 0 : i32
      %add3A_172 = vector.broadcast %add3A_171 : i32 to vector<16xi32>
      %add3A_173 = arith.addi %mul3A_170, %add3A_172 : vector<16xi32>
      %add3A_174 = arith.constant 6 : i32
      %add3A_175 = vector.broadcast %add3A_174 : i32 to vector<16xi32>
      %add3A_176 = arith.addi %add3A_173, %add3A_175 : vector<16xi32>
      %gather3A_177 = tpu.vector_load_idx %arg8[%add3A_176] : memref<528xf32, #tpu.memory_space<vmem>>[vector<16xi32>], vector<16xf32>,
      %max3A_178 = arith.maximumf %max3A_167, %gather3A_177 : vector<16xf32>
      %mul3A_179 = arith.constant 16 : i32
      %mul3A_180 = vector.broadcast %mul3A_179 : i32 to vector<16xi32>
      %mul3A_181 = arith.muli %iota3A, %mul3A_180 : vector<16xi32>
      %add3A_182 = arith.constant 0 : i32
      %add3A_183 = vector.broadcast %add3A_182 : i32 to vector<16xi32>
      %add3A_184 = arith.addi %mul3A_181, %add3A_183 : vector<16xi32>
      %add3A_185 = arith.constant 7 : i32
      %add3A_186 = vector.broadcast %add3A_185 : i32 to vector<16xi32>
      %add3A_187 = arith.addi %add3A_184, %add3A_186 : vector<16xi32>
      %gather3A_188 = tpu.vector_load_idx %arg8[%add3A_187] : memref<528xf32, #tpu.memory_space<vmem>>[vector<16xi32>], vector<16xf32>,
      %max3A_189 = arith.maximumf %max3A_178, %gather3A_188 : vector<16xf32>
      %mul3A_190 = arith.constant 16 : i32
      %mul3A_191 = vector.broadcast %mul3A_190 : i32 to vector<16xi32>
      %mul3A_192 = arith.muli %iota3A, %mul3A_191 : vector<16xi32>
      %add3A_193 = arith.constant 0 : i32
      %add3A_194 = vector.broadcast %add3A_193 : i32 to vector<16xi32>
      %add3A_195 = arith.addi %mul3A_192, %add3A_194 : vector<16xi32>
      %add3A_196 = arith.constant 8 : i32
      %add3A_197 = vector.broadcast %add3A_196 : i32 to vector<16xi32>
      %add3A_198 = arith.addi %add3A_195, %add3A_197 : vector<16xi32>
      %gather3A_199 = tpu.vector_load_idx %arg8[%add3A_198] : memref<528xf32, #tpu.memory_space<vmem>>[vector<16xi32>], vector<16xf32>,
      %max3A_200 = arith.maximumf %max3A_189, %gather3A_199 : vector<16xf32>
      %mul3A_201 = arith.constant 16 : i32
      %mul3A_202 = vector.broadcast %mul3A_201 : i32 to vector<16xi32>
      %mul3A_203 = arith.muli %iota3A, %mul3A_202 : vector<16xi32>
      %add3A_204 = arith.constant 0 : i32
      %add3A_205 = vector.broadcast %add3A_204 : i32 to vector<16xi32>
      %add3A_206 = arith.addi %mul3A_203, %add3A_205 : vector<16xi32>
      %add3A_207 = arith.constant 9 : i32
      %add3A_208 = vector.broadcast %add3A_207 : i32 to vector<16xi32>
      %add3A_209 = arith.addi %add3A_206, %add3A_208 : vector<16xi32>
      %gather3A_210 = tpu.vector_load_idx %arg8[%add3A_209] : memref<528xf32, #tpu.memory_space<vmem>>[vector<16xi32>], vector<16xf32>,
      %max3A_211 = arith.maximumf %max3A_200, %gather3A_210 : vector<16xf32>
      %mul3A_212 = arith.constant 16 : i32
      %mul3A_213 = vector.broadcast %mul3A_212 : i32 to vector<16xi32>
      %mul3A_214 = arith.muli %iota3A, %mul3A_213 : vector<16xi32>
      %add3A_215 = arith.constant 0 : i32
      %add3A_216 = vector.broadcast %add3A_215 : i32 to vector<16xi32>
      %add3A_217 = arith.addi %mul3A_214, %add3A_216 : vector<16xi32>
      %add3A_218 = arith.constant 10 : i32
      %add3A_219 = vector.broadcast %add3A_218 : i32 to vector<16xi32>
      %add3A_220 = arith.addi %add3A_217, %add3A_219 : vector<16xi32>
      %gather3A_221 = tpu.vector_load_idx %arg8[%add3A_220] : memref<528xf32, #tpu.memory_space<vmem>>[vector<16xi32>], vector<16xf32>,
      %max3A_222 = arith.maximumf %max3A_211, %gather3A_221 : vector<16xf32>
      %mul3A_223 = arith.constant 16 : i32
      %mul3A_224 = vector.broadcast %mul3A_223 : i32 to vector<16xi32>
      %mul3A_225 = arith.muli %iota3A, %mul3A_224 : vector<16xi32>
      %add3A_226 = arith.constant 0 : i32
      %add3A_227 = vector.broadcast %add3A_226 : i32 to vector<16xi32>
      %add3A_228 = arith.addi %mul3A_225, %add3A_227 : vector<16xi32>
      %add3A_229 = arith.constant 11 : i32
      %add3A_230 = vector.broadcast %add3A_229 : i32 to vector<16xi32>
      %add3A_231 = arith.addi %add3A_228, %add3A_230 : vector<16xi32>
      %gather3A_232 = tpu.vector_load_idx %arg8[%add3A_231] : memref<528xf32, #tpu.memory_space<vmem>>[vector<16xi32>], vector<16xf32>,
      %max3A_233 = arith.maximumf %max3A_222, %gather3A_232 : vector<16xf32>
      %mul3A_234 = arith.constant 16 : i32
      %mul3A_235 = vector.broadcast %mul3A_234 : i32 to vector<16xi32>
      %mul3A_236 = arith.muli %iota3A, %mul3A_235 : vector<16xi32>
      %add3A_237 = arith.constant 0 : i32
      %add3A_238 = vector.broadcast %add3A_237 : i32 to vector<16xi32>
      %add3A_239 = arith.addi %mul3A_236, %add3A_238 : vector<16xi32>
      %add3A_240 = arith.constant 12 : i32
      %add3A_241 = vector.broadcast %add3A_240 : i32 to vector<16xi32>
      %add3A_242 = arith.addi %add3A_239, %add3A_241 : vector<16xi32>
      %gather3A_243 = tpu.vector_load_idx %arg8[%add3A_242] : memref<528xf32, #tpu.memory_space<vmem>>[vector<16xi32>], vector<16xf32>,
      %max3A_244 = arith.maximumf %max3A_233, %gather3A_243 : vector<16xf32>
      %mul3A_245 = arith.constant 16 : i32
      %mul3A_246 = vector.broadcast %mul3A_245 : i32 to vector<16xi32>
      %mul3A_247 = arith.muli %iota3A, %mul3A_246 : vector<16xi32>
      %add3A_248 = arith.constant 0 : i32
      %add3A_249 = vector.broadcast %add3A_248 : i32 to vector<16xi32>
      %add3A_250 = arith.addi %mul3A_247, %add3A_249 : vector<16xi32>
      %add3A_251 = arith.constant 13 : i32
      %add3A_252 = vector.broadcast %add3A_251 : i32 to vector<16xi32>
      %add3A_253 = arith.addi %add3A_250, %add3A_252 : vector<16xi32>
      %gather3A_254 = tpu.vector_load_idx %arg8[%add3A_253] : memref<528xf32, #tpu.memory_space<vmem>>[vector<16xi32>], vector<16xf32>,
      %max3A_255 = arith.maximumf %max3A_244, %gather3A_254 : vector<16xf32>
      %mul3A_256 = arith.constant 16 : i32
      %mul3A_257 = vector.broadcast %mul3A_256 : i32 to vector<16xi32>
      %mul3A_258 = arith.muli %iota3A, %mul3A_257 : vector<16xi32>
      %add3A_259 = arith.constant 0 : i32
      %add3A_260 = vector.broadcast %add3A_259 : i32 to vector<16xi32>
      %add3A_261 = arith.addi %mul3A_258, %add3A_260 : vector<16xi32>
      %add3A_262 = arith.constant 14 : i32
      %add3A_263 = vector.broadcast %add3A_262 : i32 to vector<16xi32>
      %add3A_264 = arith.addi %add3A_261, %add3A_263 : vector<16xi32>
      %gather3A_265 = tpu.vector_load_idx %arg8[%add3A_264] : memref<528xf32, #tpu.memory_space<vmem>>[vector<16xi32>], vector<16xf32>,
      %max3A_266 = arith.maximumf %max3A_255, %gather3A_265 : vector<16xf32>
      %mul3A_267 = arith.constant 16 : i32
      %mul3A_268 = vector.broadcast %mul3A_267 : i32 to vector<16xi32>
      %mul3A_269 = arith.muli %iota3A, %mul3A_268 : vector<16xi32>
      %add3A_270 = arith.constant 0 : i32
      %add3A_271 = vector.broadcast %add3A_270 : i32 to vector<16xi32>
      %add3A_272 = arith.addi %mul3A_269, %add3A_271 : vector<16xi32>
      %add3A_273 = arith.constant 15 : i32
      %add3A_274 = vector.broadcast %add3A_273 : i32 to vector<16xi32>
      %add3A_275 = arith.addi %add3A_272, %add3A_274 : vector<16xi32>
      %gather3A_276 = tpu.vector_load_idx %arg8[%add3A_275] : memref<528xf32, #tpu.memory_space<vmem>>[vector<16xi32>], vector<16xf32>,
      %max3A_277 = arith.maximumf %max3A_266, %gather3A_276 : vector<16xf32>
      %mul3A_278 = arith.constant 16 : i32
      %mul3A_279 = vector.broadcast %mul3A_278 : i32 to vector<16xi32>
      %mul3A_280 = arith.muli %iota3A, %mul3A_279 : vector<16xi32>
      %add3A_281 = arith.constant 256 : i32
      %add3A_282 = vector.broadcast %add3A_281 : i32 to vector<16xi32>
      %add3A_283 = arith.addi %mul3A_280, %add3A_282 : vector<16xi32>
      %add3A_284 = arith.constant 0 : i32
      %add3A_285 = vector.broadcast %add3A_284 : i32 to vector<16xi32>
      %add3A_286 = arith.addi %add3A_283, %add3A_285 : vector<16xi32>
      %gather3A_287 = tpu.vector_load_idx %arg8[%add3A_286] : memref<528xf32, #tpu.memory_space<vmem>>[vector<16xi32>], vector<16xf32>,
      %max3A_288 = arith.maximumf %broadcast_in_dim3A_0, %gather3A_287 : vector<16xf32>
      %mul3A_289 = arith.constant 16 : i32
      %mul3A_290 = vector.broadcast %mul3A_289 : i32 to vector<16xi32>
      %mul3A_291 = arith.muli %iota3A, %mul3A_290 : vector<16xi32>
      %add3A_292 = arith.constant 256 : i32
      %add3A_293 = vector.broadcast %add3A_292 : i32 to vector<16xi32>
      %add3A_294 = arith.addi %mul3A_291, %add3A_293 : vector<16xi32>
      %add3A_295 = arith.constant 1 : i32
      %add3A_296 = vector.broadcast %add3A_295 : i32 to vector<16xi32>
      %add3A_297 = arith.addi %add3A_294, %add3A_296 : vector<16xi32>
      %gather3A_298 = tpu.vector_load_idx %arg8[%add3A_297] : memref<528xf32, #tpu.memory_space<vmem>>[vector<16xi32>], vector<16xf32>,
      %max3A_299 = arith.maximumf %max3A_288, %gather3A_298 : vector<16xf32>
      %mul3A_300 = arith.constant 16 : i32
      %mul3A_301 = vector.broadcast %mul3A_300 : i32 to vector<16xi32>
      %mul3A_302 = arith.muli %iota3A, %mul3A_301 : vector<16xi32>
      %add3A_303 = arith.constant 256 : i32
      %add3A_304 = vector.broadcast %add3A_303 : i32 to vector<16xi32>
      %add3A_305 = arith.addi %mul3A_302, %add3A_304 : vector<16xi32>
      %add3A_306 = arith.constant 2 : i32
      %add3A_307 = vector.broadcast %add3A_306 : i32 to vector<16xi32>
      %add3A_308 = arith.addi %add3A_305, %add3A_307 : vector<16xi32>
      %gather3A_309 = tpu.vector_load_idx %arg8[%add3A_308] : memref<528xf32, #tpu.memory_space<vmem>>[vector<16xi32>], vector<16xf32>,
      %max3A_310 = arith.maximumf %max3A_299, %gather3A_309 : vector<16xf32>
      %mul3A_311 = arith.constant 16 : i32
      %mul3A_312 = vector.broadcast %mul3A_311 : i32 to vector<16xi32>
      %mul3A_313 = arith.muli %iota3A, %mul3A_312 : vector<16xi32>
      %add3A_314 = arith.constant 256 : i32
      %add3A_315 = vector.broadcast %add3A_314 : i32 to vector<16xi32>
      %add3A_316 = arith.addi %mul3A_313, %add3A_315 : vector<16xi32>
      %add3A_317 = arith.constant 3 : i32
      %add3A_318 = vector.broadcast %add3A_317 : i32 to vector<16xi32>
      %add3A_319 = arith.addi %add3A_316, %add3A_318 : vector<16xi32>
      %gather3A_320 = tpu.vector_load_idx %arg8[%add3A_319] : memref<528xf32, #tpu.memory_space<vmem>>[vector<16xi32>], vector<16xf32>,
      %max3A_321 = arith.maximumf %max3A_310, %gather3A_320 : vector<16xf32>
      %mul3A_322 = arith.constant 16 : i32
      %mul3A_323 = vector.broadcast %mul3A_322 : i32 to vector<16xi32>
      %mul3A_324 = arith.muli %iota3A, %mul3A_323 : vector<16xi32>
      %add3A_325 = arith.constant 256 : i32
      %add3A_326 = vector.broadcast %add3A_325 : i32 to vector<16xi32>
      %add3A_327 = arith.addi %mul3A_324, %add3A_326 : vector<16xi32>
      %add3A_328 = arith.constant 4 : i32
      %add3A_329 = vector.broadcast %add3A_328 : i32 to vector<16xi32>
      %add3A_330 = arith.addi %add3A_327, %add3A_329 : vector<16xi32>
      %gather3A_331 = tpu.vector_load_idx %arg8[%add3A_330] : memref<528xf32, #tpu.memory_space<vmem>>[vector<16xi32>], vector<16xf32>,
      %max3A_332 = arith.maximumf %max3A_321, %gather3A_331 : vector<16xf32>
      %mul3A_333 = arith.constant 16 : i32
      %mul3A_334 = vector.broadcast %mul3A_333 : i32 to vector<16xi32>
      %mul3A_335 = arith.muli %iota3A, %mul3A_334 : vector<16xi32>
      %add3A_336 = arith.constant 256 : i32
      %add3A_337 = vector.broadcast %add3A_336 : i32 to vector<16xi32>
      %add3A_338 = arith.addi %mul3A_335, %add3A_337 : vector<16xi32>
      %add3A_339 = arith.constant 5 : i32
      %add3A_340 = vector.broadcast %add3A_339 : i32 to vector<16xi32>
      %add3A_341 = arith.addi %add3A_338, %add3A_340 : vector<16xi32>
      %gather3A_342 = tpu.vector_load_idx %arg8[%add3A_341] : memref<528xf32, #tpu.memory_space<vmem>>[vector<16xi32>], vector<16xf32>,
      %max3A_343 = arith.maximumf %max3A_332, %gather3A_342 : vector<16xf32>
      %mul3A_344 = arith.constant 16 : i32
      %mul3A_345 = vector.broadcast %mul3A_344 : i32 to vector<16xi32>
      %mul3A_346 = arith.muli %iota3A, %mul3A_345 : vector<16xi32>
      %add3A_347 = arith.constant 256 : i32
      %add3A_348 = vector.broadcast %add3A_347 : i32 to vector<16xi32>
      %add3A_349 = arith.addi %mul3A_346, %add3A_348 : vector<16xi32>
      %add3A_350 = arith.constant 6 : i32
      %add3A_351 = vector.broadcast %add3A_350 : i32 to vector<16xi32>
      %add3A_352 = arith.addi %add3A_349, %add3A_351 : vector<16xi32>
      %gather3A_353 = tpu.vector_load_idx %arg8[%add3A_352] : memref<528xf32, #tpu.memory_space<vmem>>[vector<16xi32>], vector<16xf32>,
      %max3A_354 = arith.maximumf %max3A_343, %gather3A_353 : vector<16xf32>
      %mul3A_355 = arith.constant 16 : i32
      %mul3A_356 = vector.broadcast %mul3A_355 : i32 to vector<16xi32>
      %mul3A_357 = arith.muli %iota3A, %mul3A_356 : vector<16xi32>
      %add3A_358 = arith.constant 256 : i32
      %add3A_359 = vector.broadcast %add3A_358 : i32 to vector<16xi32>
      %add3A_360 = arith.addi %mul3A_357, %add3A_359 : vector<16xi32>
      %add3A_361 = arith.constant 7 : i32
      %add3A_362 = vector.broadcast %add3A_361 : i32 to vector<16xi32>
      %add3A_363 = arith.addi %add3A_360, %add3A_362 : vector<16xi32>
      %gather3A_364 = tpu.vector_load_idx %arg8[%add3A_363] : memref<528xf32, #tpu.memory_space<vmem>>[vector<16xi32>], vector<16xf32>,
      %max3A_365 = arith.maximumf %max3A_354, %gather3A_364 : vector<16xf32>
      %mul3A_366 = arith.constant 16 : i32
      %mul3A_367 = vector.broadcast %mul3A_366 : i32 to vector<16xi32>
      %mul3A_368 = arith.muli %iota3A, %mul3A_367 : vector<16xi32>
      %add3A_369 = arith.constant 256 : i32
      %add3A_370 = vector.broadcast %add3A_369 : i32 to vector<16xi32>
      %add3A_371 = arith.addi %mul3A_368, %add3A_370 : vector<16xi32>
      %add3A_372 = arith.constant 8 : i32
      %add3A_373 = vector.broadcast %add3A_372 : i32 to vector<16xi32>
      %add3A_374 = arith.addi %add3A_371, %add3A_373 : vector<16xi32>
      %gather3A_375 = tpu.vector_load_idx %arg8[%add3A_374] : memref<528xf32, #tpu.memory_space<vmem>>[vector<16xi32>], vector<16xf32>,
      %max3A_376 = arith.maximumf %max3A_365, %gather3A_375 : vector<16xf32>
      %mul3A_377 = arith.constant 16 : i32
      %mul3A_378 = vector.broadcast %mul3A_377 : i32 to vector<16xi32>
      %mul3A_379 = arith.muli %iota3A, %mul3A_378 : vector<16xi32>
      %add3A_380 = arith.constant 256 : i32
      %add3A_381 = vector.broadcast %add3A_380 : i32 to vector<16xi32>
      %add3A_382 = arith.addi %mul3A_379, %add3A_381 : vector<16xi32>
      %add3A_383 = arith.constant 9 : i32
      %add3A_384 = vector.broadcast %add3A_383 : i32 to vector<16xi32>
      %add3A_385 = arith.addi %add3A_382, %add3A_384 : vector<16xi32>
      %gather3A_386 = tpu.vector_load_idx %arg8[%add3A_385] : memref<528xf32, #tpu.memory_space<vmem>>[vector<16xi32>], vector<16xf32>,
      %max3A_387 = arith.maximumf %max3A_376, %gather3A_386 : vector<16xf32>
      %mul3A_388 = arith.constant 16 : i32
      %mul3A_389 = vector.broadcast %mul3A_388 : i32 to vector<16xi32>
      %mul3A_390 = arith.muli %iota3A, %mul3A_389 : vector<16xi32>
      %add3A_391 = arith.constant 256 : i32
      %add3A_392 = vector.broadcast %add3A_391 : i32 to vector<16xi32>
      %add3A_393 = arith.addi %mul3A_390, %add3A_392 : vector<16xi32>
      %add3A_394 = arith.constant 10 : i32
      %add3A_395 = vector.broadcast %add3A_394 : i32 to vector<16xi32>
      %add3A_396 = arith.addi %add3A_393, %add3A_395 : vector<16xi32>
      %gather3A_397 = tpu.vector_load_idx %arg8[%add3A_396] : memref<528xf32, #tpu.memory_space<vmem>>[vector<16xi32>], vector<16xf32>,
      %max3A_398 = arith.maximumf %max3A_387, %gather3A_397 : vector<16xf32>
      %mul3A_399 = arith.constant 16 : i32
      %mul3A_400 = vector.broadcast %mul3A_399 : i32 to vector<16xi32>
      %mul3A_401 = arith.muli %iota3A, %mul3A_400 : vector<16xi32>
      %add3A_402 = arith.constant 256 : i32
      %add3A_403 = vector.broadcast %add3A_402 : i32 to vector<16xi32>
      %add3A_404 = arith.addi %mul3A_401, %add3A_403 : vector<16xi32>
      %add3A_405 = arith.constant 11 : i32
      %add3A_406 = vector.broadcast %add3A_405 : i32 to vector<16xi32>
      %add3A_407 = arith.addi %add3A_404, %add3A_406 : vector<16xi32>
      %gather3A_408 = tpu.vector_load_idx %arg8[%add3A_407] : memref<528xf32, #tpu.memory_space<vmem>>[vector<16xi32>], vector<16xf32>,
      %max3A_409 = arith.maximumf %max3A_398, %gather3A_408 : vector<16xf32>
      %mul3A_410 = arith.constant 16 : i32
      %mul3A_411 = vector.broadcast %mul3A_410 : i32 to vector<16xi32>
      %mul3A_412 = arith.muli %iota3A, %mul3A_411 : vector<16xi32>
      %add3A_413 = arith.constant 256 : i32
      %add3A_414 = vector.broadcast %add3A_413 : i32 to vector<16xi32>
      %add3A_415 = arith.addi %mul3A_412, %add3A_414 : vector<16xi32>
      %add3A_416 = arith.constant 12 : i32
      %add3A_417 = vector.broadcast %add3A_416 : i32 to vector<16xi32>
      %add3A_418 = arith.addi %add3A_415, %add3A_417 : vector<16xi32>
      %gather3A_419 = tpu.vector_load_idx %arg8[%add3A_418] : memref<528xf32, #tpu.memory_space<vmem>>[vector<16xi32>], vector<16xf32>,
      %max3A_420 = arith.maximumf %max3A_409, %gather3A_419 : vector<16xf32>
      %mul3A_421 = arith.constant 16 : i32
      %mul3A_422 = vector.broadcast %mul3A_421 : i32 to vector<16xi32>
      %mul3A_423 = arith.muli %iota3A, %mul3A_422 : vector<16xi32>
      %add3A_424 = arith.constant 256 : i32
      %add3A_425 = vector.broadcast %add3A_424 : i32 to vector<16xi32>
      %add3A_426 = arith.addi %mul3A_423, %add3A_425 : vector<16xi32>
      %add3A_427 = arith.constant 13 : i32
      %add3A_428 = vector.broadcast %add3A_427 : i32 to vector<16xi32>
      %add3A_429 = arith.addi %add3A_426, %add3A_428 : vector<16xi32>
      %gather3A_430 = tpu.vector_load_idx %arg8[%add3A_429] : memref<528xf32, #tpu.memory_space<vmem>>[vector<16xi32>], vector<16xf32>,
      %max3A_431 = arith.maximumf %max3A_420, %gather3A_430 : vector<16xf32>
      %mul3A_432 = arith.constant 16 : i32
      %mul3A_433 = vector.broadcast %mul3A_432 : i32 to vector<16xi32>
      %mul3A_434 = arith.muli %iota3A, %mul3A_433 : vector<16xi32>
      %add3A_435 = arith.constant 256 : i32
      %add3A_436 = vector.broadcast %add3A_435 : i32 to vector<16xi32>
      %add3A_437 = arith.addi %mul3A_434, %add3A_436 : vector<16xi32>
      %add3A_438 = arith.constant 14 : i32
      %add3A_439 = vector.broadcast %add3A_438 : i32 to vector<16xi32>
      %add3A_440 = arith.addi %add3A_437, %add3A_439 : vector<16xi32>
      %gather3A_441 = tpu.vector_load_idx %arg8[%add3A_440] : memref<528xf32, #tpu.memory_space<vmem>>[vector<16xi32>], vector<16xf32>,
      %max3A_442 = arith.maximumf %max3A_431, %gather3A_441 : vector<16xf32>
      %mul3A_443 = arith.constant 16 : i32
      %mul3A_444 = vector.broadcast %mul3A_443 : i32 to vector<16xi32>
      %mul3A_445 = arith.muli %iota3A, %mul3A_444 : vector<16xi32>
      %add3A_446 = arith.constant 256 : i32
      %add3A_447 = vector.broadcast %add3A_446 : i32 to vector<16xi32>
      %add3A_448 = arith.addi %mul3A_445, %add3A_447 : vector<16xi32>
      %add3A_449 = arith.constant 15 : i32
      %add3A_450 = vector.broadcast %add3A_449 : i32 to vector<16xi32>
      %add3A_451 = arith.addi %add3A_448, %add3A_450 : vector<16xi32>
      %gather3A_452 = tpu.vector_load_idx %arg8[%add3A_451] : memref<528xf32, #tpu.memory_space<vmem>>[vector<16xi32>], vector<16xf32>,
      %max3A_453 = arith.maximumf %max3A_442, %gather3A_452 : vector<16xf32>
      %scan3A_454 = arith.constant 0 : i32
      %scan3A_455 = arith.constant 64 : i32
      %scan3A_456 = arith.addi %scan3A_454, %scan3A_455 : i32
      %scan3A_457 = arith.constant 1 : i32
      %scan3A_458:2 = scf.for %scan3A_1261 = %scan3A_454 to %scan3A_456 step %scan3A_457 iter_args(%scan3A_1262 = %max3A_277, %scan3A_1263 = %max3A_453) -> (vector<16xf32>, vector<16xf32>)  : i32 {
        %max3A_1264 = arith.maximumf %scan3A_1262, %scan3A_1263 : vector<16xf32>
        %reduce_max3A = arith.constant true
        %reduce_max3A_1265 = vector.broadcast %reduce_max3A : i1 to vector<16xi1>
        %reduce_max3A_1266 = tpu.scan <max>, %max3A_1264 masked %reduce_max3A_1265 : vector<16xf32>, vector<16xi1> -> vector<16xf32>
        %reduce_max3A_1267 = vector.extract %reduce_max3A_1266[15] : f32 from vector<16xf32>
        %eq3A_1268 = vector.broadcast %reduce_max3A_1267 : f32 to vector<16xf32>
        %eq3A_1269 = arith.cmpf oeq, %scan3A_1262, %eq3A_1268 : vector<16xf32>
        %all_reduce_population_count3A = tpu.all_reduce %eq3A_1269 {dim = 0 : i64, kind = #tpu.reduction_kind<sum>} : vector<16xi1> -> vector<16xi32>
        %eq3A_1270 = arith.constant 0 : i32
        %eq3A_1271 = vector.broadcast %eq3A_1270 : i32 to vector<16xi32>
        %eq3A_1272 = arith.cmpi eq, %all_reduce_population_count3A, %eq3A_1271 : vector<16xi32>
        %select_n3A = arith.select %eq3A_1272, %scan3A_1263, %scan3A_1262 : vector<16xi1>, vector<16xf32>
        %jit3A = arith.constant 16 : i32
        %jit3A_1273 = arith.constant 0 : i32
        %broadcast_in_dim3A_1274 = vector.broadcast %jit3A : i32 to vector<16xi32>
        %broadcast_in_dim3A_1275 = vector.broadcast %jit3A_1273 : i32 to vector<16xi32>
        %select_n3A_1276 = arith.select %eq3A_1272, %broadcast_in_dim3A_1274, %broadcast_in_dim3A_1275 : vector<16xi1>, vector<16xi32>
        %eq3A_1277 = vector.broadcast %reduce_max3A_1267 : f32 to vector<16xf32>
        %eq3A_1278 = arith.cmpf oeq, %select_n3A, %eq3A_1277 : vector<16xf32>
        %all_reduce_ffs3A = tpu.all_reduce %eq3A_1278 {dim = 0 : i64, kind = #tpu.reduction_kind<find_first_set>} : vector<16xi1> -> vector<16xi32>
        %add3A_1279 = arith.addi %select_n3A_1276, %all_reduce_ffs3A : vector<16xi32>
        %mul3A_1280 = arith.constant 16 : i32
        %mul3A_1281 = vector.broadcast %mul3A_1280 : i32 to vector<16xi32>
        %mul3A_1282 = arith.muli %add3A_1279, %mul3A_1281 : vector<16xi32>
        %add3A_1283 = arith.addi %mul3A_1282, %iota3A : vector<16xi32>
        %gather3A_1284 = tpu.vector_load_idx %arg8[%add3A_1283] : memref<528xf32, #tpu.memory_space<vmem>>[vector<16xi32>], vector<16xf32>,
        %eq3A_1285 = vector.broadcast %reduce_max3A_1267 : f32 to vector<16xf32>
        %eq3A_1286 = arith.cmpf oeq, %gather3A_1284, %eq3A_1285 : vector<16xf32>
        %all_reduce_ffs3A_1287 = tpu.all_reduce %eq3A_1286 {dim = 0 : i64, kind = #tpu.reduction_kind<find_first_set>} : vector<16xi1> -> vector<16xi32>
        %mul3A_1288 = arith.constant 16 : i32
        %mul3A_1289 = vector.broadcast %mul3A_1288 : i32 to vector<16xi32>
        %mul3A_1290 = arith.muli %add3A_1279, %mul3A_1289 : vector<16xi32>
        %add3A_1291 = arith.addi %mul3A_1290, %all_reduce_ffs3A_1287 : vector<16xi32>
        %mul3A_1292 = arith.constant 16 : i32
        %mul3A_1293 = vector.broadcast %mul3A_1292 : i32 to vector<16xi32>
        %mul3A_1294 = arith.muli %add3A_1291, %mul3A_1293 : vector<16xi32>
        %add3A_1295 = arith.addi %mul3A_1294, %iota3A : vector<16xi32>
        %gather3A_1296 = tpu.vector_load_idx %arg7[%add3A_1295] : memref<8192xf32, #tpu.memory_space<vmem>>[vector<16xi32>], vector<16xf32>,
        %eq3A_1297 = vector.broadcast %reduce_max3A_1267 : f32 to vector<16xf32>
        %eq3A_1298 = arith.cmpf oeq, %gather3A_1296, %eq3A_1297 : vector<16xf32>
        %all_reduce_ffs3A_1299 = tpu.all_reduce %eq3A_1298 {dim = 0 : i64, kind = #tpu.reduction_kind<find_first_set>} : vector<16xi1> -> vector<16xi32>
        %broadcast_in_dim3A_1300 = vector.broadcast %scan3A_1261 : i32 to vector<16xi32>
        %mul3A_1301 = arith.constant 16 : i32
        %mul3A_1302 = vector.broadcast %mul3A_1301 : i32 to vector<16xi32>
        %mul3A_1303 = arith.muli %add3A_1291, %mul3A_1302 : vector<16xi32>
        %add3A_1304 = arith.addi %mul3A_1303, %all_reduce_ffs3A_1299 : vector<16xi32>
        %eq3A_1305 = arith.constant 0 : i32
        %eq3A_1306 = vector.broadcast %eq3A_1305 : i32 to vector<16xi32>
        %eq3A_1307 = arith.cmpi eq, %iota3A, %eq3A_1306 : vector<16xi32>
        tpu.vector_store_idx %arg9[%broadcast_in_dim3A_1300], %add3A_1304 masked %eq3A_1307 : memref<128xi32, #tpu.memory_space<vmem>>[vector<16xi32>], vector<16xi32>, vector<16xi1>
        %eq3A_1308 = arith.cmpi eq, %iota3A, %all_reduce_ffs3A_1299 : vector<16xi32>
        %jit3A_1309 = arith.constant 0xFF800000 : f32
        %broadcast_in_dim3A_1310 = vector.broadcast %jit3A_1309 : f32 to vector<16xf32>
        %select_n3A_1311 = arith.select %eq3A_1308, %broadcast_in_dim3A_1310, %gather3A_1296 : vector<16xi1>, vector<16xf32>
        %mul3A_1312 = arith.constant 16 : i32
        %mul3A_1313 = vector.broadcast %mul3A_1312 : i32 to vector<16xi32>
        %mul3A_1314 = arith.muli %add3A_1291, %mul3A_1313 : vector<16xi32>
        %add3A_1315 = arith.addi %mul3A_1314, %iota3A : vector<16xi32>
        tpu.vector_store_idx %arg7[%add3A_1315], %select_n3A_1311 : memref<8192xf32, #tpu.memory_space<vmem>>[vector<16xi32>], vector<16xf32>,
        %eq3A_1316 = arith.cmpi eq, %iota3A, %all_reduce_ffs3A_1287 : vector<16xi32>
        %jit3A_1317 = arith.constant 0xFF800000 : f32
        %broadcast_in_dim3A_1318 = vector.broadcast %jit3A_1317 : f32 to vector<16xf32>
        %select_n3A_1319 = arith.select %eq3A_1316, %broadcast_in_dim3A_1318, %gather3A_1284 : vector<16xi1>, vector<16xf32>
        %reduce_max3A_1320 = arith.constant true
        %reduce_max3A_1321 = vector.broadcast %reduce_max3A_1320 : i1 to vector<16xi1>
        %reduce_max3A_1322 = tpu.scan <max>, %select_n3A_1311 masked %reduce_max3A_1321 : vector<16xf32>, vector<16xi1> -> vector<16xf32>
        %reduce_max3A_1323 = vector.extract %reduce_max3A_1322[15] : f32 from vector<16xf32>
        %reduce_max3A_1324 = arith.constant true
        %reduce_max3A_1325 = vector.broadcast %reduce_max3A_1324 : i1 to vector<16xi1>
        %reduce_max3A_1326 = tpu.scan <max>, %select_n3A_1319 masked %reduce_max3A_1325 : vector<16xf32>, vector<16xi1> -> vector<16xf32>
        %reduce_max3A_1327 = vector.extract %reduce_max3A_1326[15] : f32 from vector<16xf32>
        %broadcast_in_dim3A_1328 = vector.broadcast %reduce_max3A_1327 : f32 to vector<16xf32>
        %broadcast_in_dim3A_1329 = vector.broadcast %reduce_max3A_1323 : f32 to vector<16xf32>
        %max3A_1330 = arith.maximumf %broadcast_in_dim3A_1328, %broadcast_in_dim3A_1329 : vector<16xf32>
        %mul3A_1331 = arith.constant 16 : i32
        %mul3A_1332 = vector.broadcast %mul3A_1331 : i32 to vector<16xi32>
        %mul3A_1333 = arith.muli %add3A_1279, %mul3A_1332 : vector<16xi32>
        %add3A_1334 = arith.addi %mul3A_1333, %iota3A : vector<16xi32>
        %eq3A_1335 = arith.cmpi eq, %iota3A, %all_reduce_ffs3A_1287 : vector<16xi32>
        %broadcast_in_dim3A_1336 = vector.broadcast %reduce_max3A_1323 : f32 to vector<16xf32>
        %select_n3A_1337 = arith.select %eq3A_1335, %broadcast_in_dim3A_1336, %gather3A_1284 : vector<16xi1>, vector<16xf32>
        tpu.vector_store_idx %arg8[%add3A_1334], %select_n3A_1337 : memref<528xf32, #tpu.memory_space<vmem>>[vector<16xi32>], vector<16xf32>,
        %eq3A_1338 = vector.broadcast %reduce_max3A_1267 : f32 to vector<16xf32>
        %eq3A_1339 = arith.cmpf oeq, %select_n3A, %eq3A_1338 : vector<16xf32>
        %all_reduce_ffs3A_1340 = tpu.all_reduce %eq3A_1339 {dim = 0 : i64, kind = #tpu.reduction_kind<find_first_set>} : vector<16xi1> -> vector<16xi32>
        %eq3A_1341 = arith.cmpi eq, %iota3A, %all_reduce_ffs3A_1340 : vector<16xi32>
        %not3A = arith.constant dense<true> : vector<16xi1>
        %not3A_1342 = arith.xori %eq3A_1272, %not3A : vector<16xi1>
        %and3A = arith.andi %not3A_1342, %eq3A_1341 : vector<16xi1>
        %select_n3A_1343 = arith.select %and3A, %max3A_1330, %scan3A_1262 : vector<16xi1>, vector<16xf32>
        %and3A_1344 = arith.andi %eq3A_1272, %eq3A_1341 : vector<16xi1>
        %select_n3A_1345 = arith.select %and3A_1344, %max3A_1330, %scan3A_1263 : vector<16xi1>, vector<16xf32>
        scf.yield %select_n3A_1343, %select_n3A_1345 : vector<16xf32>, vector<16xf32>
      }
      %scan3A_459 = arith.constant 64 : i32
      %dma_start3A = arith.constant 0 : i32
      %dma_start3A_460 = arith.constant 0 : i32
      %dma_start3A_461 = tpu.memref_slice %arg10[%dma_start3A, %dma_start3A_460] : memref<128x128xf32, #tpu.memory_space<vmem>> -> memref<64x128xf32, #tpu.memory_space<vmem>>
      %dma_start3A_462 = arith.constant 0 : i32
      %dma_start3A_463 = tpu.memref_slice %arg9[%dma_start3A_462] : memref<128xi32, #tpu.memory_space<vmem>> -> memref<64xi32, #tpu.memory_space<vmem>>
      %dma_start3A_464 = arith.constant 0 : i32
      %dma_start3A_465 = arith.constant 0 : i32
      %dma_start3A_466 = tpu.memref_slice %arg2[%arg1, %dma_start3A_464, %dma_start3A_465] : memref<16x8192x128xf32, #tpu.memory_space<hbm>> -> memref<1x8192x128xf32, #tpu.memory_space<hbm>>
      %dma_start3A_467 = tpu.memref_squeeze %dma_start3A_466 : memref<1x8192x128xf32, #tpu.memory_space<hbm>> -> memref<8192x128xf32, #tpu.memory_space<hbm>>
      %dma_start3A_468 = arith.constant 0 : i32
      %dma_start3A_469 = arith.constant 0 : i32
      %dma_start3A_470 = tpu.memref_slice %dma_start3A_467[%dma_start3A_468, %dma_start3A_469] : memref<8192x128xf32, #tpu.memory_space<hbm>> -> memref<8192x128xf32, #tpu.memory_space<hbm>>
      tpu.enqueue_indirect_dma source(%dma_start3A_470 : memref<8192x128xf32, #tpu.memory_space<hbm>>) target(%dma_start3A_461 : memref<64x128xf32, #tpu.memory_space<vmem>>) offsets(%dma_start3A_463 : memref<64xi32, #tpu.memory_space<vmem>>) semaphore(%arg15 : memref<!tpu.dma_semaphore, #tpu.memory_space<semaphore_mem>>)
      %scan3A_471 = arith.constant 64 : i32
      %scan3A_472 = arith.constant 36 : i32
      %scan3A_473 = arith.addi %scan3A_471, %scan3A_472 : i32
      %scan3A_474 = arith.constant 1 : i32
      %scan3A_475:2 = scf.for %scan3A_1261 = %scan3A_471 to %scan3A_473 step %scan3A_474 iter_args(%scan3A_1262 = %scan3A_458#0, %scan3A_1263 = %scan3A_458#1) -> (vector<16xf32>, vector<16xf32>)  : i32 {
        %max3A_1264 = arith.maximumf %scan3A_1262, %scan3A_1263 : vector<16xf32>
        %reduce_max3A = arith.constant true
        %reduce_max3A_1265 = vector.broadcast %reduce_max3A : i1 to vector<16xi1>
        %reduce_max3A_1266 = tpu.scan <max>, %max3A_1264 masked %reduce_max3A_1265 : vector<16xf32>, vector<16xi1> -> vector<16xf32>
        %reduce_max3A_1267 = vector.extract %reduce_max3A_1266[15] : f32 from vector<16xf32>
        %eq3A_1268 = vector.broadcast %reduce_max3A_1267 : f32 to vector<16xf32>
        %eq3A_1269 = arith.cmpf oeq, %scan3A_1262, %eq3A_1268 : vector<16xf32>
        %all_reduce_population_count3A = tpu.all_reduce %eq3A_1269 {dim = 0 : i64, kind = #tpu.reduction_kind<sum>} : vector<16xi1> -> vector<16xi32>
        %eq3A_1270 = arith.constant 0 : i32
        %eq3A_1271 = vector.broadcast %eq3A_1270 : i32 to vector<16xi32>
        %eq3A_1272 = arith.cmpi eq, %all_reduce_population_count3A, %eq3A_1271 : vector<16xi32>
        %select_n3A = arith.select %eq3A_1272, %scan3A_1263, %scan3A_1262 : vector<16xi1>, vector<16xf32>
        %jit3A = arith.constant 16 : i32
        %jit3A_1273 = arith.constant 0 : i32
        %broadcast_in_dim3A_1274 = vector.broadcast %jit3A : i32 to vector<16xi32>
        %broadcast_in_dim3A_1275 = vector.broadcast %jit3A_1273 : i32 to vector<16xi32>
        %select_n3A_1276 = arith.select %eq3A_1272, %broadcast_in_dim3A_1274, %broadcast_in_dim3A_1275 : vector<16xi1>, vector<16xi32>
        %eq3A_1277 = vector.broadcast %reduce_max3A_1267 : f32 to vector<16xf32>
        %eq3A_1278 = arith.cmpf oeq, %select_n3A, %eq3A_1277 : vector<16xf32>
        %all_reduce_ffs3A = tpu.all_reduce %eq3A_1278 {dim = 0 : i64, kind = #tpu.reduction_kind<find_first_set>} : vector<16xi1> -> vector<16xi32>
        %add3A_1279 = arith.addi %select_n3A_1276, %all_reduce_ffs3A : vector<16xi32>
        %mul3A_1280 = arith.constant 16 : i32
        %mul3A_1281 = vector.broadcast %mul3A_1280 : i32 to vector<16xi32>
        %mul3A_1282 = arith.muli %add3A_1279, %mul3A_1281 : vector<16xi32>
        %add3A_1283 = arith.addi %mul3A_1282, %iota3A : vector<16xi32>
        %gather3A_1284 = tpu.vector_load_idx %arg8[%add3A_1283] : memref<528xf32, #tpu.memory_space<vmem>>[vector<16xi32>], vector<16xf32>,
        %eq3A_1285 = vector.broadcast %reduce_max3A_1267 : f32 to vector<16xf32>
        %eq3A_1286 = arith.cmpf oeq, %gather3A_1284, %eq3A_1285 : vector<16xf32>
        %all_reduce_ffs3A_1287 = tpu.all_reduce %eq3A_1286 {dim = 0 : i64, kind = #tpu.reduction_kind<find_first_set>} : vector<16xi1> -> vector<16xi32>
        %mul3A_1288 = arith.constant 16 : i32
        %mul3A_1289 = vector.broadcast %mul3A_1288 : i32 to vector<16xi32>
        %mul3A_1290 = arith.muli %add3A_1279, %mul3A_1289 : vector<16xi32>
        %add3A_1291 = arith.addi %mul3A_1290, %all_reduce_ffs3A_1287 : vector<16xi32>
        %mul3A_1292 = arith.constant 16 : i32
        %mul3A_1293 = vector.broadcast %mul3A_1292 : i32 to vector<16xi32>
        %mul3A_1294 = arith.muli %add3A_1291, %mul3A_1293 : vector<16xi32>
        %add3A_1295 = arith.addi %mul3A_1294, %iota3A : vector<16xi32>
        %gather3A_1296 = tpu.vector_load_idx %arg7[%add3A_1295] : memref<8192xf32, #tpu.memory_space<vmem>>[vector<16xi32>], vector<16xf32>,
        %eq3A_1297 = vector.broadcast %reduce_max3A_1267 : f32 to vector<16xf32>
        %eq3A_1298 = arith.cmpf oeq, %gather3A_1296, %eq3A_1297 : vector<16xf32>
        %all_reduce_ffs3A_1299 = tpu.all_reduce %eq3A_1298 {dim = 0 : i64, kind = #tpu.reduction_kind<find_first_set>} : vector<16xi1> -> vector<16xi32>
        %broadcast_in_dim3A_1300 = vector.broadcast %scan3A_1261 : i32 to vector<16xi32>
        %mul3A_1301 = arith.constant 16 : i32
        %mul3A_1302 = vector.broadcast %mul3A_1301 : i32 to vector<16xi32>
        %mul3A_1303 = arith.muli %add3A_1291, %mul3A_1302 : vector<16xi32>
        %add3A_1304 = arith.addi %mul3A_1303, %all_reduce_ffs3A_1299 : vector<16xi32>
        %eq3A_1305 = arith.constant 0 : i32
        %eq3A_1306 = vector.broadcast %eq3A_1305 : i32 to vector<16xi32>
        %eq3A_1307 = arith.cmpi eq, %iota3A, %eq3A_1306 : vector<16xi32>
        tpu.vector_store_idx %arg9[%broadcast_in_dim3A_1300], %add3A_1304 masked %eq3A_1307 : memref<128xi32, #tpu.memory_space<vmem>>[vector<16xi32>], vector<16xi32>, vector<16xi1>
        %eq3A_1308 = arith.cmpi eq, %iota3A, %all_reduce_ffs3A_1299 : vector<16xi32>
        %jit3A_1309 = arith.constant 0xFF800000 : f32
        %broadcast_in_dim3A_1310 = vector.broadcast %jit3A_1309 : f32 to vector<16xf32>
        %select_n3A_1311 = arith.select %eq3A_1308, %broadcast_in_dim3A_1310, %gather3A_1296 : vector<16xi1>, vector<16xf32>
        %mul3A_1312 = arith.constant 16 : i32
        %mul3A_1313 = vector.broadcast %mul3A_1312 : i32 to vector<16xi32>
        %mul3A_1314 = arith.muli %add3A_1291, %mul3A_1313 : vector<16xi32>
        %add3A_1315 = arith.addi %mul3A_1314, %iota3A : vector<16xi32>
        tpu.vector_store_idx %arg7[%add3A_1315], %select_n3A_1311 : memref<8192xf32, #tpu.memory_space<vmem>>[vector<16xi32>], vector<16xf32>,
        %eq3A_1316 = arith.cmpi eq, %iota3A, %all_reduce_ffs3A_1287 : vector<16xi32>
        %jit3A_1317 = arith.constant 0xFF800000 : f32
        %broadcast_in_dim3A_1318 = vector.broadcast %jit3A_1317 : f32 to vector<16xf32>
        %select_n3A_1319 = arith.select %eq3A_1316, %broadcast_in_dim3A_1318, %gather3A_1284 : vector<16xi1>, vector<16xf32>
        %reduce_max3A_1320 = arith.constant true
        %reduce_max3A_1321 = vector.broadcast %reduce_max3A_1320 : i1 to vector<16xi1>
        %reduce_max3A_1322 = tpu.scan <max>, %select_n3A_1311 masked %reduce_max3A_1321 : vector<16xf32>, vector<16xi1> -> vector<16xf32>
        %reduce_max3A_1323 = vector.extract %reduce_max3A_1322[15] : f32 from vector<16xf32>
        %reduce_max3A_1324 = arith.constant true
        %reduce_max3A_1325 = vector.broadcast %reduce_max3A_1324 : i1 to vector<16xi1>
        %reduce_max3A_1326 = tpu.scan <max>, %select_n3A_1319 masked %reduce_max3A_1325 : vector<16xf32>, vector<16xi1> -> vector<16xf32>
        %reduce_max3A_1327 = vector.extract %reduce_max3A_1326[15] : f32 from vector<16xf32>
        %broadcast_in_dim3A_1328 = vector.broadcast %reduce_max3A_1327 : f32 to vector<16xf32>
        %broadcast_in_dim3A_1329 = vector.broadcast %reduce_max3A_1323 : f32 to vector<16xf32>
        %max3A_1330 = arith.maximumf %broadcast_in_dim3A_1328, %broadcast_in_dim3A_1329 : vector<16xf32>
        %mul3A_1331 = arith.constant 16 : i32
        %mul3A_1332 = vector.broadcast %mul3A_1331 : i32 to vector<16xi32>
        %mul3A_1333 = arith.muli %add3A_1279, %mul3A_1332 : vector<16xi32>
        %add3A_1334 = arith.addi %mul3A_1333, %iota3A : vector<16xi32>
        %eq3A_1335 = arith.cmpi eq, %iota3A, %all_reduce_ffs3A_1287 : vector<16xi32>
        %broadcast_in_dim3A_1336 = vector.broadcast %reduce_max3A_1323 : f32 to vector<16xf32>
        %select_n3A_1337 = arith.select %eq3A_1335, %broadcast_in_dim3A_1336, %gather3A_1284 : vector<16xi1>, vector<16xf32>
        tpu.vector_store_idx %arg8[%add3A_1334], %select_n3A_1337 : memref<528xf32, #tpu.memory_space<vmem>>[vector<16xi32>], vector<16xf32>,
        %eq3A_1338 = vector.broadcast %reduce_max3A_1267 : f32 to vector<16xf32>
        %eq3A_1339 = arith.cmpf oeq, %select_n3A, %eq3A_1338 : vector<16xf32>
        %all_reduce_ffs3A_1340 = tpu.all_reduce %eq3A_1339 {dim = 0 : i64, kind = #tpu.reduction_kind<find_first_set>} : vector<16xi1> -> vector<16xi32>
        %eq3A_1341 = arith.cmpi eq, %iota3A, %all_reduce_ffs3A_1340 : vector<16xi32>
        %not3A = arith.constant dense<true> : vector<16xi1>
        %not3A_1342 = arith.xori %eq3A_1272, %not3A : vector<16xi1>
        %and3A = arith.andi %not3A_1342, %eq3A_1341 : vector<16xi1>
        %select_n3A_1343 = arith.select %and3A, %max3A_1330, %scan3A_1262 : vector<16xi1>, vector<16xf32>
        %and3A_1344 = arith.andi %eq3A_1272, %eq3A_1341 : vector<16xi1>
        %select_n3A_1345 = arith.select %and3A_1344, %max3A_1330, %scan3A_1263 : vector<16xi1>, vector<16xf32>
        scf.yield %select_n3A_1343, %select_n3A_1345 : vector<16xf32>, vector<16xf32>
      }
      %scan3A_476 = arith.constant 36 : i32
      %dma_start3A_477 = arith.constant 64 : i32
      %dma_start3A_478 = arith.constant 0 : i32
      %dma_start3A_479 = tpu.memref_slice %arg10[%dma_start3A_477, %dma_start3A_478] : memref<128x128xf32, #tpu.memory_space<vmem>> -> memref<64x128xf32, #tpu.memory_space<vmem>>
      %dma_start3A_480 = arith.constant 64 : i32
      %dma_start3A_481 = tpu.memref_slice %arg9[%dma_start3A_480] : memref<128xi32, #tpu.memory_space<vmem>> -> memref<64xi32, #tpu.memory_space<vmem>>
      %dma_start3A_482 = arith.constant 0 : i32
      %dma_start3A_483 = arith.constant 0 : i32
      %dma_start3A_484 = tpu.memref_slice %arg2[%arg1, %dma_start3A_482, %dma_start3A_483] : memref<16x8192x128xf32, #tpu.memory_space<hbm>> -> memref<1x8192x128xf32, #tpu.memory_space<hbm>>
      %dma_start3A_485 = tpu.memref_squeeze %dma_start3A_484 : memref<1x8192x128xf32, #tpu.memory_space<hbm>> -> memref<8192x128xf32, #tpu.memory_space<hbm>>
      %dma_start3A_486 = arith.constant 0 : i32
      %dma_start3A_487 = arith.constant 0 : i32
      %dma_start3A_488 = tpu.memref_slice %dma_start3A_485[%dma_start3A_486, %dma_start3A_487] : memref<8192x128xf32, #tpu.memory_space<hbm>> -> memref<8192x128xf32, #tpu.memory_space<hbm>>
      tpu.enqueue_indirect_dma source(%dma_start3A_488 : memref<8192x128xf32, #tpu.memory_space<hbm>>) target(%dma_start3A_479 : memref<64x128xf32, #tpu.memory_space<vmem>>) offsets(%dma_start3A_481 : memref<64xi32, #tpu.memory_space<vmem>>) semaphore(%arg15 : memref<!tpu.dma_semaphore, #tpu.memory_space<semaphore_mem>>)
      %dma_wait3A = arith.constant 0 : i32
      %dma_wait3A_489 = arith.constant 0 : i32
      %dma_wait3A_490 = tpu.memref_slice %arg10[%dma_wait3A, %dma_wait3A_489] : memref<128x128xf32, #tpu.memory_space<vmem>> -> memref<64x128xf32, #tpu.memory_space<vmem>>
      %dma_wait3A_491 = arith.constant 0 : i32
      %dma_wait3A_492 = tpu.memref_slice %arg9[%dma_wait3A_491] : memref<128xi32, #tpu.memory_space<vmem>> -> memref<64xi32, #tpu.memory_space<vmem>>
      %dma_wait3A_493 = arith.constant 0 : i32
      %dma_wait3A_494 = arith.constant 0 : i32
      %dma_wait3A_495 = tpu.memref_slice %arg2[%arg1, %dma_wait3A_493, %dma_wait3A_494] : memref<16x8192x128xf32, #tpu.memory_space<hbm>> -> memref<1x8192x128xf32, #tpu.memory_space<hbm>>
      %dma_wait3A_496 = tpu.memref_squeeze %dma_wait3A_495 : memref<1x8192x128xf32, #tpu.memory_space<hbm>> -> memref<8192x128xf32, #tpu.memory_space<hbm>>
      %dma_wait3A_497 = arith.constant 0 : i32
      %dma_wait3A_498 = arith.constant 0 : i32
      %dma_wait3A_499 = tpu.memref_slice %dma_wait3A_496[%dma_wait3A_497, %dma_wait3A_498] : memref<8192x128xf32, #tpu.memory_space<hbm>> -> memref<8192x128xf32, #tpu.memory_space<hbm>>
      tpu.wait_indirect_dma semaphore(%arg15 : memref<!tpu.dma_semaphore, #tpu.memory_space<semaphore_mem>>) src(%dma_wait3A_499 : memref<8192x128xf32, #tpu.memory_space<hbm>>) dst(%dma_wait3A_490 : memref<64x128xf32, #tpu.memory_space<vmem>>)
      %dma_wait3A_500 = arith.constant 64 : i32
      %dma_wait3A_501 = arith.constant 0 : i32
      %dma_wait3A_502 = tpu.memref_slice %arg10[%dma_wait3A_500, %dma_wait3A_501] : memref<128x128xf32, #tpu.memory_space<vmem>> -> memref<64x128xf32, #tpu.memory_space<vmem>>
      %dma_wait3A_503 = arith.constant 64 : i32
      %dma_wait3A_504 = tpu.memref_slice %arg9[%dma_wait3A_503] : memref<128xi32, #tpu.memory_space<vmem>> -> memref<64xi32, #tpu.memory_space<vmem>>
      %dma_wait3A_505 = arith.constant 0 : i32
      %dma_wait3A_506 = arith.constant 0 : i32
      %dma_wait3A_507 = tpu.memref_slice %arg2[%arg1, %dma_wait3A_505, %dma_wait3A_506] : memref<16x8192x128xf32, #tpu.memory_space<hbm>> -> memref<1x8192x128xf32, #tpu.memory_space<hbm>>
      %dma_wait3A_508 = tpu.memref_squeeze %dma_wait3A_507 : memref<1x8192x128xf32, #tpu.memory_space<hbm>> -> memref<8192x128xf32, #tpu.memory_space<hbm>>
      %dma_wait3A_509 = arith.constant 0 : i32
      %dma_wait3A_510 = arith.constant 0 : i32
      %dma_wait3A_511 = tpu.memref_slice %dma_wait3A_508[%dma_wait3A_509, %dma_wait3A_510] : memref<8192x128xf32, #tpu.memory_space<hbm>> -> memref<8192x128xf32, #tpu.memory_space<hbm>>
      tpu.wait_indirect_dma semaphore(%arg15 : memref<!tpu.dma_semaphore, #tpu.memory_space<semaphore_mem>>) src(%dma_wait3A_511 : memref<8192x128xf32, #tpu.memory_space<hbm>>) dst(%dma_wait3A_502 : memref<64x128xf32, #tpu.memory_space<vmem>>)
      %swap3A_512 = arith.constant 800 : index
      %swap3A_513 = tpu.vector_load %arg11[%swap3A_512] {strides = array<i32>} : memref<1024xf32, #tpu.memory_space<vmem>>, vector<16xf32>,
      tpu.vector_store %arg11[%swap3A_512], %broadcast_in_dim3A_0 {strides = array<i32>} : memref<1024xf32, #tpu.memory_space<vmem>>, vector<16xf32>,
      %swap3A_514 = arith.constant 816 : index
      %swap3A_515 = tpu.vector_load %arg11[%swap3A_514] {strides = array<i32>} : memref<1024xf32, #tpu.memory_space<vmem>>, vector<16xf32>,
      tpu.vector_store %arg11[%swap3A_514], %broadcast_in_dim3A_0 {strides = array<i32>} : memref<1024xf32, #tpu.memory_space<vmem>>, vector<16xf32>,
      %swap3A_516 = arith.constant 832 : index
      %swap3A_517 = tpu.vector_load %arg11[%swap3A_516] {strides = array<i32>} : memref<1024xf32, #tpu.memory_space<vmem>>, vector<16xf32>,
      tpu.vector_store %arg11[%swap3A_516], %broadcast_in_dim3A_0 {strides = array<i32>} : memref<1024xf32, #tpu.memory_space<vmem>>, vector<16xf32>,
      %swap3A_518 = arith.constant 848 : index
      %swap3A_519 = tpu.vector_load %arg11[%swap3A_518] {strides = array<i32>} : memref<1024xf32, #tpu.memory_space<vmem>>, vector<16xf32>,
      tpu.vector_store %arg11[%swap3A_518], %broadcast_in_dim3A_0 {strides = array<i32>} : memref<1024xf32, #tpu.memory_space<vmem>>, vector<16xf32>,
      %swap3A_520 = arith.constant 864 : index
      %swap3A_521 = tpu.vector_load %arg11[%swap3A_520] {strides = array<i32>} : memref<1024xf32, #tpu.memory_space<vmem>>, vector<16xf32>,
      tpu.vector_store %arg11[%swap3A_520], %broadcast_in_dim3A_0 {strides = array<i32>} : memref<1024xf32, #tpu.memory_space<vmem>>, vector<16xf32>,
      %swap3A_522 = arith.constant 880 : index
      %swap3A_523 = tpu.vector_load %arg11[%swap3A_522] {strides = array<i32>} : memref<1024xf32, #tpu.memory_space<vmem>>, vector<16xf32>,
      tpu.vector_store %arg11[%swap3A_522], %broadcast_in_dim3A_0 {strides = array<i32>} : memref<1024xf32, #tpu.memory_space<vmem>>, vector<16xf32>,
      %swap3A_524 = arith.constant 896 : index
      %swap3A_525 = tpu.vector_load %arg11[%swap3A_524] {strides = array<i32>} : memref<1024xf32, #tpu.memory_space<vmem>>, vector<16xf32>,
      tpu.vector_store %arg11[%swap3A_524], %broadcast_in_dim3A_0 {strides = array<i32>} : memref<1024xf32, #tpu.memory_space<vmem>>, vector<16xf32>,
      %swap3A_526 = arith.constant 912 : index
      %swap3A_527 = tpu.vector_load %arg11[%swap3A_526] {strides = array<i32>} : memref<1024xf32, #tpu.memory_space<vmem>>, vector<16xf32>,
      tpu.vector_store %arg11[%swap3A_526], %broadcast_in_dim3A_0 {strides = array<i32>} : memref<1024xf32, #tpu.memory_space<vmem>>, vector<16xf32>,
      %swap3A_528 = arith.constant 928 : index
      %swap3A_529 = tpu.vector_load %arg11[%swap3A_528] {strides = array<i32>} : memref<1024xf32, #tpu.memory_space<vmem>>, vector<16xf32>,
      tpu.vector_store %arg11[%swap3A_528], %broadcast_in_dim3A_0 {strides = array<i32>} : memref<1024xf32, #tpu.memory_space<vmem>>, vector<16xf32>,
      %swap3A_530 = arith.constant 944 : index
      %swap3A_531 = tpu.vector_load %arg11[%swap3A_530] {strides = array<i32>} : memref<1024xf32, #tpu.memory_space<vmem>>, vector<16xf32>,
      tpu.vector_store %arg11[%swap3A_530], %broadcast_in_dim3A_0 {strides = array<i32>} : memref<1024xf32, #tpu.memory_space<vmem>>, vector<16xf32>,
      %swap3A_532 = arith.constant 960 : index
      %swap3A_533 = tpu.vector_load %arg11[%swap3A_532] {strides = array<i32>} : memref<1024xf32, #tpu.memory_space<vmem>>, vector<16xf32>,
      tpu.vector_store %arg11[%swap3A_532], %broadcast_in_dim3A_0 {strides = array<i32>} : memref<1024xf32, #tpu.memory_space<vmem>>, vector<16xf32>,
      %swap3A_534 = arith.constant 976 : index
      %swap3A_535 = tpu.vector_load %arg11[%swap3A_534] {strides = array<i32>} : memref<1024xf32, #tpu.memory_space<vmem>>, vector<16xf32>,
      tpu.vector_store %arg11[%swap3A_534], %broadcast_in_dim3A_0 {strides = array<i32>} : memref<1024xf32, #tpu.memory_space<vmem>>, vector<16xf32>,
      %swap3A_536 = arith.constant 992 : index
      %swap3A_537 = tpu.vector_load %arg11[%swap3A_536] {strides = array<i32>} : memref<1024xf32, #tpu.memory_space<vmem>>, vector<16xf32>,
      tpu.vector_store %arg11[%swap3A_536], %broadcast_in_dim3A_0 {strides = array<i32>} : memref<1024xf32, #tpu.memory_space<vmem>>, vector<16xf32>,
      %swap3A_538 = arith.constant 1008 : index
      %swap3A_539 = tpu.vector_load %arg11[%swap3A_538] {strides = array<i32>} : memref<1024xf32, #tpu.memory_space<vmem>>, vector<16xf32>,
      tpu.vector_store %arg11[%swap3A_538], %broadcast_in_dim3A_0 {strides = array<i32>} : memref<1024xf32, #tpu.memory_space<vmem>>, vector<16xf32>,
      %scan3A_540 = arith.constant 0 : i32
      %scan3A_541 = arith.constant 0 : i32
      %scan3A_542 = arith.constant 50 : i32
      %scan3A_543 = arith.addi %scan3A_541, %scan3A_542 : i32
      %scan3A_544 = arith.constant 1 : i32
      %scan3A_545 = scf.for %scan3A_1261 = %scan3A_541 to %scan3A_543 step %scan3A_544 iter_args(%scan3A_1262 = %scan3A_540) -> (i32)  : i32 {
        %mul3A_1263 = arith.constant 16 : i32
        %mul3A_1264 = vector.broadcast %mul3A_1263 : i32 to vector<16xi32>
        %mul3A_1265 = arith.muli %iota3A, %mul3A_1264 : vector<16xi32>
        %mul3A_1266 = arith.constant 256 : i32
        %mul3A_1267 = arith.muli %scan3A_1261, %mul3A_1266 : i32
        %add3A_1268 = vector.broadcast %mul3A_1267 : i32 to vector<16xi32>
        %add3A_1269 = arith.addi %mul3A_1265, %add3A_1268 : vector<16xi32>
        %add3A_1270 = arith.constant 0 : i32
        %add3A_1271 = vector.broadcast %add3A_1270 : i32 to vector<16xi32>
        %add3A_1272 = arith.addi %add3A_1269, %add3A_1271 : vector<16xi32>
        %shift_right_arithmetic3A = arith.constant 7 : i32
        %shift_right_arithmetic3A_1273 = vector.broadcast %shift_right_arithmetic3A : i32 to vector<16xi32>
        %shift_right_arithmetic3A_1274 = arith.shrsi %add3A_1272, %shift_right_arithmetic3A_1273 : vector<16xi32>
        %and3A = arith.constant 127 : i32
        %and3A_1275 = vector.broadcast %and3A : i32 to vector<16xi32>
        %and3A_1276 = arith.andi %add3A_1272, %and3A_1275 : vector<16xi32>
        %gather3A_1277 = tpu.vector_load_idx %arg10[%shift_right_arithmetic3A_1274, %and3A_1276] : memref<128x128xf32, #tpu.memory_space<vmem>>[vector<16xi32>, vector<16xi32>], vector<16xf32>,
        %max3A_1278 = arith.maximumf %broadcast_in_dim3A_0, %gather3A_1277 : vector<16xf32>
        %mul3A_1279 = arith.constant 16 : i32
        %mul3A_1280 = vector.broadcast %mul3A_1279 : i32 to vector<16xi32>
        %mul3A_1281 = arith.muli %iota3A, %mul3A_1280 : vector<16xi32>
        %mul3A_1282 = arith.constant 256 : i32
        %mul3A_1283 = arith.muli %scan3A_1261, %mul3A_1282 : i32
        %add3A_1284 = vector.broadcast %mul3A_1283 : i32 to vector<16xi32>
        %add3A_1285 = arith.addi %mul3A_1281, %add3A_1284 : vector<16xi32>
        %add3A_1286 = arith.constant 1 : i32
        %add3A_1287 = vector.broadcast %add3A_1286 : i32 to vector<16xi32>
        %add3A_1288 = arith.addi %add3A_1285, %add3A_1287 : vector<16xi32>
        %shift_right_arithmetic3A_1289 = arith.constant 7 : i32
        %shift_right_arithmetic3A_1290 = vector.broadcast %shift_right_arithmetic3A_1289 : i32 to vector<16xi32>
        %shift_right_arithmetic3A_1291 = arith.shrsi %add3A_1288, %shift_right_arithmetic3A_1290 : vector<16xi32>
        %and3A_1292 = arith.constant 127 : i32
        %and3A_1293 = vector.broadcast %and3A_1292 : i32 to vector<16xi32>
        %and3A_1294 = arith.andi %add3A_1288, %and3A_1293 : vector<16xi32>
        %gather3A_1295 = tpu.vector_load_idx %arg10[%shift_right_arithmetic3A_1291, %and3A_1294] : memref<128x128xf32, #tpu.memory_space<vmem>>[vector<16xi32>, vector<16xi32>], vector<16xf32>,
        %max3A_1296 = arith.maximumf %max3A_1278, %gather3A_1295 : vector<16xf32>
        %mul3A_1297 = arith.constant 16 : i32
        %mul3A_1298 = vector.broadcast %mul3A_1297 : i32 to vector<16xi32>
        %mul3A_1299 = arith.muli %iota3A, %mul3A_1298 : vector<16xi32>
        %mul3A_1300 = arith.constant 256 : i32
        %mul3A_1301 = arith.muli %scan3A_1261, %mul3A_1300 : i32
        %add3A_1302 = vector.broadcast %mul3A_1301 : i32 to vector<16xi32>
        %add3A_1303 = arith.addi %mul3A_1299, %add3A_1302 : vector<16xi32>
        %add3A_1304 = arith.constant 2 : i32
        %add3A_1305 = vector.broadcast %add3A_1304 : i32 to vector<16xi32>
        %add3A_1306 = arith.addi %add3A_1303, %add3A_1305 : vector<16xi32>
        %shift_right_arithmetic3A_1307 = arith.constant 7 : i32
        %shift_right_arithmetic3A_1308 = vector.broadcast %shift_right_arithmetic3A_1307 : i32 to vector<16xi32>
        %shift_right_arithmetic3A_1309 = arith.shrsi %add3A_1306, %shift_right_arithmetic3A_1308 : vector<16xi32>
        %and3A_1310 = arith.constant 127 : i32
        %and3A_1311 = vector.broadcast %and3A_1310 : i32 to vector<16xi32>
        %and3A_1312 = arith.andi %add3A_1306, %and3A_1311 : vector<16xi32>
        %gather3A_1313 = tpu.vector_load_idx %arg10[%shift_right_arithmetic3A_1309, %and3A_1312] : memref<128x128xf32, #tpu.memory_space<vmem>>[vector<16xi32>, vector<16xi32>], vector<16xf32>,
        %max3A_1314 = arith.maximumf %max3A_1296, %gather3A_1313 : vector<16xf32>
        %mul3A_1315 = arith.constant 16 : i32
        %mul3A_1316 = vector.broadcast %mul3A_1315 : i32 to vector<16xi32>
        %mul3A_1317 = arith.muli %iota3A, %mul3A_1316 : vector<16xi32>
        %mul3A_1318 = arith.constant 256 : i32
        %mul3A_1319 = arith.muli %scan3A_1261, %mul3A_1318 : i32
        %add3A_1320 = vector.broadcast %mul3A_1319 : i32 to vector<16xi32>
        %add3A_1321 = arith.addi %mul3A_1317, %add3A_1320 : vector<16xi32>
        %add3A_1322 = arith.constant 3 : i32
        %add3A_1323 = vector.broadcast %add3A_1322 : i32 to vector<16xi32>
        %add3A_1324 = arith.addi %add3A_1321, %add3A_1323 : vector<16xi32>
        %shift_right_arithmetic3A_1325 = arith.constant 7 : i32
        %shift_right_arithmetic3A_1326 = vector.broadcast %shift_right_arithmetic3A_1325 : i32 to vector<16xi32>
        %shift_right_arithmetic3A_1327 = arith.shrsi %add3A_1324, %shift_right_arithmetic3A_1326 : vector<16xi32>
        %and3A_1328 = arith.constant 127 : i32
        %and3A_1329 = vector.broadcast %and3A_1328 : i32 to vector<16xi32>
        %and3A_1330 = arith.andi %add3A_1324, %and3A_1329 : vector<16xi32>
        %gather3A_1331 = tpu.vector_load_idx %arg10[%shift_right_arithmetic3A_1327, %and3A_1330] : memref<128x128xf32, #tpu.memory_space<vmem>>[vector<16xi32>, vector<16xi32>], vector<16xf32>,
        %max3A_1332 = arith.maximumf %max3A_1314, %gather3A_1331 : vector<16xf32>
        %mul3A_1333 = arith.constant 16 : i32
        %mul3A_1334 = vector.broadcast %mul3A_1333 : i32 to vector<16xi32>
        %mul3A_1335 = arith.muli %iota3A, %mul3A_1334 : vector<16xi32>
        %mul3A_1336 = arith.constant 256 : i32
        %mul3A_1337 = arith.muli %scan3A_1261, %mul3A_1336 : i32
        %add3A_1338 = vector.broadcast %mul3A_1337 : i32 to vector<16xi32>
        %add3A_1339 = arith.addi %mul3A_1335, %add3A_1338 : vector<16xi32>
        %add3A_1340 = arith.constant 4 : i32
        %add3A_1341 = vector.broadcast %add3A_1340 : i32 to vector<16xi32>
        %add3A_1342 = arith.addi %add3A_1339, %add3A_1341 : vector<16xi32>
        %shift_right_arithmetic3A_1343 = arith.constant 7 : i32
        %shift_right_arithmetic3A_1344 = vector.broadcast %shift_right_arithmetic3A_1343 : i32 to vector<16xi32>
        %shift_right_arithmetic3A_1345 = arith.shrsi %add3A_1342, %shift_right_arithmetic3A_1344 : vector<16xi32>
        %and3A_1346 = arith.constant 127 : i32
        %and3A_1347 = vector.broadcast %and3A_1346 : i32 to vector<16xi32>
        %and3A_1348 = arith.andi %add3A_1342, %and3A_1347 : vector<16xi32>
        %gather3A_1349 = tpu.vector_load_idx %arg10[%shift_right_arithmetic3A_1345, %and3A_1348] : memref<128x128xf32, #tpu.memory_space<vmem>>[vector<16xi32>, vector<16xi32>], vector<16xf32>,
        %max3A_1350 = arith.maximumf %max3A_1332, %gather3A_1349 : vector<16xf32>
        %mul3A_1351 = arith.constant 16 : i32
        %mul3A_1352 = vector.broadcast %mul3A_1351 : i32 to vector<16xi32>
        %mul3A_1353 = arith.muli %iota3A, %mul3A_1352 : vector<16xi32>
        %mul3A_1354 = arith.constant 256 : i32
        %mul3A_1355 = arith.muli %scan3A_1261, %mul3A_1354 : i32
        %add3A_1356 = vector.broadcast %mul3A_1355 : i32 to vector<16xi32>
        %add3A_1357 = arith.addi %mul3A_1353, %add3A_1356 : vector<16xi32>
        %add3A_1358 = arith.constant 5 : i32
        %add3A_1359 = vector.broadcast %add3A_1358 : i32 to vector<16xi32>
        %add3A_1360 = arith.addi %add3A_1357, %add3A_1359 : vector<16xi32>
        %shift_right_arithmetic3A_1361 = arith.constant 7 : i32
        %shift_right_arithmetic3A_1362 = vector.broadcast %shift_right_arithmetic3A_1361 : i32 to vector<16xi32>
        %shift_right_arithmetic3A_1363 = arith.shrsi %add3A_1360, %shift_right_arithmetic3A_1362 : vector<16xi32>
        %and3A_1364 = arith.constant 127 : i32
        %and3A_1365 = vector.broadcast %and3A_1364 : i32 to vector<16xi32>
        %and3A_1366 = arith.andi %add3A_1360, %and3A_1365 : vector<16xi32>
        %gather3A_1367 = tpu.vector_load_idx %arg10[%shift_right_arithmetic3A_1363, %and3A_1366] : memref<128x128xf32, #tpu.memory_space<vmem>>[vector<16xi32>, vector<16xi32>], vector<16xf32>,
        %max3A_1368 = arith.maximumf %max3A_1350, %gather3A_1367 : vector<16xf32>
        %mul3A_1369 = arith.constant 16 : i32
        %mul3A_1370 = vector.broadcast %mul3A_1369 : i32 to vector<16xi32>
        %mul3A_1371 = arith.muli %iota3A, %mul3A_1370 : vector<16xi32>
        %mul3A_1372 = arith.constant 256 : i32
        %mul3A_1373 = arith.muli %scan3A_1261, %mul3A_1372 : i32
        %add3A_1374 = vector.broadcast %mul3A_1373 : i32 to vector<16xi32>
        %add3A_1375 = arith.addi %mul3A_1371, %add3A_1374 : vector<16xi32>
        %add3A_1376 = arith.constant 6 : i32
        %add3A_1377 = vector.broadcast %add3A_1376 : i32 to vector<16xi32>
        %add3A_1378 = arith.addi %add3A_1375, %add3A_1377 : vector<16xi32>
        %shift_right_arithmetic3A_1379 = arith.constant 7 : i32
        %shift_right_arithmetic3A_1380 = vector.broadcast %shift_right_arithmetic3A_1379 : i32 to vector<16xi32>
        %shift_right_arithmetic3A_1381 = arith.shrsi %add3A_1378, %shift_right_arithmetic3A_1380 : vector<16xi32>
        %and3A_1382 = arith.constant 127 : i32
        %and3A_1383 = vector.broadcast %and3A_1382 : i32 to vector<16xi32>
        %and3A_1384 = arith.andi %add3A_1378, %and3A_1383 : vector<16xi32>
        %gather3A_1385 = tpu.vector_load_idx %arg10[%shift_right_arithmetic3A_1381, %and3A_1384] : memref<128x128xf32, #tpu.memory_space<vmem>>[vector<16xi32>, vector<16xi32>], vector<16xf32>,
        %max3A_1386 = arith.maximumf %max3A_1368, %gather3A_1385 : vector<16xf32>
        %mul3A_1387 = arith.constant 16 : i32
        %mul3A_1388 = vector.broadcast %mul3A_1387 : i32 to vector<16xi32>
        %mul3A_1389 = arith.muli %iota3A, %mul3A_1388 : vector<16xi32>
        %mul3A_1390 = arith.constant 256 : i32
        %mul3A_1391 = arith.muli %scan3A_1261, %mul3A_1390 : i32
        %add3A_1392 = vector.broadcast %mul3A_1391 : i32 to vector<16xi32>
        %add3A_1393 = arith.addi %mul3A_1389, %add3A_1392 : vector<16xi32>
        %add3A_1394 = arith.constant 7 : i32
        %add3A_1395 = vector.broadcast %add3A_1394 : i32 to vector<16xi32>
        %add3A_1396 = arith.addi %add3A_1393, %add3A_1395 : vector<16xi32>
        %shift_right_arithmetic3A_1397 = arith.constant 7 : i32
        %shift_right_arithmetic3A_1398 = vector.broadcast %shift_right_arithmetic3A_1397 : i32 to vector<16xi32>
        %shift_right_arithmetic3A_1399 = arith.shrsi %add3A_1396, %shift_right_arithmetic3A_1398 : vector<16xi32>
        %and3A_1400 = arith.constant 127 : i32
        %and3A_1401 = vector.broadcast %and3A_1400 : i32 to vector<16xi32>
        %and3A_1402 = arith.andi %add3A_1396, %and3A_1401 : vector<16xi32>
        %gather3A_1403 = tpu.vector_load_idx %arg10[%shift_right_arithmetic3A_1399, %and3A_1402] : memref<128x128xf32, #tpu.memory_space<vmem>>[vector<16xi32>, vector<16xi32>], vector<16xf32>,
        %max3A_1404 = arith.maximumf %max3A_1386, %gather3A_1403 : vector<16xf32>
        %mul3A_1405 = arith.constant 16 : i32
        %mul3A_1406 = vector.broadcast %mul3A_1405 : i32 to vector<16xi32>
        %mul3A_1407 = arith.muli %iota3A, %mul3A_1406 : vector<16xi32>
        %mul3A_1408 = arith.constant 256 : i32
        %mul3A_1409 = arith.muli %scan3A_1261, %mul3A_1408 : i32
        %add3A_1410 = vector.broadcast %mul3A_1409 : i32 to vector<16xi32>
        %add3A_1411 = arith.addi %mul3A_1407, %add3A_1410 : vector<16xi32>
        %add3A_1412 = arith.constant 8 : i32
        %add3A_1413 = vector.broadcast %add3A_1412 : i32 to vector<16xi32>
        %add3A_1414 = arith.addi %add3A_1411, %add3A_1413 : vector<16xi32>
        %shift_right_arithmetic3A_1415 = arith.constant 7 : i32
        %shift_right_arithmetic3A_1416 = vector.broadcast %shift_right_arithmetic3A_1415 : i32 to vector<16xi32>
        %shift_right_arithmetic3A_1417 = arith.shrsi %add3A_1414, %shift_right_arithmetic3A_1416 : vector<16xi32>
        %and3A_1418 = arith.constant 127 : i32
        %and3A_1419 = vector.broadcast %and3A_1418 : i32 to vector<16xi32>
        %and3A_1420 = arith.andi %add3A_1414, %and3A_1419 : vector<16xi32>
        %gather3A_1421 = tpu.vector_load_idx %arg10[%shift_right_arithmetic3A_1417, %and3A_1420] : memref<128x128xf32, #tpu.memory_space<vmem>>[vector<16xi32>, vector<16xi32>], vector<16xf32>,
        %max3A_1422 = arith.maximumf %max3A_1404, %gather3A_1421 : vector<16xf32>
        %mul3A_1423 = arith.constant 16 : i32
        %mul3A_1424 = vector.broadcast %mul3A_1423 : i32 to vector<16xi32>
        %mul3A_1425 = arith.muli %iota3A, %mul3A_1424 : vector<16xi32>
        %mul3A_1426 = arith.constant 256 : i32
        %mul3A_1427 = arith.muli %scan3A_1261, %mul3A_1426 : i32
        %add3A_1428 = vector.broadcast %mul3A_1427 : i32 to vector<16xi32>
        %add3A_1429 = arith.addi %mul3A_1425, %add3A_1428 : vector<16xi32>
        %add3A_1430 = arith.constant 9 : i32
        %add3A_1431 = vector.broadcast %add3A_1430 : i32 to vector<16xi32>
        %add3A_1432 = arith.addi %add3A_1429, %add3A_1431 : vector<16xi32>
        %shift_right_arithmetic3A_1433 = arith.constant 7 : i32
        %shift_right_arithmetic3A_1434 = vector.broadcast %shift_right_arithmetic3A_1433 : i32 to vector<16xi32>
        %shift_right_arithmetic3A_1435 = arith.shrsi %add3A_1432, %shift_right_arithmetic3A_1434 : vector<16xi32>
        %and3A_1436 = arith.constant 127 : i32
        %and3A_1437 = vector.broadcast %and3A_1436 : i32 to vector<16xi32>
        %and3A_1438 = arith.andi %add3A_1432, %and3A_1437 : vector<16xi32>
        %gather3A_1439 = tpu.vector_load_idx %arg10[%shift_right_arithmetic3A_1435, %and3A_1438] : memref<128x128xf32, #tpu.memory_space<vmem>>[vector<16xi32>, vector<16xi32>], vector<16xf32>,
        %max3A_1440 = arith.maximumf %max3A_1422, %gather3A_1439 : vector<16xf32>
        %mul3A_1441 = arith.constant 16 : i32
        %mul3A_1442 = vector.broadcast %mul3A_1441 : i32 to vector<16xi32>
        %mul3A_1443 = arith.muli %iota3A, %mul3A_1442 : vector<16xi32>
        %mul3A_1444 = arith.constant 256 : i32
        %mul3A_1445 = arith.muli %scan3A_1261, %mul3A_1444 : i32
        %add3A_1446 = vector.broadcast %mul3A_1445 : i32 to vector<16xi32>
        %add3A_1447 = arith.addi %mul3A_1443, %add3A_1446 : vector<16xi32>
        %add3A_1448 = arith.constant 10 : i32
        %add3A_1449 = vector.broadcast %add3A_1448 : i32 to vector<16xi32>
        %add3A_1450 = arith.addi %add3A_1447, %add3A_1449 : vector<16xi32>
        %shift_right_arithmetic3A_1451 = arith.constant 7 : i32
        %shift_right_arithmetic3A_1452 = vector.broadcast %shift_right_arithmetic3A_1451 : i32 to vector<16xi32>
        %shift_right_arithmetic3A_1453 = arith.shrsi %add3A_1450, %shift_right_arithmetic3A_1452 : vector<16xi32>
        %and3A_1454 = arith.constant 127 : i32
        %and3A_1455 = vector.broadcast %and3A_1454 : i32 to vector<16xi32>
        %and3A_1456 = arith.andi %add3A_1450, %and3A_1455 : vector<16xi32>
        %gather3A_1457 = tpu.vector_load_idx %arg10[%shift_right_arithmetic3A_1453, %and3A_1456] : memref<128x128xf32, #tpu.memory_space<vmem>>[vector<16xi32>, vector<16xi32>], vector<16xf32>,
        %max3A_1458 = arith.maximumf %max3A_1440, %gather3A_1457 : vector<16xf32>
        %mul3A_1459 = arith.constant 16 : i32
        %mul3A_1460 = vector.broadcast %mul3A_1459 : i32 to vector<16xi32>
        %mul3A_1461 = arith.muli %iota3A, %mul3A_1460 : vector<16xi32>
        %mul3A_1462 = arith.constant 256 : i32
        %mul3A_1463 = arith.muli %scan3A_1261, %mul3A_1462 : i32
        %add3A_1464 = vector.broadcast %mul3A_1463 : i32 to vector<16xi32>
        %add3A_1465 = arith.addi %mul3A_1461, %add3A_1464 : vector<16xi32>
        %add3A_1466 = arith.constant 11 : i32
        %add3A_1467 = vector.broadcast %add3A_1466 : i32 to vector<16xi32>
        %add3A_1468 = arith.addi %add3A_1465, %add3A_1467 : vector<16xi32>
        %shift_right_arithmetic3A_1469 = arith.constant 7 : i32
        %shift_right_arithmetic3A_1470 = vector.broadcast %shift_right_arithmetic3A_1469 : i32 to vector<16xi32>
        %shift_right_arithmetic3A_1471 = arith.shrsi %add3A_1468, %shift_right_arithmetic3A_1470 : vector<16xi32>
        %and3A_1472 = arith.constant 127 : i32
        %and3A_1473 = vector.broadcast %and3A_1472 : i32 to vector<16xi32>
        %and3A_1474 = arith.andi %add3A_1468, %and3A_1473 : vector<16xi32>
        %gather3A_1475 = tpu.vector_load_idx %arg10[%shift_right_arithmetic3A_1471, %and3A_1474] : memref<128x128xf32, #tpu.memory_space<vmem>>[vector<16xi32>, vector<16xi32>], vector<16xf32>,
        %max3A_1476 = arith.maximumf %max3A_1458, %gather3A_1475 : vector<16xf32>
        %mul3A_1477 = arith.constant 16 : i32
        %mul3A_1478 = vector.broadcast %mul3A_1477 : i32 to vector<16xi32>
        %mul3A_1479 = arith.muli %iota3A, %mul3A_1478 : vector<16xi32>
        %mul3A_1480 = arith.constant 256 : i32
        %mul3A_1481 = arith.muli %scan3A_1261, %mul3A_1480 : i32
        %add3A_1482 = vector.broadcast %mul3A_1481 : i32 to vector<16xi32>
        %add3A_1483 = arith.addi %mul3A_1479, %add3A_1482 : vector<16xi32>
        %add3A_1484 = arith.constant 12 : i32
        %add3A_1485 = vector.broadcast %add3A_1484 : i32 to vector<16xi32>
        %add3A_1486 = arith.addi %add3A_1483, %add3A_1485 : vector<16xi32>
        %shift_right_arithmetic3A_1487 = arith.constant 7 : i32
        %shift_right_arithmetic3A_1488 = vector.broadcast %shift_right_arithmetic3A_1487 : i32 to vector<16xi32>
        %shift_right_arithmetic3A_1489 = arith.shrsi %add3A_1486, %shift_right_arithmetic3A_1488 : vector<16xi32>
        %and3A_1490 = arith.constant 127 : i32
        %and3A_1491 = vector.broadcast %and3A_1490 : i32 to vector<16xi32>
        %and3A_1492 = arith.andi %add3A_1486, %and3A_1491 : vector<16xi32>
        %gather3A_1493 = tpu.vector_load_idx %arg10[%shift_right_arithmetic3A_1489, %and3A_1492] : memref<128x128xf32, #tpu.memory_space<vmem>>[vector<16xi32>, vector<16xi32>], vector<16xf32>,
        %max3A_1494 = arith.maximumf %max3A_1476, %gather3A_1493 : vector<16xf32>
        %mul3A_1495 = arith.constant 16 : i32
        %mul3A_1496 = vector.broadcast %mul3A_1495 : i32 to vector<16xi32>
        %mul3A_1497 = arith.muli %iota3A, %mul3A_1496 : vector<16xi32>
        %mul3A_1498 = arith.constant 256 : i32
        %mul3A_1499 = arith.muli %scan3A_1261, %mul3A_1498 : i32
        %add3A_1500 = vector.broadcast %mul3A_1499 : i32 to vector<16xi32>
        %add3A_1501 = arith.addi %mul3A_1497, %add3A_1500 : vector<16xi32>
        %add3A_1502 = arith.constant 13 : i32
        %add3A_1503 = vector.broadcast %add3A_1502 : i32 to vector<16xi32>
        %add3A_1504 = arith.addi %add3A_1501, %add3A_1503 : vector<16xi32>
        %shift_right_arithmetic3A_1505 = arith.constant 7 : i32
        %shift_right_arithmetic3A_1506 = vector.broadcast %shift_right_arithmetic3A_1505 : i32 to vector<16xi32>
        %shift_right_arithmetic3A_1507 = arith.shrsi %add3A_1504, %shift_right_arithmetic3A_1506 : vector<16xi32>
        %and3A_1508 = arith.constant 127 : i32
        %and3A_1509 = vector.broadcast %and3A_1508 : i32 to vector<16xi32>
        %and3A_1510 = arith.andi %add3A_1504, %and3A_1509 : vector<16xi32>
        %gather3A_1511 = tpu.vector_load_idx %arg10[%shift_right_arithmetic3A_1507, %and3A_1510] : memref<128x128xf32, #tpu.memory_space<vmem>>[vector<16xi32>, vector<16xi32>], vector<16xf32>,
        %max3A_1512 = arith.maximumf %max3A_1494, %gather3A_1511 : vector<16xf32>
        %mul3A_1513 = arith.constant 16 : i32
        %mul3A_1514 = vector.broadcast %mul3A_1513 : i32 to vector<16xi32>
        %mul3A_1515 = arith.muli %iota3A, %mul3A_1514 : vector<16xi32>
        %mul3A_1516 = arith.constant 256 : i32
        %mul3A_1517 = arith.muli %scan3A_1261, %mul3A_1516 : i32
        %add3A_1518 = vector.broadcast %mul3A_1517 : i32 to vector<16xi32>
        %add3A_1519 = arith.addi %mul3A_1515, %add3A_1518 : vector<16xi32>
        %add3A_1520 = arith.constant 14 : i32
        %add3A_1521 = vector.broadcast %add3A_1520 : i32 to vector<16xi32>
        %add3A_1522 = arith.addi %add3A_1519, %add3A_1521 : vector<16xi32>
        %shift_right_arithmetic3A_1523 = arith.constant 7 : i32
        %shift_right_arithmetic3A_1524 = vector.broadcast %shift_right_arithmetic3A_1523 : i32 to vector<16xi32>
        %shift_right_arithmetic3A_1525 = arith.shrsi %add3A_1522, %shift_right_arithmetic3A_1524 : vector<16xi32>
        %and3A_1526 = arith.constant 127 : i32
        %and3A_1527 = vector.broadcast %and3A_1526 : i32 to vector<16xi32>
        %and3A_1528 = arith.andi %add3A_1522, %and3A_1527 : vector<16xi32>
        %gather3A_1529 = tpu.vector_load_idx %arg10[%shift_right_arithmetic3A_1525, %and3A_1528] : memref<128x128xf32, #tpu.memory_space<vmem>>[vector<16xi32>, vector<16xi32>], vector<16xf32>,
        %max3A_1530 = arith.maximumf %max3A_1512, %gather3A_1529 : vector<16xf32>
        %mul3A_1531 = arith.constant 16 : i32
        %mul3A_1532 = vector.broadcast %mul3A_1531 : i32 to vector<16xi32>
        %mul3A_1533 = arith.muli %iota3A, %mul3A_1532 : vector<16xi32>
        %mul3A_1534 = arith.constant 256 : i32
        %mul3A_1535 = arith.muli %scan3A_1261, %mul3A_1534 : i32
        %add3A_1536 = vector.broadcast %mul3A_1535 : i32 to vector<16xi32>
        %add3A_1537 = arith.addi %mul3A_1533, %add3A_1536 : vector<16xi32>
        %add3A_1538 = arith.constant 15 : i32
        %add3A_1539 = vector.broadcast %add3A_1538 : i32 to vector<16xi32>
        %add3A_1540 = arith.addi %add3A_1537, %add3A_1539 : vector<16xi32>
        %shift_right_arithmetic3A_1541 = arith.constant 7 : i32
        %shift_right_arithmetic3A_1542 = vector.broadcast %shift_right_arithmetic3A_1541 : i32 to vector<16xi32>
        %shift_right_arithmetic3A_1543 = arith.shrsi %add3A_1540, %shift_right_arithmetic3A_1542 : vector<16xi32>
        %and3A_1544 = arith.constant 127 : i32
        %and3A_1545 = vector.broadcast %and3A_1544 : i32 to vector<16xi32>
        %and3A_1546 = arith.andi %add3A_1540, %and3A_1545 : vector<16xi32>
        %gather3A_1547 = tpu.vector_load_idx %arg10[%shift_right_arithmetic3A_1543, %and3A_1546] : memref<128x128xf32, #tpu.memory_space<vmem>>[vector<16xi32>, vector<16xi32>], vector<16xf32>,
        %max3A_1548 = arith.maximumf %max3A_1530, %gather3A_1547 : vector<16xf32>
        %mul3A_1549 = arith.constant 16 : i32
        %mul3A_1550 = arith.muli %scan3A_1261, %mul3A_1549 : i32
        %swap3A_1551 = arith.index_cast %mul3A_1550 : i32 to index
        %swap3A_1552 = tpu.vector_load %arg11[%swap3A_1551] {strides = array<i32>} : memref<1024xf32, #tpu.memory_space<vmem>>, vector<16xf32>,
        tpu.vector_store %arg11[%swap3A_1551], %max3A_1548 {strides = array<i32>} : memref<1024xf32, #tpu.memory_space<vmem>>, vector<16xf32>,
        %scan3A_1553 = arith.constant 0 : i32
        scf.yield %scan3A_1553 : i32
      }
      %scan3A_546 = arith.constant 50 : i32
      %mul3A_547 = arith.constant 16 : i32
      %mul3A_548 = vector.broadcast %mul3A_547 : i32 to vector<16xi32>
      %mul3A_549 = arith.muli %iota3A, %mul3A_548 : vector<16xi32>
      %add3A_550 = arith.constant 0 : i32
      %add3A_551 = vector.broadcast %add3A_550 : i32 to vector<16xi32>
      %add3A_552 = arith.addi %mul3A_549, %add3A_551 : vector<16xi32>
      %add3A_553 = arith.constant 0 : i32
      %add3A_554 = vector.broadcast %add3A_553 : i32 to vector<16xi32>
      %add3A_555 = arith.addi %add3A_552, %add3A_554 : vector<16xi32>
      %gather3A_556 = tpu.vector_load_idx %arg11[%add3A_555] : memref<1024xf32, #tpu.memory_space<vmem>>[vector<16xi32>], vector<16xf32>,
      %max3A_557 = arith.maximumf %broadcast_in_dim3A_0, %gather3A_556 : vector<16xf32>
      %mul3A_558 = arith.constant 16 : i32
      %mul3A_559 = vector.broadcast %mul3A_558 : i32 to vector<16xi32>
      %mul3A_560 = arith.muli %iota3A, %mul3A_559 : vector<16xi32>
      %add3A_561 = arith.constant 0 : i32
      %add3A_562 = vector.broadcast %add3A_561 : i32 to vector<16xi32>
      %add3A_563 = arith.addi %mul3A_560, %add3A_562 : vector<16xi32>
      %add3A_564 = arith.constant 1 : i32
      %add3A_565 = vector.broadcast %add3A_564 : i32 to vector<16xi32>
      %add3A_566 = arith.addi %add3A_563, %add3A_565 : vector<16xi32>
      %gather3A_567 = tpu.vector_load_idx %arg11[%add3A_566] : memref<1024xf32, #tpu.memory_space<vmem>>[vector<16xi32>], vector<16xf32>,
      %max3A_568 = arith.maximumf %max3A_557, %gather3A_567 : vector<16xf32>
      %mul3A_569 = arith.constant 16 : i32
      %mul3A_570 = vector.broadcast %mul3A_569 : i32 to vector<16xi32>
      %mul3A_571 = arith.muli %iota3A, %mul3A_570 : vector<16xi32>
      %add3A_572 = arith.constant 0 : i32
      %add3A_573 = vector.broadcast %add3A_572 : i32 to vector<16xi32>
      %add3A_574 = arith.addi %mul3A_571, %add3A_573 : vector<16xi32>
      %add3A_575 = arith.constant 2 : i32
      %add3A_576 = vector.broadcast %add3A_575 : i32 to vector<16xi32>
      %add3A_577 = arith.addi %add3A_574, %add3A_576 : vector<16xi32>
      %gather3A_578 = tpu.vector_load_idx %arg11[%add3A_577] : memref<1024xf32, #tpu.memory_space<vmem>>[vector<16xi32>], vector<16xf32>,
      %max3A_579 = arith.maximumf %max3A_568, %gather3A_578 : vector<16xf32>
      %mul3A_580 = arith.constant 16 : i32
      %mul3A_581 = vector.broadcast %mul3A_580 : i32 to vector<16xi32>
      %mul3A_582 = arith.muli %iota3A, %mul3A_581 : vector<16xi32>
      %add3A_583 = arith.constant 0 : i32
      %add3A_584 = vector.broadcast %add3A_583 : i32 to vector<16xi32>
      %add3A_585 = arith.addi %mul3A_582, %add3A_584 : vector<16xi32>
      %add3A_586 = arith.constant 3 : i32
      %add3A_587 = vector.broadcast %add3A_586 : i32 to vector<16xi32>
      %add3A_588 = arith.addi %add3A_585, %add3A_587 : vector<16xi32>
      %gather3A_589 = tpu.vector_load_idx %arg11[%add3A_588] : memref<1024xf32, #tpu.memory_space<vmem>>[vector<16xi32>], vector<16xf32>,
      %max3A_590 = arith.maximumf %max3A_579, %gather3A_589 : vector<16xf32>
      %mul3A_591 = arith.constant 16 : i32
      %mul3A_592 = vector.broadcast %mul3A_591 : i32 to vector<16xi32>
      %mul3A_593 = arith.muli %iota3A, %mul3A_592 : vector<16xi32>
      %add3A_594 = arith.constant 0 : i32
      %add3A_595 = vector.broadcast %add3A_594 : i32 to vector<16xi32>
      %add3A_596 = arith.addi %mul3A_593, %add3A_595 : vector<16xi32>
      %add3A_597 = arith.constant 4 : i32
      %add3A_598 = vector.broadcast %add3A_597 : i32 to vector<16xi32>
      %add3A_599 = arith.addi %add3A_596, %add3A_598 : vector<16xi32>
      %gather3A_600 = tpu.vector_load_idx %arg11[%add3A_599] : memref<1024xf32, #tpu.memory_space<vmem>>[vector<16xi32>], vector<16xf32>,
      %max3A_601 = arith.maximumf %max3A_590, %gather3A_600 : vector<16xf32>
      %mul3A_602 = arith.constant 16 : i32
      %mul3A_603 = vector.broadcast %mul3A_602 : i32 to vector<16xi32>
      %mul3A_604 = arith.muli %iota3A, %mul3A_603 : vector<16xi32>
      %add3A_605 = arith.constant 0 : i32
      %add3A_606 = vector.broadcast %add3A_605 : i32 to vector<16xi32>
      %add3A_607 = arith.addi %mul3A_604, %add3A_606 : vector<16xi32>
      %add3A_608 = arith.constant 5 : i32
      %add3A_609 = vector.broadcast %add3A_608 : i32 to vector<16xi32>
      %add3A_610 = arith.addi %add3A_607, %add3A_609 : vector<16xi32>
      %gather3A_611 = tpu.vector_load_idx %arg11[%add3A_610] : memref<1024xf32, #tpu.memory_space<vmem>>[vector<16xi32>], vector<16xf32>,
      %max3A_612 = arith.maximumf %max3A_601, %gather3A_611 : vector<16xf32>
      %mul3A_613 = arith.constant 16 : i32
      %mul3A_614 = vector.broadcast %mul3A_613 : i32 to vector<16xi32>
      %mul3A_615 = arith.muli %iota3A, %mul3A_614 : vector<16xi32>
      %add3A_616 = arith.constant 0 : i32
      %add3A_617 = vector.broadcast %add3A_616 : i32 to vector<16xi32>
      %add3A_618 = arith.addi %mul3A_615, %add3A_617 : vector<16xi32>
      %add3A_619 = arith.constant 6 : i32
      %add3A_620 = vector.broadcast %add3A_619 : i32 to vector<16xi32>
      %add3A_621 = arith.addi %add3A_618, %add3A_620 : vector<16xi32>
      %gather3A_622 = tpu.vector_load_idx %arg11[%add3A_621] : memref<1024xf32, #tpu.memory_space<vmem>>[vector<16xi32>], vector<16xf32>,
      %max3A_623 = arith.maximumf %max3A_612, %gather3A_622 : vector<16xf32>
      %mul3A_624 = arith.constant 16 : i32
      %mul3A_625 = vector.broadcast %mul3A_624 : i32 to vector<16xi32>
      %mul3A_626 = arith.muli %iota3A, %mul3A_625 : vector<16xi32>
      %add3A_627 = arith.constant 0 : i32
      %add3A_628 = vector.broadcast %add3A_627 : i32 to vector<16xi32>
      %add3A_629 = arith.addi %mul3A_626, %add3A_628 : vector<16xi32>
      %add3A_630 = arith.constant 7 : i32
      %add3A_631 = vector.broadcast %add3A_630 : i32 to vector<16xi32>
      %add3A_632 = arith.addi %add3A_629, %add3A_631 : vector<16xi32>
      %gather3A_633 = tpu.vector_load_idx %arg11[%add3A_632] : memref<1024xf32, #tpu.memory_space<vmem>>[vector<16xi32>], vector<16xf32>,
      %max3A_634 = arith.maximumf %max3A_623, %gather3A_633 : vector<16xf32>
      %mul3A_635 = arith.constant 16 : i32
      %mul3A_636 = vector.broadcast %mul3A_635 : i32 to vector<16xi32>
      %mul3A_637 = arith.muli %iota3A, %mul3A_636 : vector<16xi32>
      %add3A_638 = arith.constant 0 : i32
      %add3A_639 = vector.broadcast %add3A_638 : i32 to vector<16xi32>
      %add3A_640 = arith.addi %mul3A_637, %add3A_639 : vector<16xi32>
      %add3A_641 = arith.constant 8 : i32
      %add3A_642 = vector.broadcast %add3A_641 : i32 to vector<16xi32>
      %add3A_643 = arith.addi %add3A_640, %add3A_642 : vector<16xi32>
      %gather3A_644 = tpu.vector_load_idx %arg11[%add3A_643] : memref<1024xf32, #tpu.memory_space<vmem>>[vector<16xi32>], vector<16xf32>,
      %max3A_645 = arith.maximumf %max3A_634, %gather3A_644 : vector<16xf32>
      %mul3A_646 = arith.constant 16 : i32
      %mul3A_647 = vector.broadcast %mul3A_646 : i32 to vector<16xi32>
      %mul3A_648 = arith.muli %iota3A, %mul3A_647 : vector<16xi32>
      %add3A_649 = arith.constant 0 : i32
      %add3A_650 = vector.broadcast %add3A_649 : i32 to vector<16xi32>
      %add3A_651 = arith.addi %mul3A_648, %add3A_650 : vector<16xi32>
      %add3A_652 = arith.constant 9 : i32
      %add3A_653 = vector.broadcast %add3A_652 : i32 to vector<16xi32>
      %add3A_654 = arith.addi %add3A_651, %add3A_653 : vector<16xi32>
      %gather3A_655 = tpu.vector_load_idx %arg11[%add3A_654] : memref<1024xf32, #tpu.memory_space<vmem>>[vector<16xi32>], vector<16xf32>,
      %max3A_656 = arith.maximumf %max3A_645, %gather3A_655 : vector<16xf32>
      %mul3A_657 = arith.constant 16 : i32
      %mul3A_658 = vector.broadcast %mul3A_657 : i32 to vector<16xi32>
      %mul3A_659 = arith.muli %iota3A, %mul3A_658 : vector<16xi32>
      %add3A_660 = arith.constant 0 : i32
      %add3A_661 = vector.broadcast %add3A_660 : i32 to vector<16xi32>
      %add3A_662 = arith.addi %mul3A_659, %add3A_661 : vector<16xi32>
      %add3A_663 = arith.constant 10 : i32
      %add3A_664 = vector.broadcast %add3A_663 : i32 to vector<16xi32>
      %add3A_665 = arith.addi %add3A_662, %add3A_664 : vector<16xi32>
      %gather3A_666 = tpu.vector_load_idx %arg11[%add3A_665] : memref<1024xf32, #tpu.memory_space<vmem>>[vector<16xi32>], vector<16xf32>,
      %max3A_667 = arith.maximumf %max3A_656, %gather3A_666 : vector<16xf32>
      %mul3A_668 = arith.constant 16 : i32
      %mul3A_669 = vector.broadcast %mul3A_668 : i32 to vector<16xi32>
      %mul3A_670 = arith.muli %iota3A, %mul3A_669 : vector<16xi32>
      %add3A_671 = arith.constant 0 : i32
      %add3A_672 = vector.broadcast %add3A_671 : i32 to vector<16xi32>
      %add3A_673 = arith.addi %mul3A_670, %add3A_672 : vector<16xi32>
      %add3A_674 = arith.constant 11 : i32
      %add3A_675 = vector.broadcast %add3A_674 : i32 to vector<16xi32>
      %add3A_676 = arith.addi %add3A_673, %add3A_675 : vector<16xi32>
      %gather3A_677 = tpu.vector_load_idx %arg11[%add3A_676] : memref<1024xf32, #tpu.memory_space<vmem>>[vector<16xi32>], vector<16xf32>,
      %max3A_678 = arith.maximumf %max3A_667, %gather3A_677 : vector<16xf32>
      %mul3A_679 = arith.constant 16 : i32
      %mul3A_680 = vector.broadcast %mul3A_679 : i32 to vector<16xi32>
      %mul3A_681 = arith.muli %iota3A, %mul3A_680 : vector<16xi32>
      %add3A_682 = arith.constant 0 : i32
      %add3A_683 = vector.broadcast %add3A_682 : i32 to vector<16xi32>
      %add3A_684 = arith.addi %mul3A_681, %add3A_683 : vector<16xi32>
      %add3A_685 = arith.constant 12 : i32
      %add3A_686 = vector.broadcast %add3A_685 : i32 to vector<16xi32>
      %add3A_687 = arith.addi %add3A_684, %add3A_686 : vector<16xi32>
      %gather3A_688 = tpu.vector_load_idx %arg11[%add3A_687] : memref<1024xf32, #tpu.memory_space<vmem>>[vector<16xi32>], vector<16xf32>,
      %max3A_689 = arith.maximumf %max3A_678, %gather3A_688 : vector<16xf32>
      %mul3A_690 = arith.constant 16 : i32
      %mul3A_691 = vector.broadcast %mul3A_690 : i32 to vector<16xi32>
      %mul3A_692 = arith.muli %iota3A, %mul3A_691 : vector<16xi32>
      %add3A_693 = arith.constant 0 : i32
      %add3A_694 = vector.broadcast %add3A_693 : i32 to vector<16xi32>
      %add3A_695 = arith.addi %mul3A_692, %add3A_694 : vector<16xi32>
      %add3A_696 = arith.constant 13 : i32
      %add3A_697 = vector.broadcast %add3A_696 : i32 to vector<16xi32>
      %add3A_698 = arith.addi %add3A_695, %add3A_697 : vector<16xi32>
      %gather3A_699 = tpu.vector_load_idx %arg11[%add3A_698] : memref<1024xf32, #tpu.memory_space<vmem>>[vector<16xi32>], vector<16xf32>,
      %max3A_700 = arith.maximumf %max3A_689, %gather3A_699 : vector<16xf32>
      %mul3A_701 = arith.constant 16 : i32
      %mul3A_702 = vector.broadcast %mul3A_701 : i32 to vector<16xi32>
      %mul3A_703 = arith.muli %iota3A, %mul3A_702 : vector<16xi32>
      %add3A_704 = arith.constant 0 : i32
      %add3A_705 = vector.broadcast %add3A_704 : i32 to vector<16xi32>
      %add3A_706 = arith.addi %mul3A_703, %add3A_705 : vector<16xi32>
      %add3A_707 = arith.constant 14 : i32
      %add3A_708 = vector.broadcast %add3A_707 : i32 to vector<16xi32>
      %add3A_709 = arith.addi %add3A_706, %add3A_708 : vector<16xi32>
      %gather3A_710 = tpu.vector_load_idx %arg11[%add3A_709] : memref<1024xf32, #tpu.memory_space<vmem>>[vector<16xi32>], vector<16xf32>,
      %max3A_711 = arith.maximumf %max3A_700, %gather3A_710 : vector<16xf32>
      %mul3A_712 = arith.constant 16 : i32
      %mul3A_713 = vector.broadcast %mul3A_712 : i32 to vector<16xi32>
      %mul3A_714 = arith.muli %iota3A, %mul3A_713 : vector<16xi32>
      %add3A_715 = arith.constant 0 : i32
      %add3A_716 = vector.broadcast %add3A_715 : i32 to vector<16xi32>
      %add3A_717 = arith.addi %mul3A_714, %add3A_716 : vector<16xi32>
      %add3A_718 = arith.constant 15 : i32
      %add3A_719 = vector.broadcast %add3A_718 : i32 to vector<16xi32>
      %add3A_720 = arith.addi %add3A_717, %add3A_719 : vector<16xi32>
      %gather3A_721 = tpu.vector_load_idx %arg11[%add3A_720] : memref<1024xf32, #tpu.memory_space<vmem>>[vector<16xi32>], vector<16xf32>,
      %max3A_722 = arith.maximumf %max3A_711, %gather3A_721 : vector<16xf32>
      %mul3A_723 = arith.constant 16 : i32
      %mul3A_724 = vector.broadcast %mul3A_723 : i32 to vector<16xi32>
      %mul3A_725 = arith.muli %iota3A, %mul3A_724 : vector<16xi32>
      %add3A_726 = arith.constant 256 : i32
      %add3A_727 = vector.broadcast %add3A_726 : i32 to vector<16xi32>
      %add3A_728 = arith.addi %mul3A_725, %add3A_727 : vector<16xi32>
      %add3A_729 = arith.constant 0 : i32
      %add3A_730 = vector.broadcast %add3A_729 : i32 to vector<16xi32>
      %add3A_731 = arith.addi %add3A_728, %add3A_730 : vector<16xi32>
      %gather3A_732 = tpu.vector_load_idx %arg11[%add3A_731] : memref<1024xf32, #tpu.memory_space<vmem>>[vector<16xi32>], vector<16xf32>,
      %max3A_733 = arith.maximumf %broadcast_in_dim3A_0, %gather3A_732 : vector<16xf32>
      %mul3A_734 = arith.constant 16 : i32
      %mul3A_735 = vector.broadcast %mul3A_734 : i32 to vector<16xi32>
      %mul3A_736 = arith.muli %iota3A, %mul3A_735 : vector<16xi32>
      %add3A_737 = arith.constant 256 : i32
      %add3A_738 = vector.broadcast %add3A_737 : i32 to vector<16xi32>
      %add3A_739 = arith.addi %mul3A_736, %add3A_738 : vector<16xi32>
      %add3A_740 = arith.constant 1 : i32
      %add3A_741 = vector.broadcast %add3A_740 : i32 to vector<16xi32>
      %add3A_742 = arith.addi %add3A_739, %add3A_741 : vector<16xi32>
      %gather3A_743 = tpu.vector_load_idx %arg11[%add3A_742] : memref<1024xf32, #tpu.memory_space<vmem>>[vector<16xi32>], vector<16xf32>,
      %max3A_744 = arith.maximumf %max3A_733, %gather3A_743 : vector<16xf32>
      %mul3A_745 = arith.constant 16 : i32
      %mul3A_746 = vector.broadcast %mul3A_745 : i32 to vector<16xi32>
      %mul3A_747 = arith.muli %iota3A, %mul3A_746 : vector<16xi32>
      %add3A_748 = arith.constant 256 : i32
      %add3A_749 = vector.broadcast %add3A_748 : i32 to vector<16xi32>
      %add3A_750 = arith.addi %mul3A_747, %add3A_749 : vector<16xi32>
      %add3A_751 = arith.constant 2 : i32
      %add3A_752 = vector.broadcast %add3A_751 : i32 to vector<16xi32>
      %add3A_753 = arith.addi %add3A_750, %add3A_752 : vector<16xi32>
      %gather3A_754 = tpu.vector_load_idx %arg11[%add3A_753] : memref<1024xf32, #tpu.memory_space<vmem>>[vector<16xi32>], vector<16xf32>,
      %max3A_755 = arith.maximumf %max3A_744, %gather3A_754 : vector<16xf32>
      %mul3A_756 = arith.constant 16 : i32
      %mul3A_757 = vector.broadcast %mul3A_756 : i32 to vector<16xi32>
      %mul3A_758 = arith.muli %iota3A, %mul3A_757 : vector<16xi32>
      %add3A_759 = arith.constant 256 : i32
      %add3A_760 = vector.broadcast %add3A_759 : i32 to vector<16xi32>
      %add3A_761 = arith.addi %mul3A_758, %add3A_760 : vector<16xi32>
      %add3A_762 = arith.constant 3 : i32
      %add3A_763 = vector.broadcast %add3A_762 : i32 to vector<16xi32>
      %add3A_764 = arith.addi %add3A_761, %add3A_763 : vector<16xi32>
      %gather3A_765 = tpu.vector_load_idx %arg11[%add3A_764] : memref<1024xf32, #tpu.memory_space<vmem>>[vector<16xi32>], vector<16xf32>,
      %max3A_766 = arith.maximumf %max3A_755, %gather3A_765 : vector<16xf32>
      %mul3A_767 = arith.constant 16 : i32
      %mul3A_768 = vector.broadcast %mul3A_767 : i32 to vector<16xi32>
      %mul3A_769 = arith.muli %iota3A, %mul3A_768 : vector<16xi32>
      %add3A_770 = arith.constant 256 : i32
      %add3A_771 = vector.broadcast %add3A_770 : i32 to vector<16xi32>
      %add3A_772 = arith.addi %mul3A_769, %add3A_771 : vector<16xi32>
      %add3A_773 = arith.constant 4 : i32
      %add3A_774 = vector.broadcast %add3A_773 : i32 to vector<16xi32>
      %add3A_775 = arith.addi %add3A_772, %add3A_774 : vector<16xi32>
      %gather3A_776 = tpu.vector_load_idx %arg11[%add3A_775] : memref<1024xf32, #tpu.memory_space<vmem>>[vector<16xi32>], vector<16xf32>,
      %max3A_777 = arith.maximumf %max3A_766, %gather3A_776 : vector<16xf32>
      %mul3A_778 = arith.constant 16 : i32
      %mul3A_779 = vector.broadcast %mul3A_778 : i32 to vector<16xi32>
      %mul3A_780 = arith.muli %iota3A, %mul3A_779 : vector<16xi32>
      %add3A_781 = arith.constant 256 : i32
      %add3A_782 = vector.broadcast %add3A_781 : i32 to vector<16xi32>
      %add3A_783 = arith.addi %mul3A_780, %add3A_782 : vector<16xi32>
      %add3A_784 = arith.constant 5 : i32
      %add3A_785 = vector.broadcast %add3A_784 : i32 to vector<16xi32>
      %add3A_786 = arith.addi %add3A_783, %add3A_785 : vector<16xi32>
      %gather3A_787 = tpu.vector_load_idx %arg11[%add3A_786] : memref<1024xf32, #tpu.memory_space<vmem>>[vector<16xi32>], vector<16xf32>,
      %max3A_788 = arith.maximumf %max3A_777, %gather3A_787 : vector<16xf32>
      %mul3A_789 = arith.constant 16 : i32
      %mul3A_790 = vector.broadcast %mul3A_789 : i32 to vector<16xi32>
      %mul3A_791 = arith.muli %iota3A, %mul3A_790 : vector<16xi32>
      %add3A_792 = arith.constant 256 : i32
      %add3A_793 = vector.broadcast %add3A_792 : i32 to vector<16xi32>
      %add3A_794 = arith.addi %mul3A_791, %add3A_793 : vector<16xi32>
      %add3A_795 = arith.constant 6 : i32
      %add3A_796 = vector.broadcast %add3A_795 : i32 to vector<16xi32>
      %add3A_797 = arith.addi %add3A_794, %add3A_796 : vector<16xi32>
      %gather3A_798 = tpu.vector_load_idx %arg11[%add3A_797] : memref<1024xf32, #tpu.memory_space<vmem>>[vector<16xi32>], vector<16xf32>,
      %max3A_799 = arith.maximumf %max3A_788, %gather3A_798 : vector<16xf32>
      %mul3A_800 = arith.constant 16 : i32
      %mul3A_801 = vector.broadcast %mul3A_800 : i32 to vector<16xi32>
      %mul3A_802 = arith.muli %iota3A, %mul3A_801 : vector<16xi32>
      %add3A_803 = arith.constant 256 : i32
      %add3A_804 = vector.broadcast %add3A_803 : i32 to vector<16xi32>
      %add3A_805 = arith.addi %mul3A_802, %add3A_804 : vector<16xi32>
      %add3A_806 = arith.constant 7 : i32
      %add3A_807 = vector.broadcast %add3A_806 : i32 to vector<16xi32>
      %add3A_808 = arith.addi %add3A_805, %add3A_807 : vector<16xi32>
      %gather3A_809 = tpu.vector_load_idx %arg11[%add3A_808] : memref<1024xf32, #tpu.memory_space<vmem>>[vector<16xi32>], vector<16xf32>,
      %max3A_810 = arith.maximumf %max3A_799, %gather3A_809 : vector<16xf32>
      %mul3A_811 = arith.constant 16 : i32
      %mul3A_812 = vector.broadcast %mul3A_811 : i32 to vector<16xi32>
      %mul3A_813 = arith.muli %iota3A, %mul3A_812 : vector<16xi32>
      %add3A_814 = arith.constant 256 : i32
      %add3A_815 = vector.broadcast %add3A_814 : i32 to vector<16xi32>
      %add3A_816 = arith.addi %mul3A_813, %add3A_815 : vector<16xi32>
      %add3A_817 = arith.constant 8 : i32
      %add3A_818 = vector.broadcast %add3A_817 : i32 to vector<16xi32>
      %add3A_819 = arith.addi %add3A_816, %add3A_818 : vector<16xi32>
      %gather3A_820 = tpu.vector_load_idx %arg11[%add3A_819] : memref<1024xf32, #tpu.memory_space<vmem>>[vector<16xi32>], vector<16xf32>,
      %max3A_821 = arith.maximumf %max3A_810, %gather3A_820 : vector<16xf32>
      %mul3A_822 = arith.constant 16 : i32
      %mul3A_823 = vector.broadcast %mul3A_822 : i32 to vector<16xi32>
      %mul3A_824 = arith.muli %iota3A, %mul3A_823 : vector<16xi32>
      %add3A_825 = arith.constant 256 : i32
      %add3A_826 = vector.broadcast %add3A_825 : i32 to vector<16xi32>
      %add3A_827 = arith.addi %mul3A_824, %add3A_826 : vector<16xi32>
      %add3A_828 = arith.constant 9 : i32
      %add3A_829 = vector.broadcast %add3A_828 : i32 to vector<16xi32>
      %add3A_830 = arith.addi %add3A_827, %add3A_829 : vector<16xi32>
      %gather3A_831 = tpu.vector_load_idx %arg11[%add3A_830] : memref<1024xf32, #tpu.memory_space<vmem>>[vector<16xi32>], vector<16xf32>,
      %max3A_832 = arith.maximumf %max3A_821, %gather3A_831 : vector<16xf32>
      %mul3A_833 = arith.constant 16 : i32
      %mul3A_834 = vector.broadcast %mul3A_833 : i32 to vector<16xi32>
      %mul3A_835 = arith.muli %iota3A, %mul3A_834 : vector<16xi32>
      %add3A_836 = arith.constant 256 : i32
      %add3A_837 = vector.broadcast %add3A_836 : i32 to vector<16xi32>
      %add3A_838 = arith.addi %mul3A_835, %add3A_837 : vector<16xi32>
      %add3A_839 = arith.constant 10 : i32
      %add3A_840 = vector.broadcast %add3A_839 : i32 to vector<16xi32>
      %add3A_841 = arith.addi %add3A_838, %add3A_840 : vector<16xi32>
      %gather3A_842 = tpu.vector_load_idx %arg11[%add3A_841] : memref<1024xf32, #tpu.memory_space<vmem>>[vector<16xi32>], vector<16xf32>,
      %max3A_843 = arith.maximumf %max3A_832, %gather3A_842 : vector<16xf32>
      %mul3A_844 = arith.constant 16 : i32
      %mul3A_845 = vector.broadcast %mul3A_844 : i32 to vector<16xi32>
      %mul3A_846 = arith.muli %iota3A, %mul3A_845 : vector<16xi32>
      %add3A_847 = arith.constant 256 : i32
      %add3A_848 = vector.broadcast %add3A_847 : i32 to vector<16xi32>
      %add3A_849 = arith.addi %mul3A_846, %add3A_848 : vector<16xi32>
      %add3A_850 = arith.constant 11 : i32
      %add3A_851 = vector.broadcast %add3A_850 : i32 to vector<16xi32>
      %add3A_852 = arith.addi %add3A_849, %add3A_851 : vector<16xi32>
      %gather3A_853 = tpu.vector_load_idx %arg11[%add3A_852] : memref<1024xf32, #tpu.memory_space<vmem>>[vector<16xi32>], vector<16xf32>,
      %max3A_854 = arith.maximumf %max3A_843, %gather3A_853 : vector<16xf32>
      %mul3A_855 = arith.constant 16 : i32
      %mul3A_856 = vector.broadcast %mul3A_855 : i32 to vector<16xi32>
      %mul3A_857 = arith.muli %iota3A, %mul3A_856 : vector<16xi32>
      %add3A_858 = arith.constant 256 : i32
      %add3A_859 = vector.broadcast %add3A_858 : i32 to vector<16xi32>
      %add3A_860 = arith.addi %mul3A_857, %add3A_859 : vector<16xi32>
      %add3A_861 = arith.constant 12 : i32
      %add3A_862 = vector.broadcast %add3A_861 : i32 to vector<16xi32>
      %add3A_863 = arith.addi %add3A_860, %add3A_862 : vector<16xi32>
      %gather3A_864 = tpu.vector_load_idx %arg11[%add3A_863] : memref<1024xf32, #tpu.memory_space<vmem>>[vector<16xi32>], vector<16xf32>,
      %max3A_865 = arith.maximumf %max3A_854, %gather3A_864 : vector<16xf32>
      %mul3A_866 = arith.constant 16 : i32
      %mul3A_867 = vector.broadcast %mul3A_866 : i32 to vector<16xi32>
      %mul3A_868 = arith.muli %iota3A, %mul3A_867 : vector<16xi32>
      %add3A_869 = arith.constant 256 : i32
      %add3A_870 = vector.broadcast %add3A_869 : i32 to vector<16xi32>
      %add3A_871 = arith.addi %mul3A_868, %add3A_870 : vector<16xi32>
      %add3A_872 = arith.constant 13 : i32
      %add3A_873 = vector.broadcast %add3A_872 : i32 to vector<16xi32>
      %add3A_874 = arith.addi %add3A_871, %add3A_873 : vector<16xi32>
      %gather3A_875 = tpu.vector_load_idx %arg11[%add3A_874] : memref<1024xf32, #tpu.memory_space<vmem>>[vector<16xi32>], vector<16xf32>,
      %max3A_876 = arith.maximumf %max3A_865, %gather3A_875 : vector<16xf32>
      %mul3A_877 = arith.constant 16 : i32
      %mul3A_878 = vector.broadcast %mul3A_877 : i32 to vector<16xi32>
      %mul3A_879 = arith.muli %iota3A, %mul3A_878 : vector<16xi32>
      %add3A_880 = arith.constant 256 : i32
      %add3A_881 = vector.broadcast %add3A_880 : i32 to vector<16xi32>
      %add3A_882 = arith.addi %mul3A_879, %add3A_881 : vector<16xi32>
      %add3A_883 = arith.constant 14 : i32
      %add3A_884 = vector.broadcast %add3A_883 : i32 to vector<16xi32>
      %add3A_885 = arith.addi %add3A_882, %add3A_884 : vector<16xi32>
      %gather3A_886 = tpu.vector_load_idx %arg11[%add3A_885] : memref<1024xf32, #tpu.memory_space<vmem>>[vector<16xi32>], vector<16xf32>,
      %max3A_887 = arith.maximumf %max3A_876, %gather3A_886 : vector<16xf32>
      %mul3A_888 = arith.constant 16 : i32
      %mul3A_889 = vector.broadcast %mul3A_888 : i32 to vector<16xi32>
      %mul3A_890 = arith.muli %iota3A, %mul3A_889 : vector<16xi32>
      %add3A_891 = arith.constant 256 : i32
      %add3A_892 = vector.broadcast %add3A_891 : i32 to vector<16xi32>
      %add3A_893 = arith.addi %mul3A_890, %add3A_892 : vector<16xi32>
      %add3A_894 = arith.constant 15 : i32
      %add3A_895 = vector.broadcast %add3A_894 : i32 to vector<16xi32>
      %add3A_896 = arith.addi %add3A_893, %add3A_895 : vector<16xi32>
      %gather3A_897 = tpu.vector_load_idx %arg11[%add3A_896] : memref<1024xf32, #tpu.memory_space<vmem>>[vector<16xi32>], vector<16xf32>,
      %max3A_898 = arith.maximumf %max3A_887, %gather3A_897 : vector<16xf32>
      %mul3A_899 = arith.constant 16 : i32
      %mul3A_900 = vector.broadcast %mul3A_899 : i32 to vector<16xi32>
      %mul3A_901 = arith.muli %iota3A, %mul3A_900 : vector<16xi32>
      %add3A_902 = arith.constant 512 : i32
      %add3A_903 = vector.broadcast %add3A_902 : i32 to vector<16xi32>
      %add3A_904 = arith.addi %mul3A_901, %add3A_903 : vector<16xi32>
      %add3A_905 = arith.constant 0 : i32
      %add3A_906 = vector.broadcast %add3A_905 : i32 to vector<16xi32>
      %add3A_907 = arith.addi %add3A_904, %add3A_906 : vector<16xi32>
      %gather3A_908 = tpu.vector_load_idx %arg11[%add3A_907] : memref<1024xf32, #tpu.memory_space<vmem>>[vector<16xi32>], vector<16xf32>,
      %max3A_909 = arith.maximumf %broadcast_in_dim3A_0, %gather3A_908 : vector<16xf32>
      %mul3A_910 = arith.constant 16 : i32
      %mul3A_911 = vector.broadcast %mul3A_910 : i32 to vector<16xi32>
      %mul3A_912 = arith.muli %iota3A, %mul3A_911 : vector<16xi32>
      %add3A_913 = arith.constant 512 : i32
      %add3A_914 = vector.broadcast %add3A_913 : i32 to vector<16xi32>
      %add3A_915 = arith.addi %mul3A_912, %add3A_914 : vector<16xi32>
      %add3A_916 = arith.constant 1 : i32
      %add3A_917 = vector.broadcast %add3A_916 : i32 to vector<16xi32>
      %add3A_918 = arith.addi %add3A_915, %add3A_917 : vector<16xi32>
      %gather3A_919 = tpu.vector_load_idx %arg11[%add3A_918] : memref<1024xf32, #tpu.memory_space<vmem>>[vector<16xi32>], vector<16xf32>,
      %max3A_920 = arith.maximumf %max3A_909, %gather3A_919 : vector<16xf32>
      %mul3A_921 = arith.constant 16 : i32
      %mul3A_922 = vector.broadcast %mul3A_921 : i32 to vector<16xi32>
      %mul3A_923 = arith.muli %iota3A, %mul3A_922 : vector<16xi32>
      %add3A_924 = arith.constant 512 : i32
      %add3A_925 = vector.broadcast %add3A_924 : i32 to vector<16xi32>
      %add3A_926 = arith.addi %mul3A_923, %add3A_925 : vector<16xi32>
      %add3A_927 = arith.constant 2 : i32
      %add3A_928 = vector.broadcast %add3A_927 : i32 to vector<16xi32>
      %add3A_929 = arith.addi %add3A_926, %add3A_928 : vector<16xi32>
      %gather3A_930 = tpu.vector_load_idx %arg11[%add3A_929] : memref<1024xf32, #tpu.memory_space<vmem>>[vector<16xi32>], vector<16xf32>,
      %max3A_931 = arith.maximumf %max3A_920, %gather3A_930 : vector<16xf32>
      %mul3A_932 = arith.constant 16 : i32
      %mul3A_933 = vector.broadcast %mul3A_932 : i32 to vector<16xi32>
      %mul3A_934 = arith.muli %iota3A, %mul3A_933 : vector<16xi32>
      %add3A_935 = arith.constant 512 : i32
      %add3A_936 = vector.broadcast %add3A_935 : i32 to vector<16xi32>
      %add3A_937 = arith.addi %mul3A_934, %add3A_936 : vector<16xi32>
      %add3A_938 = arith.constant 3 : i32
      %add3A_939 = vector.broadcast %add3A_938 : i32 to vector<16xi32>
      %add3A_940 = arith.addi %add3A_937, %add3A_939 : vector<16xi32>
      %gather3A_941 = tpu.vector_load_idx %arg11[%add3A_940] : memref<1024xf32, #tpu.memory_space<vmem>>[vector<16xi32>], vector<16xf32>,
      %max3A_942 = arith.maximumf %max3A_931, %gather3A_941 : vector<16xf32>
      %mul3A_943 = arith.constant 16 : i32
      %mul3A_944 = vector.broadcast %mul3A_943 : i32 to vector<16xi32>
      %mul3A_945 = arith.muli %iota3A, %mul3A_944 : vector<16xi32>
      %add3A_946 = arith.constant 512 : i32
      %add3A_947 = vector.broadcast %add3A_946 : i32 to vector<16xi32>
      %add3A_948 = arith.addi %mul3A_945, %add3A_947 : vector<16xi32>
      %add3A_949 = arith.constant 4 : i32
      %add3A_950 = vector.broadcast %add3A_949 : i32 to vector<16xi32>
      %add3A_951 = arith.addi %add3A_948, %add3A_950 : vector<16xi32>
      %gather3A_952 = tpu.vector_load_idx %arg11[%add3A_951] : memref<1024xf32, #tpu.memory_space<vmem>>[vector<16xi32>], vector<16xf32>,
      %max3A_953 = arith.maximumf %max3A_942, %gather3A_952 : vector<16xf32>
      %mul3A_954 = arith.constant 16 : i32
      %mul3A_955 = vector.broadcast %mul3A_954 : i32 to vector<16xi32>
      %mul3A_956 = arith.muli %iota3A, %mul3A_955 : vector<16xi32>
      %add3A_957 = arith.constant 512 : i32
      %add3A_958 = vector.broadcast %add3A_957 : i32 to vector<16xi32>
      %add3A_959 = arith.addi %mul3A_956, %add3A_958 : vector<16xi32>
      %add3A_960 = arith.constant 5 : i32
      %add3A_961 = vector.broadcast %add3A_960 : i32 to vector<16xi32>
      %add3A_962 = arith.addi %add3A_959, %add3A_961 : vector<16xi32>
      %gather3A_963 = tpu.vector_load_idx %arg11[%add3A_962] : memref<1024xf32, #tpu.memory_space<vmem>>[vector<16xi32>], vector<16xf32>,
      %max3A_964 = arith.maximumf %max3A_953, %gather3A_963 : vector<16xf32>
      %mul3A_965 = arith.constant 16 : i32
      %mul3A_966 = vector.broadcast %mul3A_965 : i32 to vector<16xi32>
      %mul3A_967 = arith.muli %iota3A, %mul3A_966 : vector<16xi32>
      %add3A_968 = arith.constant 512 : i32
      %add3A_969 = vector.broadcast %add3A_968 : i32 to vector<16xi32>
      %add3A_970 = arith.addi %mul3A_967, %add3A_969 : vector<16xi32>
      %add3A_971 = arith.constant 6 : i32
      %add3A_972 = vector.broadcast %add3A_971 : i32 to vector<16xi32>
      %add3A_973 = arith.addi %add3A_970, %add3A_972 : vector<16xi32>
      %gather3A_974 = tpu.vector_load_idx %arg11[%add3A_973] : memref<1024xf32, #tpu.memory_space<vmem>>[vector<16xi32>], vector<16xf32>,
      %max3A_975 = arith.maximumf %max3A_964, %gather3A_974 : vector<16xf32>
      %mul3A_976 = arith.constant 16 : i32
      %mul3A_977 = vector.broadcast %mul3A_976 : i32 to vector<16xi32>
      %mul3A_978 = arith.muli %iota3A, %mul3A_977 : vector<16xi32>
      %add3A_979 = arith.constant 512 : i32
      %add3A_980 = vector.broadcast %add3A_979 : i32 to vector<16xi32>
      %add3A_981 = arith.addi %mul3A_978, %add3A_980 : vector<16xi32>
      %add3A_982 = arith.constant 7 : i32
      %add3A_983 = vector.broadcast %add3A_982 : i32 to vector<16xi32>
      %add3A_984 = arith.addi %add3A_981, %add3A_983 : vector<16xi32>
      %gather3A_985 = tpu.vector_load_idx %arg11[%add3A_984] : memref<1024xf32, #tpu.memory_space<vmem>>[vector<16xi32>], vector<16xf32>,
      %max3A_986 = arith.maximumf %max3A_975, %gather3A_985 : vector<16xf32>
      %mul3A_987 = arith.constant 16 : i32
      %mul3A_988 = vector.broadcast %mul3A_987 : i32 to vector<16xi32>
      %mul3A_989 = arith.muli %iota3A, %mul3A_988 : vector<16xi32>
      %add3A_990 = arith.constant 512 : i32
      %add3A_991 = vector.broadcast %add3A_990 : i32 to vector<16xi32>
      %add3A_992 = arith.addi %mul3A_989, %add3A_991 : vector<16xi32>
      %add3A_993 = arith.constant 8 : i32
      %add3A_994 = vector.broadcast %add3A_993 : i32 to vector<16xi32>
      %add3A_995 = arith.addi %add3A_992, %add3A_994 : vector<16xi32>
      %gather3A_996 = tpu.vector_load_idx %arg11[%add3A_995] : memref<1024xf32, #tpu.memory_space<vmem>>[vector<16xi32>], vector<16xf32>,
      %max3A_997 = arith.maximumf %max3A_986, %gather3A_996 : vector<16xf32>
      %mul3A_998 = arith.constant 16 : i32
      %mul3A_999 = vector.broadcast %mul3A_998 : i32 to vector<16xi32>
      %mul3A_1000 = arith.muli %iota3A, %mul3A_999 : vector<16xi32>
      %add3A_1001 = arith.constant 512 : i32
      %add3A_1002 = vector.broadcast %add3A_1001 : i32 to vector<16xi32>
      %add3A_1003 = arith.addi %mul3A_1000, %add3A_1002 : vector<16xi32>
      %add3A_1004 = arith.constant 9 : i32
      %add3A_1005 = vector.broadcast %add3A_1004 : i32 to vector<16xi32>
      %add3A_1006 = arith.addi %add3A_1003, %add3A_1005 : vector<16xi32>
      %gather3A_1007 = tpu.vector_load_idx %arg11[%add3A_1006] : memref<1024xf32, #tpu.memory_space<vmem>>[vector<16xi32>], vector<16xf32>,
      %max3A_1008 = arith.maximumf %max3A_997, %gather3A_1007 : vector<16xf32>
      %mul3A_1009 = arith.constant 16 : i32
      %mul3A_1010 = vector.broadcast %mul3A_1009 : i32 to vector<16xi32>
      %mul3A_1011 = arith.muli %iota3A, %mul3A_1010 : vector<16xi32>
      %add3A_1012 = arith.constant 512 : i32
      %add3A_1013 = vector.broadcast %add3A_1012 : i32 to vector<16xi32>
      %add3A_1014 = arith.addi %mul3A_1011, %add3A_1013 : vector<16xi32>
      %add3A_1015 = arith.constant 10 : i32
      %add3A_1016 = vector.broadcast %add3A_1015 : i32 to vector<16xi32>
      %add3A_1017 = arith.addi %add3A_1014, %add3A_1016 : vector<16xi32>
      %gather3A_1018 = tpu.vector_load_idx %arg11[%add3A_1017] : memref<1024xf32, #tpu.memory_space<vmem>>[vector<16xi32>], vector<16xf32>,
      %max3A_1019 = arith.maximumf %max3A_1008, %gather3A_1018 : vector<16xf32>
      %mul3A_1020 = arith.constant 16 : i32
      %mul3A_1021 = vector.broadcast %mul3A_1020 : i32 to vector<16xi32>
      %mul3A_1022 = arith.muli %iota3A, %mul3A_1021 : vector<16xi32>
      %add3A_1023 = arith.constant 512 : i32
      %add3A_1024 = vector.broadcast %add3A_1023 : i32 to vector<16xi32>
      %add3A_1025 = arith.addi %mul3A_1022, %add3A_1024 : vector<16xi32>
      %add3A_1026 = arith.constant 11 : i32
      %add3A_1027 = vector.broadcast %add3A_1026 : i32 to vector<16xi32>
      %add3A_1028 = arith.addi %add3A_1025, %add3A_1027 : vector<16xi32>
      %gather3A_1029 = tpu.vector_load_idx %arg11[%add3A_1028] : memref<1024xf32, #tpu.memory_space<vmem>>[vector<16xi32>], vector<16xf32>,
      %max3A_1030 = arith.maximumf %max3A_1019, %gather3A_1029 : vector<16xf32>
      %mul3A_1031 = arith.constant 16 : i32
      %mul3A_1032 = vector.broadcast %mul3A_1031 : i32 to vector<16xi32>
      %mul3A_1033 = arith.muli %iota3A, %mul3A_1032 : vector<16xi32>
      %add3A_1034 = arith.constant 512 : i32
      %add3A_1035 = vector.broadcast %add3A_1034 : i32 to vector<16xi32>
      %add3A_1036 = arith.addi %mul3A_1033, %add3A_1035 : vector<16xi32>
      %add3A_1037 = arith.constant 12 : i32
      %add3A_1038 = vector.broadcast %add3A_1037 : i32 to vector<16xi32>
      %add3A_1039 = arith.addi %add3A_1036, %add3A_1038 : vector<16xi32>
      %gather3A_1040 = tpu.vector_load_idx %arg11[%add3A_1039] : memref<1024xf32, #tpu.memory_space<vmem>>[vector<16xi32>], vector<16xf32>,
      %max3A_1041 = arith.maximumf %max3A_1030, %gather3A_1040 : vector<16xf32>
      %mul3A_1042 = arith.constant 16 : i32
      %mul3A_1043 = vector.broadcast %mul3A_1042 : i32 to vector<16xi32>
      %mul3A_1044 = arith.muli %iota3A, %mul3A_1043 : vector<16xi32>
      %add3A_1045 = arith.constant 512 : i32
      %add3A_1046 = vector.broadcast %add3A_1045 : i32 to vector<16xi32>
      %add3A_1047 = arith.addi %mul3A_1044, %add3A_1046 : vector<16xi32>
      %add3A_1048 = arith.constant 13 : i32
      %add3A_1049 = vector.broadcast %add3A_1048 : i32 to vector<16xi32>
      %add3A_1050 = arith.addi %add3A_1047, %add3A_1049 : vector<16xi32>
      %gather3A_1051 = tpu.vector_load_idx %arg11[%add3A_1050] : memref<1024xf32, #tpu.memory_space<vmem>>[vector<16xi32>], vector<16xf32>,
      %max3A_1052 = arith.maximumf %max3A_1041, %gather3A_1051 : vector<16xf32>
      %mul3A_1053 = arith.constant 16 : i32
      %mul3A_1054 = vector.broadcast %mul3A_1053 : i32 to vector<16xi32>
      %mul3A_1055 = arith.muli %iota3A, %mul3A_1054 : vector<16xi32>
      %add3A_1056 = arith.constant 512 : i32
      %add3A_1057 = vector.broadcast %add3A_1056 : i32 to vector<16xi32>
      %add3A_1058 = arith.addi %mul3A_1055, %add3A_1057 : vector<16xi32>
      %add3A_1059 = arith.constant 14 : i32
      %add3A_1060 = vector.broadcast %add3A_1059 : i32 to vector<16xi32>
      %add3A_1061 = arith.addi %add3A_1058, %add3A_1060 : vector<16xi32>
      %gather3A_1062 = tpu.vector_load_idx %arg11[%add3A_1061] : memref<1024xf32, #tpu.memory_space<vmem>>[vector<16xi32>], vector<16xf32>,
      %max3A_1063 = arith.maximumf %max3A_1052, %gather3A_1062 : vector<16xf32>
      %mul3A_1064 = arith.constant 16 : i32
      %mul3A_1065 = vector.broadcast %mul3A_1064 : i32 to vector<16xi32>
      %mul3A_1066 = arith.muli %iota3A, %mul3A_1065 : vector<16xi32>
      %add3A_1067 = arith.constant 512 : i32
      %add3A_1068 = vector.broadcast %add3A_1067 : i32 to vector<16xi32>
      %add3A_1069 = arith.addi %mul3A_1066, %add3A_1068 : vector<16xi32>
      %add3A_1070 = arith.constant 15 : i32
      %add3A_1071 = vector.broadcast %add3A_1070 : i32 to vector<16xi32>
      %add3A_1072 = arith.addi %add3A_1069, %add3A_1071 : vector<16xi32>
      %gather3A_1073 = tpu.vector_load_idx %arg11[%add3A_1072] : memref<1024xf32, #tpu.memory_space<vmem>>[vector<16xi32>], vector<16xf32>,
      %max3A_1074 = arith.maximumf %max3A_1063, %gather3A_1073 : vector<16xf32>
      %mul3A_1075 = arith.constant 16 : i32
      %mul3A_1076 = vector.broadcast %mul3A_1075 : i32 to vector<16xi32>
      %mul3A_1077 = arith.muli %iota3A, %mul3A_1076 : vector<16xi32>
      %add3A_1078 = arith.constant 768 : i32
      %add3A_1079 = vector.broadcast %add3A_1078 : i32 to vector<16xi32>
      %add3A_1080 = arith.addi %mul3A_1077, %add3A_1079 : vector<16xi32>
      %add3A_1081 = arith.constant 0 : i32
      %add3A_1082 = vector.broadcast %add3A_1081 : i32 to vector<16xi32>
      %add3A_1083 = arith.addi %add3A_1080, %add3A_1082 : vector<16xi32>
      %gather3A_1084 = tpu.vector_load_idx %arg11[%add3A_1083] : memref<1024xf32, #tpu.memory_space<vmem>>[vector<16xi32>], vector<16xf32>,
      %max3A_1085 = arith.maximumf %broadcast_in_dim3A_0, %gather3A_1084 : vector<16xf32>
      %mul3A_1086 = arith.constant 16 : i32
      %mul3A_1087 = vector.broadcast %mul3A_1086 : i32 to vector<16xi32>
      %mul3A_1088 = arith.muli %iota3A, %mul3A_1087 : vector<16xi32>
      %add3A_1089 = arith.constant 768 : i32
      %add3A_1090 = vector.broadcast %add3A_1089 : i32 to vector<16xi32>
      %add3A_1091 = arith.addi %mul3A_1088, %add3A_1090 : vector<16xi32>
      %add3A_1092 = arith.constant 1 : i32
      %add3A_1093 = vector.broadcast %add3A_1092 : i32 to vector<16xi32>
      %add3A_1094 = arith.addi %add3A_1091, %add3A_1093 : vector<16xi32>
      %gather3A_1095 = tpu.vector_load_idx %arg11[%add3A_1094] : memref<1024xf32, #tpu.memory_space<vmem>>[vector<16xi32>], vector<16xf32>,
      %max3A_1096 = arith.maximumf %max3A_1085, %gather3A_1095 : vector<16xf32>
      %mul3A_1097 = arith.constant 16 : i32
      %mul3A_1098 = vector.broadcast %mul3A_1097 : i32 to vector<16xi32>
      %mul3A_1099 = arith.muli %iota3A, %mul3A_1098 : vector<16xi32>
      %add3A_1100 = arith.constant 768 : i32
      %add3A_1101 = vector.broadcast %add3A_1100 : i32 to vector<16xi32>
      %add3A_1102 = arith.addi %mul3A_1099, %add3A_1101 : vector<16xi32>
      %add3A_1103 = arith.constant 2 : i32
      %add3A_1104 = vector.broadcast %add3A_1103 : i32 to vector<16xi32>
      %add3A_1105 = arith.addi %add3A_1102, %add3A_1104 : vector<16xi32>
      %gather3A_1106 = tpu.vector_load_idx %arg11[%add3A_1105] : memref<1024xf32, #tpu.memory_space<vmem>>[vector<16xi32>], vector<16xf32>,
      %max3A_1107 = arith.maximumf %max3A_1096, %gather3A_1106 : vector<16xf32>
      %mul3A_1108 = arith.constant 16 : i32
      %mul3A_1109 = vector.broadcast %mul3A_1108 : i32 to vector<16xi32>
      %mul3A_1110 = arith.muli %iota3A, %mul3A_1109 : vector<16xi32>
      %add3A_1111 = arith.constant 768 : i32
      %add3A_1112 = vector.broadcast %add3A_1111 : i32 to vector<16xi32>
      %add3A_1113 = arith.addi %mul3A_1110, %add3A_1112 : vector<16xi32>
      %add3A_1114 = arith.constant 3 : i32
      %add3A_1115 = vector.broadcast %add3A_1114 : i32 to vector<16xi32>
      %add3A_1116 = arith.addi %add3A_1113, %add3A_1115 : vector<16xi32>
      %gather3A_1117 = tpu.vector_load_idx %arg11[%add3A_1116] : memref<1024xf32, #tpu.memory_space<vmem>>[vector<16xi32>], vector<16xf32>,
      %max3A_1118 = arith.maximumf %max3A_1107, %gather3A_1117 : vector<16xf32>
      %mul3A_1119 = arith.constant 16 : i32
      %mul3A_1120 = vector.broadcast %mul3A_1119 : i32 to vector<16xi32>
      %mul3A_1121 = arith.muli %iota3A, %mul3A_1120 : vector<16xi32>
      %add3A_1122 = arith.constant 768 : i32
      %add3A_1123 = vector.broadcast %add3A_1122 : i32 to vector<16xi32>
      %add3A_1124 = arith.addi %mul3A_1121, %add3A_1123 : vector<16xi32>
      %add3A_1125 = arith.constant 4 : i32
      %add3A_1126 = vector.broadcast %add3A_1125 : i32 to vector<16xi32>
      %add3A_1127 = arith.addi %add3A_1124, %add3A_1126 : vector<16xi32>
      %gather3A_1128 = tpu.vector_load_idx %arg11[%add3A_1127] : memref<1024xf32, #tpu.memory_space<vmem>>[vector<16xi32>], vector<16xf32>,
      %max3A_1129 = arith.maximumf %max3A_1118, %gather3A_1128 : vector<16xf32>
      %mul3A_1130 = arith.constant 16 : i32
      %mul3A_1131 = vector.broadcast %mul3A_1130 : i32 to vector<16xi32>
      %mul3A_1132 = arith.muli %iota3A, %mul3A_1131 : vector<16xi32>
      %add3A_1133 = arith.constant 768 : i32
      %add3A_1134 = vector.broadcast %add3A_1133 : i32 to vector<16xi32>
      %add3A_1135 = arith.addi %mul3A_1132, %add3A_1134 : vector<16xi32>
      %add3A_1136 = arith.constant 5 : i32
      %add3A_1137 = vector.broadcast %add3A_1136 : i32 to vector<16xi32>
      %add3A_1138 = arith.addi %add3A_1135, %add3A_1137 : vector<16xi32>
      %gather3A_1139 = tpu.vector_load_idx %arg11[%add3A_1138] : memref<1024xf32, #tpu.memory_space<vmem>>[vector<16xi32>], vector<16xf32>,
      %max3A_1140 = arith.maximumf %max3A_1129, %gather3A_1139 : vector<16xf32>
      %mul3A_1141 = arith.constant 16 : i32
      %mul3A_1142 = vector.broadcast %mul3A_1141 : i32 to vector<16xi32>
      %mul3A_1143 = arith.muli %iota3A, %mul3A_1142 : vector<16xi32>
      %add3A_1144 = arith.constant 768 : i32
      %add3A_1145 = vector.broadcast %add3A_1144 : i32 to vector<16xi32>
      %add3A_1146 = arith.addi %mul3A_1143, %add3A_1145 : vector<16xi32>
      %add3A_1147 = arith.constant 6 : i32
      %add3A_1148 = vector.broadcast %add3A_1147 : i32 to vector<16xi32>
      %add3A_1149 = arith.addi %add3A_1146, %add3A_1148 : vector<16xi32>
      %gather3A_1150 = tpu.vector_load_idx %arg11[%add3A_1149] : memref<1024xf32, #tpu.memory_space<vmem>>[vector<16xi32>], vector<16xf32>,
      %max3A_1151 = arith.maximumf %max3A_1140, %gather3A_1150 : vector<16xf32>
      %mul3A_1152 = arith.constant 16 : i32
      %mul3A_1153 = vector.broadcast %mul3A_1152 : i32 to vector<16xi32>
      %mul3A_1154 = arith.muli %iota3A, %mul3A_1153 : vector<16xi32>
      %add3A_1155 = arith.constant 768 : i32
      %add3A_1156 = vector.broadcast %add3A_1155 : i32 to vector<16xi32>
      %add3A_1157 = arith.addi %mul3A_1154, %add3A_1156 : vector<16xi32>
      %add3A_1158 = arith.constant 7 : i32
      %add3A_1159 = vector.broadcast %add3A_1158 : i32 to vector<16xi32>
      %add3A_1160 = arith.addi %add3A_1157, %add3A_1159 : vector<16xi32>
      %gather3A_1161 = tpu.vector_load_idx %arg11[%add3A_1160] : memref<1024xf32, #tpu.memory_space<vmem>>[vector<16xi32>], vector<16xf32>,
      %max3A_1162 = arith.maximumf %max3A_1151, %gather3A_1161 : vector<16xf32>
      %mul3A_1163 = arith.constant 16 : i32
      %mul3A_1164 = vector.broadcast %mul3A_1163 : i32 to vector<16xi32>
      %mul3A_1165 = arith.muli %iota3A, %mul3A_1164 : vector<16xi32>
      %add3A_1166 = arith.constant 768 : i32
      %add3A_1167 = vector.broadcast %add3A_1166 : i32 to vector<16xi32>
      %add3A_1168 = arith.addi %mul3A_1165, %add3A_1167 : vector<16xi32>
      %add3A_1169 = arith.constant 8 : i32
      %add3A_1170 = vector.broadcast %add3A_1169 : i32 to vector<16xi32>
      %add3A_1171 = arith.addi %add3A_1168, %add3A_1170 : vector<16xi32>
      %gather3A_1172 = tpu.vector_load_idx %arg11[%add3A_1171] : memref<1024xf32, #tpu.memory_space<vmem>>[vector<16xi32>], vector<16xf32>,
      %max3A_1173 = arith.maximumf %max3A_1162, %gather3A_1172 : vector<16xf32>
      %mul3A_1174 = arith.constant 16 : i32
      %mul3A_1175 = vector.broadcast %mul3A_1174 : i32 to vector<16xi32>
      %mul3A_1176 = arith.muli %iota3A, %mul3A_1175 : vector<16xi32>
      %add3A_1177 = arith.constant 768 : i32
      %add3A_1178 = vector.broadcast %add3A_1177 : i32 to vector<16xi32>
      %add3A_1179 = arith.addi %mul3A_1176, %add3A_1178 : vector<16xi32>
      %add3A_1180 = arith.constant 9 : i32
      %add3A_1181 = vector.broadcast %add3A_1180 : i32 to vector<16xi32>
      %add3A_1182 = arith.addi %add3A_1179, %add3A_1181 : vector<16xi32>
      %gather3A_1183 = tpu.vector_load_idx %arg11[%add3A_1182] : memref<1024xf32, #tpu.memory_space<vmem>>[vector<16xi32>], vector<16xf32>,
      %max3A_1184 = arith.maximumf %max3A_1173, %gather3A_1183 : vector<16xf32>
      %mul3A_1185 = arith.constant 16 : i32
      %mul3A_1186 = vector.broadcast %mul3A_1185 : i32 to vector<16xi32>
      %mul3A_1187 = arith.muli %iota3A, %mul3A_1186 : vector<16xi32>
      %add3A_1188 = arith.constant 768 : i32
      %add3A_1189 = vector.broadcast %add3A_1188 : i32 to vector<16xi32>
      %add3A_1190 = arith.addi %mul3A_1187, %add3A_1189 : vector<16xi32>
      %add3A_1191 = arith.constant 10 : i32
      %add3A_1192 = vector.broadcast %add3A_1191 : i32 to vector<16xi32>
      %add3A_1193 = arith.addi %add3A_1190, %add3A_1192 : vector<16xi32>
      %gather3A_1194 = tpu.vector_load_idx %arg11[%add3A_1193] : memref<1024xf32, #tpu.memory_space<vmem>>[vector<16xi32>], vector<16xf32>,
      %max3A_1195 = arith.maximumf %max3A_1184, %gather3A_1194 : vector<16xf32>
      %mul3A_1196 = arith.constant 16 : i32
      %mul3A_1197 = vector.broadcast %mul3A_1196 : i32 to vector<16xi32>
      %mul3A_1198 = arith.muli %iota3A, %mul3A_1197 : vector<16xi32>
      %add3A_1199 = arith.constant 768 : i32
      %add3A_1200 = vector.broadcast %add3A_1199 : i32 to vector<16xi32>
      %add3A_1201 = arith.addi %mul3A_1198, %add3A_1200 : vector<16xi32>
      %add3A_1202 = arith.constant 11 : i32
      %add3A_1203 = vector.broadcast %add3A_1202 : i32 to vector<16xi32>
      %add3A_1204 = arith.addi %add3A_1201, %add3A_1203 : vector<16xi32>
      %gather3A_1205 = tpu.vector_load_idx %arg11[%add3A_1204] : memref<1024xf32, #tpu.memory_space<vmem>>[vector<16xi32>], vector<16xf32>,
      %max3A_1206 = arith.maximumf %max3A_1195, %gather3A_1205 : vector<16xf32>
      %mul3A_1207 = arith.constant 16 : i32
      %mul3A_1208 = vector.broadcast %mul3A_1207 : i32 to vector<16xi32>
      %mul3A_1209 = arith.muli %iota3A, %mul3A_1208 : vector<16xi32>
      %add3A_1210 = arith.constant 768 : i32
      %add3A_1211 = vector.broadcast %add3A_1210 : i32 to vector<16xi32>
      %add3A_1212 = arith.addi %mul3A_1209, %add3A_1211 : vector<16xi32>
      %add3A_1213 = arith.constant 12 : i32
      %add3A_1214 = vector.broadcast %add3A_1213 : i32 to vector<16xi32>
      %add3A_1215 = arith.addi %add3A_1212, %add3A_1214 : vector<16xi32>
      %gather3A_1216 = tpu.vector_load_idx %arg11[%add3A_1215] : memref<1024xf32, #tpu.memory_space<vmem>>[vector<16xi32>], vector<16xf32>,
      %max3A_1217 = arith.maximumf %max3A_1206, %gather3A_1216 : vector<16xf32>
      %mul3A_1218 = arith.constant 16 : i32
      %mul3A_1219 = vector.broadcast %mul3A_1218 : i32 to vector<16xi32>
      %mul3A_1220 = arith.muli %iota3A, %mul3A_1219 : vector<16xi32>
      %add3A_1221 = arith.constant 768 : i32
      %add3A_1222 = vector.broadcast %add3A_1221 : i32 to vector<16xi32>
      %add3A_1223 = arith.addi %mul3A_1220, %add3A_1222 : vector<16xi32>
      %add3A_1224 = arith.constant 13 : i32
      %add3A_1225 = vector.broadcast %add3A_1224 : i32 to vector<16xi32>
      %add3A_1226 = arith.addi %add3A_1223, %add3A_1225 : vector<16xi32>
      %gather3A_1227 = tpu.vector_load_idx %arg11[%add3A_1226] : memref<1024xf32, #tpu.memory_space<vmem>>[vector<16xi32>], vector<16xf32>,
      %max3A_1228 = arith.maximumf %max3A_1217, %gather3A_1227 : vector<16xf32>
      %mul3A_1229 = arith.constant 16 : i32
      %mul3A_1230 = vector.broadcast %mul3A_1229 : i32 to vector<16xi32>
      %mul3A_1231 = arith.muli %iota3A, %mul3A_1230 : vector<16xi32>
      %add3A_1232 = arith.constant 768 : i32
      %add3A_1233 = vector.broadcast %add3A_1232 : i32 to vector<16xi32>
      %add3A_1234 = arith.addi %mul3A_1231, %add3A_1233 : vector<16xi32>
      %add3A_1235 = arith.constant 14 : i32
      %add3A_1236 = vector.broadcast %add3A_1235 : i32 to vector<16xi32>
      %add3A_1237 = arith.addi %add3A_1234, %add3A_1236 : vector<16xi32>
      %gather3A_1238 = tpu.vector_load_idx %arg11[%add3A_1237] : memref<1024xf32, #tpu.memory_space<vmem>>[vector<16xi32>], vector<16xf32>,
      %max3A_1239 = arith.maximumf %max3A_1228, %gather3A_1238 : vector<16xf32>
      %mul3A_1240 = arith.constant 16 : i32
      %mul3A_1241 = vector.broadcast %mul3A_1240 : i32 to vector<16xi32>
      %mul3A_1242 = arith.muli %iota3A, %mul3A_1241 : vector<16xi32>
      %add3A_1243 = arith.constant 768 : i32
      %add3A_1244 = vector.broadcast %add3A_1243 : i32 to vector<16xi32>
      %add3A_1245 = arith.addi %mul3A_1242, %add3A_1244 : vector<16xi32>
      %add3A_1246 = arith.constant 15 : i32
      %add3A_1247 = vector.broadcast %add3A_1246 : i32 to vector<16xi32>
      %add3A_1248 = arith.addi %add3A_1245, %add3A_1247 : vector<16xi32>
      %gather3A_1249 = tpu.vector_load_idx %arg11[%add3A_1248] : memref<1024xf32, #tpu.memory_space<vmem>>[vector<16xi32>], vector<16xf32>,
      %max3A_1250 = arith.maximumf %max3A_1239, %gather3A_1249 : vector<16xf32>
      %scan3A_1251 = arith.constant 0 : i32
      %scan3A_1252 = arith.constant 100 : i32
      %scan3A_1253 = arith.addi %scan3A_1251, %scan3A_1252 : i32
      %scan3A_1254 = arith.constant 1 : i32
      %scan3A_1255:4 = scf.for %scan3A_1261 = %scan3A_1251 to %scan3A_1253 step %scan3A_1254 iter_args(%scan3A_1262 = %max3A_722, %scan3A_1263 = %max3A_898, %scan3A_1264 = %max3A_1074, %scan3A_1265 = %max3A_1250) -> (vector<16xf32>, vector<16xf32>, vector<16xf32>, vector<16xf32>)  : i32 {
        %max3A_1266 = arith.maximumf %scan3A_1262, %scan3A_1263 : vector<16xf32>
        %max3A_1267 = arith.maximumf %scan3A_1264, %scan3A_1265 : vector<16xf32>
        %max3A_1268 = arith.maximumf %max3A_1266, %max3A_1267 : vector<16xf32>
        %reduce_max3A = arith.constant true
        %reduce_max3A_1269 = vector.broadcast %reduce_max3A : i1 to vector<16xi1>
        %reduce_max3A_1270 = tpu.scan <max>, %max3A_1268 masked %reduce_max3A_1269 : vector<16xf32>, vector<16xi1> -> vector<16xf32>
        %reduce_max3A_1271 = vector.extract %reduce_max3A_1270[15] : f32 from vector<16xf32>
        %eq3A_1272 = vector.broadcast %reduce_max3A_1271 : f32 to vector<16xf32>
        %eq3A_1273 = arith.cmpf oeq, %scan3A_1262, %eq3A_1272 : vector<16xf32>
        %all_reduce_population_count3A = tpu.all_reduce %eq3A_1273 {dim = 0 : i64, kind = #tpu.reduction_kind<sum>} : vector<16xi1> -> vector<16xi32>
        %gt3A = arith.constant 0 : i32
        %gt3A_1274 = vector.broadcast %gt3A : i32 to vector<16xi32>
        %gt3A_1275 = arith.cmpi sgt, %all_reduce_population_count3A, %gt3A_1274 : vector<16xi32>
        %eq3A_1276 = vector.broadcast %reduce_max3A_1271 : f32 to vector<16xf32>
        %eq3A_1277 = arith.cmpf oeq, %scan3A_1263, %eq3A_1276 : vector<16xf32>
        %all_reduce_population_count3A_1278 = tpu.all_reduce %eq3A_1277 {dim = 0 : i64, kind = #tpu.reduction_kind<sum>} : vector<16xi1> -> vector<16xi32>
        %gt3A_1279 = arith.constant 0 : i32
        %gt3A_1280 = vector.broadcast %gt3A_1279 : i32 to vector<16xi32>
        %gt3A_1281 = arith.cmpi sgt, %all_reduce_population_count3A_1278, %gt3A_1280 : vector<16xi32>
        %eq3A_1282 = vector.broadcast %reduce_max3A_1271 : f32 to vector<16xf32>
        %eq3A_1283 = arith.cmpf oeq, %scan3A_1264, %eq3A_1282 : vector<16xf32>
        %all_reduce_population_count3A_1284 = tpu.all_reduce %eq3A_1283 {dim = 0 : i64, kind = #tpu.reduction_kind<sum>} : vector<16xi1> -> vector<16xi32>
        %gt3A_1285 = arith.constant 0 : i32
        %gt3A_1286 = vector.broadcast %gt3A_1285 : i32 to vector<16xi32>
        %gt3A_1287 = arith.cmpi sgt, %all_reduce_population_count3A_1284, %gt3A_1286 : vector<16xi32>
        %jit3A = arith.constant 2 : i32
        %jit3A_1288 = arith.constant 3 : i32
        %broadcast_in_dim3A_1289 = vector.broadcast %jit3A : i32 to vector<16xi32>
        %broadcast_in_dim3A_1290 = vector.broadcast %jit3A_1288 : i32 to vector<16xi32>
        %select_n3A = arith.select %gt3A_1287, %broadcast_in_dim3A_1289, %broadcast_in_dim3A_1290 : vector<16xi1>, vector<16xi32>
        %jit3A_1291 = arith.constant 1 : i32
        %broadcast_in_dim3A_1292 = vector.broadcast %jit3A_1291 : i32 to vector<16xi32>
        %select_n3A_1293 = arith.select %gt3A_1281, %broadcast_in_dim3A_1292, %select_n3A : vector<16xi1>, vector<16xi32>
        %jit3A_1294 = arith.constant 0 : i32
        %broadcast_in_dim3A_1295 = vector.broadcast %jit3A_1294 : i32 to vector<16xi32>
        %select_n3A_1296 = arith.select %gt3A_1275, %broadcast_in_dim3A_1295, %select_n3A_1293 : vector<16xi1>, vector<16xi32>
        %select_n3A_1297 = arith.select %gt3A_1287, %scan3A_1264, %scan3A_1265 : vector<16xi1>, vector<16xf32>
        %select_n3A_1298 = arith.select %gt3A_1281, %scan3A_1263, %select_n3A_1297 : vector<16xi1>, vector<16xf32>
        %select_n3A_1299 = arith.select %gt3A_1275, %scan3A_1262, %select_n3A_1298 : vector<16xi1>, vector<16xf32>
        %eq3A_1300 = vector.broadcast %reduce_max3A_1271 : f32 to vector<16xf32>
        %eq3A_1301 = arith.cmpf oeq, %select_n3A_1299, %eq3A_1300 : vector<16xf32>
        %all_reduce_ffs3A = tpu.all_reduce %eq3A_1301 {dim = 0 : i64, kind = #tpu.reduction_kind<find_first_set>} : vector<16xi1> -> vector<16xi32>
        %mul3A_1302 = arith.constant 16 : i32
        %mul3A_1303 = vector.broadcast %mul3A_1302 : i32 to vector<16xi32>
        %mul3A_1304 = arith.muli %select_n3A_1296, %mul3A_1303 : vector<16xi32>
        %add3A_1305 = arith.addi %mul3A_1304, %all_reduce_ffs3A : vector<16xi32>
        %mul3A_1306 = arith.constant 16 : i32
        %mul3A_1307 = vector.broadcast %mul3A_1306 : i32 to vector<16xi32>
        %mul3A_1308 = arith.muli %add3A_1305, %mul3A_1307 : vector<16xi32>
        %add3A_1309 = arith.addi %mul3A_1308, %iota3A : vector<16xi32>
        %gather3A_1310 = tpu.vector_load_idx %arg11[%add3A_1309] : memref<1024xf32, #tpu.memory_space<vmem>>[vector<16xi32>], vector<16xf32>,
        %eq3A_1311 = vector.broadcast %reduce_max3A_1271 : f32 to vector<16xf32>
        %eq3A_1312 = arith.cmpf oeq, %gather3A_1310, %eq3A_1311 : vector<16xf32>
        %all_reduce_ffs3A_1313 = tpu.all_reduce %eq3A_1312 {dim = 0 : i64, kind = #tpu.reduction_kind<find_first_set>} : vector<16xi1> -> vector<16xi32>
        %mul3A_1314 = arith.constant 16 : i32
        %mul3A_1315 = vector.broadcast %mul3A_1314 : i32 to vector<16xi32>
        %mul3A_1316 = arith.muli %add3A_1305, %mul3A_1315 : vector<16xi32>
        %add3A_1317 = arith.addi %mul3A_1316, %all_reduce_ffs3A_1313 : vector<16xi32>
        %shift_right_arithmetic3A = arith.constant 3 : i32
        %shift_right_arithmetic3A_1318 = vector.broadcast %shift_right_arithmetic3A : i32 to vector<16xi32>
        %shift_right_arithmetic3A_1319 = arith.shrsi %add3A_1317, %shift_right_arithmetic3A_1318 : vector<16xi32>
        %and3A = arith.constant 7 : i32
        %and3A_1320 = vector.broadcast %and3A : i32 to vector<16xi32>
        %and3A_1321 = arith.andi %add3A_1317, %and3A_1320 : vector<16xi32>
        %mul3A_1322 = arith.constant 16 : i32
        %mul3A_1323 = vector.broadcast %mul3A_1322 : i32 to vector<16xi32>
        %mul3A_1324 = arith.muli %and3A_1321, %mul3A_1323 : vector<16xi32>
        %add3A_1325 = arith.addi %mul3A_1324, %iota3A : vector<16xi32>
        %gather3A_1326 = tpu.vector_load_idx %arg10[%shift_right_arithmetic3A_1319, %add3A_1325] : memref<128x128xf32, #tpu.memory_space<vmem>>[vector<16xi32>, vector<16xi32>], vector<16xf32>,
        %eq3A_1327 = vector.broadcast %reduce_max3A_1271 : f32 to vector<16xf32>
        %eq3A_1328 = arith.cmpf oeq, %gather3A_1326, %eq3A_1327 : vector<16xf32>
        %all_reduce_ffs3A_1329 = tpu.all_reduce %eq3A_1328 {dim = 0 : i64, kind = #tpu.reduction_kind<find_first_set>} : vector<16xi1> -> vector<16xi32>
        %mul3A_1330 = arith.constant 16 : i32
        %mul3A_1331 = vector.broadcast %mul3A_1330 : i32 to vector<16xi32>
        %mul3A_1332 = arith.muli %add3A_1317, %mul3A_1331 : vector<16xi32>
        %add3A_1333 = arith.addi %mul3A_1332, %all_reduce_ffs3A_1329 : vector<16xi32>
        %broadcast_in_dim3A_1334 = vector.broadcast %scan3A_1261 : i32 to vector<16xi32>
        %broadcast_in_dim3A_1335 = vector.broadcast %reduce_max3A_1271 : f32 to vector<16xf32>
        %eq3A_1336 = arith.constant 0 : i32
        %eq3A_1337 = vector.broadcast %eq3A_1336 : i32 to vector<16xi32>
        %eq3A_1338 = arith.cmpi eq, %iota3A, %eq3A_1337 : vector<16xi32>
        tpu.vector_store_idx %arg12[%broadcast_in_dim3A_1334], %broadcast_in_dim3A_1335 masked %eq3A_1338 : memref<128xf32, #tpu.memory_space<vmem>>[vector<16xi32>], vector<16xf32>, vector<16xi1>
        %shift_right_arithmetic3A_1339 = arith.constant 7 : i32
        %shift_right_arithmetic3A_1340 = vector.broadcast %shift_right_arithmetic3A_1339 : i32 to vector<16xi32>
        %shift_right_arithmetic3A_1341 = arith.shrsi %add3A_1333, %shift_right_arithmetic3A_1340 : vector<16xi32>
        %gather3A_1342 = tpu.vector_load_idx %arg9[%shift_right_arithmetic3A_1341] : memref<128xi32, #tpu.memory_space<vmem>>[vector<16xi32>], vector<16xi32>,
        %mul3A_1343 = arith.constant 128 : i32
        %mul3A_1344 = vector.broadcast %mul3A_1343 : i32 to vector<16xi32>
        %mul3A_1345 = arith.muli %gather3A_1342, %mul3A_1344 : vector<16xi32>
        %and3A_1346 = arith.constant 127 : i32
        %and3A_1347 = vector.broadcast %and3A_1346 : i32 to vector<16xi32>
        %and3A_1348 = arith.andi %add3A_1333, %and3A_1347 : vector<16xi32>
        %add3A_1349 = arith.addi %mul3A_1345, %and3A_1348 : vector<16xi32>
        %eq3A_1350 = arith.constant 0 : i32
        %eq3A_1351 = vector.broadcast %eq3A_1350 : i32 to vector<16xi32>
        %eq3A_1352 = arith.cmpi eq, %iota3A, %eq3A_1351 : vector<16xi32>
        tpu.vector_store_idx %arg13[%broadcast_in_dim3A_1334], %add3A_1349 masked %eq3A_1352 : memref<128xi32, #tpu.memory_space<vmem>>[vector<16xi32>], vector<16xi32>, vector<16xi1>
        %eq3A_1353 = arith.cmpi eq, %iota3A, %all_reduce_ffs3A_1329 : vector<16xi32>
        %jit3A_1354 = arith.constant 0xFF800000 : f32
        %broadcast_in_dim3A_1355 = vector.broadcast %jit3A_1354 : f32 to vector<16xf32>
        %select_n3A_1356 = arith.select %eq3A_1353, %broadcast_in_dim3A_1355, %gather3A_1326 : vector<16xi1>, vector<16xf32>
        tpu.vector_store_idx %arg10[%shift_right_arithmetic3A_1319, %add3A_1325], %select_n3A_1356 : memref<128x128xf32, #tpu.memory_space<vmem>>[vector<16xi32>, vector<16xi32>], vector<16xf32>,
        %eq3A_1357 = arith.cmpi eq, %iota3A, %all_reduce_ffs3A_1313 : vector<16xi32>
        %jit3A_1358 = arith.constant 0xFF800000 : f32
        %broadcast_in_dim3A_1359 = vector.broadcast %jit3A_1358 : f32 to vector<16xf32>
        %select_n3A_1360 = arith.select %eq3A_1357, %broadcast_in_dim3A_1359, %gather3A_1310 : vector<16xi1>, vector<16xf32>
        %reduce_max3A_1361 = arith.constant true
        %reduce_max3A_1362 = vector.broadcast %reduce_max3A_1361 : i1 to vector<16xi1>
        %reduce_max3A_1363 = tpu.scan <max>, %select_n3A_1356 masked %reduce_max3A_1362 : vector<16xf32>, vector<16xi1> -> vector<16xf32>
        %reduce_max3A_1364 = vector.extract %reduce_max3A_1363[15] : f32 from vector<16xf32>
        %reduce_max3A_1365 = arith.constant true
        %reduce_max3A_1366 = vector.broadcast %reduce_max3A_1365 : i1 to vector<16xi1>
        %reduce_max3A_1367 = tpu.scan <max>, %select_n3A_1360 masked %reduce_max3A_1366 : vector<16xf32>, vector<16xi1> -> vector<16xf32>
        %reduce_max3A_1368 = vector.extract %reduce_max3A_1367[15] : f32 from vector<16xf32>
        %broadcast_in_dim3A_1369 = vector.broadcast %reduce_max3A_1368 : f32 to vector<16xf32>
        %broadcast_in_dim3A_1370 = vector.broadcast %reduce_max3A_1364 : f32 to vector<16xf32>
        %max3A_1371 = arith.maximumf %broadcast_in_dim3A_1369, %broadcast_in_dim3A_1370 : vector<16xf32>
        %mul3A_1372 = arith.constant 16 : i32
        %mul3A_1373 = vector.broadcast %mul3A_1372 : i32 to vector<16xi32>
        %mul3A_1374 = arith.muli %add3A_1305, %mul3A_1373 : vector<16xi32>
        %add3A_1375 = arith.addi %mul3A_1374, %iota3A : vector<16xi32>
        %eq3A_1376 = arith.cmpi eq, %iota3A, %all_reduce_ffs3A_1313 : vector<16xi32>
        %broadcast_in_dim3A_1377 = vector.broadcast %reduce_max3A_1364 : f32 to vector<16xf32>
        %select_n3A_1378 = arith.select %eq3A_1376, %broadcast_in_dim3A_1377, %gather3A_1310 : vector<16xi1>, vector<16xf32>
        tpu.vector_store_idx %arg11[%add3A_1375], %select_n3A_1378 : memref<1024xf32, #tpu.memory_space<vmem>>[vector<16xi32>], vector<16xf32>,
        %eq3A_1379 = arith.cmpi eq, %iota3A, %all_reduce_ffs3A : vector<16xi32>
        %not3A = arith.constant dense<true> : vector<16xi1>
        %not3A_1380 = arith.xori %gt3A_1275, %not3A : vector<16xi1>
        %not3A_1381 = arith.constant dense<true> : vector<16xi1>
        %not3A_1382 = arith.xori %gt3A_1281, %not3A_1381 : vector<16xi1>
        %and3A_1383 = arith.andi %gt3A_1275, %eq3A_1379 : vector<16xi1>
        %select_n3A_1384 = arith.select %and3A_1383, %max3A_1371, %scan3A_1262 : vector<16xi1>, vector<16xf32>
        %and3A_1385 = arith.andi %not3A_1380, %gt3A_1281 : vector<16xi1>
        %and3A_1386 = arith.andi %and3A_1385, %eq3A_1379 : vector<16xi1>
        %select_n3A_1387 = arith.select %and3A_1386, %max3A_1371, %scan3A_1263 : vector<16xi1>, vector<16xf32>
        %and3A_1388 = arith.andi %not3A_1382, %gt3A_1287 : vector<16xi1>
        %and3A_1389 = arith.andi %not3A_1380, %and3A_1388 : vector<16xi1>
        %and3A_1390 = arith.andi %and3A_1389, %eq3A_1379 : vector<16xi1>
        %select_n3A_1391 = arith.select %and3A_1390, %max3A_1371, %scan3A_1264 : vector<16xi1>, vector<16xf32>
        %not3A_1392 = arith.constant dense<true> : vector<16xi1>
        %not3A_1393 = arith.xori %gt3A_1287, %not3A_1392 : vector<16xi1>
        %and3A_1394 = arith.andi %not3A_1382, %not3A_1393 : vector<16xi1>
        %and3A_1395 = arith.andi %not3A_1380, %and3A_1394 : vector<16xi1>
        %and3A_1396 = arith.andi %and3A_1395, %eq3A_1379 : vector<16xi1>
        %select_n3A_1397 = arith.select %and3A_1396, %max3A_1371, %scan3A_1265 : vector<16xi1>, vector<16xf32>
        scf.yield %select_n3A_1384, %select_n3A_1387, %select_n3A_1391, %select_n3A_1397 : vector<16xf32>, vector<16xf32>, vector<16xf32>, vector<16xf32>
      }
      %scan3A_1256 = arith.constant 100 : i32
      %dma_start3A_1257 = arith.constant 0 : i32
      %dma_start3A_1258 = tpu.memref_slice %arg4[%dma_start3A_1257] : memref<1000000xi32, #tpu.memory_space<hbm>> -> memref<1000000xi32, #tpu.memory_space<hbm>>
      tpu.enqueue_indirect_dma source(%dma_start3A_1258 : memref<1000000xi32, #tpu.memory_space<hbm>>) target(%arg14 : memref<128xi32, #tpu.memory_space<vmem>>) offsets(%arg13 : memref<128xi32, #tpu.memory_space<vmem>>) semaphore(%arg15 : memref<!tpu.dma_semaphore, #tpu.memory_space<semaphore_mem>>)
      %dma_wait3A_1259 = arith.constant 0 : i32
      %dma_wait3A_1260 = tpu.memref_slice %arg4[%dma_wait3A_1259] : memref<1000000xi32, #tpu.memory_space<hbm>> -> memref<1000000xi32, #tpu.memory_space<hbm>>
      tpu.wait_indirect_dma semaphore(%arg15 : memref<!tpu.dma_semaphore, #tpu.memory_space<semaphore_mem>>) src(%dma_wait3A_1260 : memref<1000000xi32, #tpu.memory_space<hbm>>) dst(%arg14 : memref<128xi32, #tpu.memory_space<vmem>>)
      "tpu.region"() ({
        %run_scoped3A = tpu.sem_alloc : memref<!tpu.dma_semaphore, #tpu.memory_space<semaphore_mem>>
        %dma_start3A_1261 = arith.constant 0 : i32
        %dma_start3A_1262 = tpu.memref_slice %arg5[%arg1, %dma_start3A_1261] : memref<16x128xf32, #tpu.memory_space<hbm>> -> memref<1x128xf32, #tpu.memory_space<hbm>>
        %dma_start3A_1263 = tpu.memref_squeeze %dma_start3A_1262 : memref<1x128xf32, #tpu.memory_space<hbm>> -> memref<128xf32, #tpu.memory_space<hbm>>
        %dma_start3A_1264 = arith.constant 0 : i32
        %dma_start3A_1265 = tpu.memref_slice %arg5[%arg1, %dma_start3A_1264] : memref<16x128xf32, #tpu.memory_space<hbm>> -> memref<1x128xf32, #tpu.memory_space<hbm>>
        %dma_start3A_1266 = tpu.memref_squeeze %dma_start3A_1265 : memref<1x128xf32, #tpu.memory_space<hbm>> -> memref<128xf32, #tpu.memory_space<hbm>>
        tpu.enqueue_dma source(%arg12 : memref<128xf32, #tpu.memory_space<vmem>>) target(%dma_start3A_1266 : memref<128xf32, #tpu.memory_space<hbm>>) target_semaphore(%run_scoped3A : memref<!tpu.dma_semaphore, #tpu.memory_space<semaphore_mem>>)
        %dma_wait3A_1267 = arith.constant 0 : i32
        %dma_wait3A_1268 = tpu.memref_slice %arg5[%arg1, %dma_wait3A_1267] : memref<16x128xf32, #tpu.memory_space<hbm>> -> memref<1x128xf32, #tpu.memory_space<hbm>>
        %dma_wait3A_1269 = tpu.memref_squeeze %dma_wait3A_1268 : memref<1x128xf32, #tpu.memory_space<hbm>> -> memref<128xf32, #tpu.memory_space<hbm>>
        %dma_wait3A_1270 = arith.constant 0 : i32
        %dma_wait3A_1271 = tpu.memref_slice %arg5[%arg1, %dma_wait3A_1270] : memref<16x128xf32, #tpu.memory_space<hbm>> -> memref<1x128xf32, #tpu.memory_space<hbm>>
        %dma_wait3A_1272 = tpu.memref_squeeze %dma_wait3A_1271 : memref<1x128xf32, #tpu.memory_space<hbm>> -> memref<128xf32, #tpu.memory_space<hbm>>
        tpu.wait_dma2 semaphore(%run_scoped3A : memref<!tpu.dma_semaphore, #tpu.memory_space<semaphore_mem>>) src(%arg12 : memref<128xf32, #tpu.memory_space<vmem>>) dst(%dma_wait3A_1272 : memref<128xf32, #tpu.memory_space<hbm>>)
        tpu.yield
      }) : () -> ()
      "tpu.region"() ({
        %run_scoped3A = tpu.sem_alloc : memref<!tpu.dma_semaphore, #tpu.memory_space<semaphore_mem>>
        %dma_start3A_1261 = arith.constant 0 : i32
        %dma_start3A_1262 = tpu.memref_slice %arg6[%arg1, %dma_start3A_1261] : memref<16x128xi32, #tpu.memory_space<hbm>> -> memref<1x128xi32, #tpu.memory_space<hbm>>
        %dma_start3A_1263 = tpu.memref_squeeze %dma_start3A_1262 : memref<1x128xi32, #tpu.memory_space<hbm>> -> memref<128xi32, #tpu.memory_space<hbm>>
        %dma_start3A_1264 = arith.constant 0 : i32
        %dma_start3A_1265 = tpu.memref_slice %arg6[%arg1, %dma_start3A_1264] : memref<16x128xi32, #tpu.memory_space<hbm>> -> memref<1x128xi32, #tpu.memory_space<hbm>>
        %dma_start3A_1266 = tpu.memref_squeeze %dma_start3A_1265 : memref<1x128xi32, #tpu.memory_space<hbm>> -> memref<128xi32, #tpu.memory_space<hbm>>
        tpu.enqueue_dma source(%arg14 : memref<128xi32, #tpu.memory_space<vmem>>) target(%dma_start3A_1266 : memref<128xi32, #tpu.memory_space<hbm>>) target_semaphore(%run_scoped3A : memref<!tpu.dma_semaphore, #tpu.memory_space<semaphore_mem>>)
        %dma_wait3A_1267 = arith.constant 0 : i32
        %dma_wait3A_1268 = tpu.memref_slice %arg6[%arg1, %dma_wait3A_1267] : memref<16x128xi32, #tpu.memory_space<hbm>> -> memref<1x128xi32, #tpu.memory_space<hbm>>
        %dma_wait3A_1269 = tpu.memref_squeeze %dma_wait3A_1268 : memref<1x128xi32, #tpu.memory_space<hbm>> -> memref<128xi32, #tpu.memory_space<hbm>>
        %dma_wait3A_1270 = arith.constant 0 : i32
        %dma_wait3A_1271 = tpu.memref_slice %arg6[%arg1, %dma_wait3A_1270] : memref<16x128xi32, #tpu.memory_space<hbm>> -> memref<1x128xi32, #tpu.memory_space<hbm>>
        %dma_wait3A_1272 = tpu.memref_squeeze %dma_wait3A_1271 : memref<1x128xi32, #tpu.memory_space<hbm>> -> memref<128xi32, #tpu.memory_space<hbm>>
        tpu.wait_dma2 semaphore(%run_scoped3A : memref<!tpu.dma_semaphore, #tpu.memory_space<semaphore_mem>>) src(%arg14 : memref<128xi32, #tpu.memory_space<vmem>>) dst(%dma_wait3A_1272 : memref<128xi32, #tpu.memory_space<hbm>>)
        tpu.yield
      }) : () -> ()
    } else {
    }
    return
  }
}

module attributes {stable_mosaic.version = 14 : i64} {
  func.func @_score_body(%arg0: i32, %arg1: memref<16x32xf32, #tpu.memory_space<vmem>>, %arg2: memref<32x131072xf32, #tpu.memory_space<vmem>>, %arg3: memref<16x1024x128xf32, #tpu.memory_space<vmem>>, %arg4: memref<16x1024xf32, #tpu.memory_space<vmem>>) attributes {dimension_semantics = [#tpu.dimension_semantics<arbitrary>], iteration_bounds = array<i64: 8>, scalar_prefetch = 0 : i64, scratch_operands = 0 : i64, tpu.core_type = #tpu.core_type<tc>, window_params = [{pipeline_mode = #tpu.pipeline_mode<synchronous>, transform_indices = @transform_0, window_bounds = array<i64: 16, 32>}, {transform_indices = @transform_1, window_bounds = array<i64: 32, 131072>}, {transform_indices = @transform_2, window_bounds = array<i64: 16, 1024, 128>}, {transform_indices = @transform_3, window_bounds = array<i64: 16, 1024>}]} {
    %get3A = arith.constant 0 : index
    %get3A_0 = arith.constant 0 : index
    %get3A_1 = vector.load %arg1[%get3A, %get3A_0] : memref<16x32xf32, #tpu.memory_space<vmem>>, vector<16x32xf32>
    %get3A_2 = arith.constant 0 : index
    %get3A_3 = arith.constant 0 : index
    %get3A_4 = vector.load %arg2[%get3A_2, %get3A_3] : memref<32x131072xf32, #tpu.memory_space<vmem>>, vector<32x131072xf32>
    %dot_general3A = arith.constant dense<0.000000e+00> : vector<16x131072xf32>
    %dot_general3A_5 = tpu.matmul %get3A_1, %get3A_4, %dot_general3A {dimension_numbers = #tpu.dot_dimension_numbers<[1], [0], [0], [1], [0, 0, 1, 1], [], []>, transpose_lhs_hint = false} : vector<16x32xf32>, vector<32x131072xf32>, vector<16x131072xf32> -> vector<16x131072xf32>
    %mul3A = arith.constant 131072 : i32
    %mul3A_6 = arith.muli %arg0, %mul3A : i32
    %iota3A = tpu.iota {dimensions = array<i32: 1>} : vector<16x131072xi32>
    %add3A = vector.broadcast %mul3A_6 : i32 to vector<16x131072xi32>
    %add3A_7 = arith.addi %add3A, %iota3A : vector<16x131072xi32>
    %lt3A = arith.constant 1000000 : i32
    %lt3A_8 = vector.broadcast %lt3A : i32 to vector<16x131072xi32>
    %lt3A_9 = arith.cmpi slt, %add3A_7, %lt3A_8 : vector<16x131072xi32>
    %jit3A = arith.constant 0xFF800000 : f32
    %broadcast_in_dim3A = vector.broadcast %jit3A : f32 to vector<16x131072xf32>
    %select_n3A = arith.select %lt3A_9, %dot_general3A_5, %broadcast_in_dim3A : vector<16x131072xi1>, vector<16x131072xf32>
    %reshape3A = vector.shape_cast %select_n3A : vector<16x131072xf32> to vector<16x1024x128xf32>
    %swap3A = arith.constant 0 : index
    %swap3A_10 = arith.constant 0 : index
    %swap3A_11 = arith.constant 0 : index
    %swap3A_12 = vector.load %arg3[%swap3A, %swap3A_10, %swap3A_11] : memref<16x1024x128xf32, #tpu.memory_space<vmem>>, vector<16x1024x128xf32>
    tpu.vector_store %arg3[%swap3A, %swap3A_10, %swap3A_11], %reshape3A {strides = array<i32>} : memref<16x1024x128xf32, #tpu.memory_space<vmem>>, vector<16x1024x128xf32>,
    %reduce_max3A = arith.constant dense<0xFF800000> : vector<16x1024xf32>
    %reduce_max3A_13 = vector.multi_reduction <maximumf>, %reshape3A, %reduce_max3A [2] : vector<16x1024x128xf32> to vector<16x1024xf32>
    %swap3A_14 = arith.constant 0 : index
    %swap3A_15 = arith.constant 0 : index
    %swap3A_16 = vector.load %arg4[%swap3A_14, %swap3A_15] : memref<16x1024xf32, #tpu.memory_space<vmem>>, vector<16x1024xf32>
    tpu.vector_store %arg4[%swap3A_14, %swap3A_15], %reduce_max3A_13 {strides = array<i32>} : memref<16x1024xf32, #tpu.memory_space<vmem>>, vector<16x1024xf32>,
    return
  }
  func.func @transform_0(%arg0: i32) -> (i32, i32) {
    %c0_i32 = arith.constant 0 : i32
    %c0_i32_0 = arith.constant 0 : i32
    %c0_i32_1 = arith.constant 0 : i32
    return %c0_i32, %c0_i32_0 : i32, i32
  }
  func.func @transform_1(%arg0: i32) -> (i32, i32) {
    %c0_i32 = arith.constant 0 : i32
    %c0_i32_0 = arith.constant 0 : i32
    return %c0_i32, %arg0 : i32, i32
  }
  func.func @transform_2(%arg0: i32) -> (i32, i32, i32) {
    %c0_i32 = arith.constant 0 : i32
    %c0_i32_0 = arith.constant 0 : i32
    %c0_i32_1 = arith.constant 0 : i32
    return %c0_i32, %arg0, %c0_i32_0 : i32, i32, i32
  }
  func.func @transform_3(%arg0: i32) -> (i32, i32) {
    %c0_i32 = arith.constant 0 : i32
    %c0_i32_0 = arith.constant 0 : i32
    return %c0_i32, %arg0 : i32, i32
  }
}

</mosaic_0001>

<sc_bundles>
// kernel: kernel.4.cloned.1.call-start
scs
__scs_entry_jumppad:
0x0: {  	(pc) =	sbr.rel $0x88, $3  }
0x1: {  	(tag) =	ssettag $0x0;
	lr =	simm.s32 $0x1  }
0x2: {  	[smem:$0x3F9E] =	sst lr;
	_ =	strace $0xD0000000  }
0x3: {  	_ = 	snop  }
0x4: {  	_ = 	snop  }
0x5: {  	_ = 	snop  }
0x6: {  	_ = 	snop  }
0x7: {  	_ = 	snop  }
__scs_overlays_trampoline_lowered:
0x8: {  	[smem:$0x3FAD] =	sst s0  }
0x9: {  	[smem:$0x3FAE] =	sst s1  }
0xa: {  	[smem:$0x3FAF] =	sst s2  }
0xb: {  	[smem:$0x3FB0] =	sst s3  }
0xc: {  	[smem:$0x3FB1] =	sst s4  }
0xd: {  	[smem:$0x3FB2] =	sst s5  }
0xe: {  	[smem:$0x3FB3] =	sst s6  }
0xf: {  	[smem:$0x3FB4] =	sst s7  }
0x10: {  	[smem:$0x3FB5] =	sst s8  }
0x11: {  	[smem:$0x3FB6] =	sst s9;
	s0 =	simm.s32 @!p0 $0x0  }
0x12: {  	s1 =	sld [smem:$0x3F9C];
	s0 =	simm.s32 @p0 $0x1  }
0x13: {  	[smem:$0x3FB7] =	sst s0;
	s0 =	simm.s32 @!p1 $0x0  }
0x14: {  	s2 =	sld [smem:$0x3F9B];
	s0 =	simm.s32 @p1 $0x1  }
0x15: {  	[smem:$0x3FB8] =	sst s0;
	s0 =	simm.s32 @!p2 $0x0  }
0x16: {  	s3 =	sld [smem:$0x3FDB];
	s0 =	simm.s32 @p2 $0x1  }
0x17: {  	s4 =	simm.s32 $0x1BF5;
	[smem:$0x3FBA] =	sst s0  }
0x18: {  	s0 =	sld [smem:$0x3F9D];
	_ =	swait.ge [sflag:s4], $0x0  }
0x19: {  	s7 =	sld [smem:$0x3F9E]  }
0x1a: {  	s8 =	sadd.s32 $0xFFFFE003, lr  }
0x1b: {  	s9 =	sadd.s32 $0xFFFFFEF7, lr;
	s5 =	simm.s32 $0xFFFFFFFF;
	p2 =	slt.u32 s8, $0xFFFFF086  }
0x1c: {  	p1 =	slt.u32 s9, $0xF7A;
	s5 =	simm.s32 @!p2 $0x0  }
0x1d: {  	s5 =	simm.s32 @p1 $0x1;
	p0 =	seq.s32 s7, s2  }
0x1e: {  	s7 =	smul.u32 @!p0 $0xF7A, s2;
	p2 =	seq.s32 @!p0 s5, $0x0  }
0x1f: {  	s9 =	smul.u32 $0xF7A, s1;
	s8 =	simm.s32 @!p0 $0x1BF5;
	p2 =	por !p2, p0  }
0x20: {  	[sflag:s8] =	ssyncset.s32 @!p0 $0xFFFFF086;
	s6 =	sadd.s32 @!p0 s3, s7;
	s7 =	simm.s32 @!p0 $0x108  }
0x21: {  	s3 =	sadd.s32 s3, s9;
	s6 =	sadd.s32 @!p0 $0x88, s6;
	s7 =	simm.s32 @p2 $0x1082  }
0x22: {  	[simem:s7], [sflag:s8] =	dma.local @!p0 [hbm:s6], $0xF7A  }
0x23: {  	s9 =	sor.u32 $0xD0000000, s2;
	s6 =	simm.s32 $0x108;
	_ =	swait.ge @!p0 [sflag:s8], $0x0  }
0x24: {  	s3 =	sadd.s32 $0x88, s3;
	s6 =	simm.s32 @!p1 $0x1082;
	[sflag:s4] =	ssyncset.s32 $0xFFFFF086  }
0x25: {  	[simem:s6], [sflag:s4] =	dma.local [hbm:s3], $0xF7A  }
0x26: {  	[smem:$0x3F9E] =	sst s1;
	(tag) =	ssettag s2;
	_ =	strace s9  }
0x27: {  	s1 =	sld [smem:$0x3FAE]  }
0x28: {  	s2 =	sld [smem:$0x3FAF]  }
0x29: {  	s4 =	sld [smem:$0x3FB1]  }
0x2a: {  	p0 =	seq.s32 s5, $0x0;
	s5 =	sld [smem:$0x3FB2]  }
0x2b: {  	s6 =	sld [smem:$0x3FB3]  }
0x2c: {  	s7 =	sld [smem:$0x3FB4]  }
0x2d: {  	s3 =	simm.s32 $0x108;
	s8 =	sld [smem:$0x3FB5]  }
0x2e: {  	s3 =	simm.s32 @!p0 $0x1082;
	s9 =	sld [smem:$0x3FB6]  }
0x2f: {  	lr =	sadd.s32 s0, s3;
	s0 =	sld [smem:$0x3FAD]  }
0x30: {  	s3 =	sld [smem:$0x3FB0]  }
0x31: {  	[smem:$0x3FB9] =	sst s10  }
0x32: {  	s10 =	sld [smem:$0x3FB7];
	_ =	sdelay $0x3  }
0x33: {  	p0 =	seq.s32 s10, $0x1;
	s10 =	sld [smem:$0x3FB9];
	_ =	sdelay $0x3  }
0x34: {  	[smem:$0x3FB9] =	sst s10  }
0x35: {  	s10 =	sld [smem:$0x3FB8];
	_ =	sdelay $0x3  }
0x36: {  	p1 =	seq.s32 s10, $0x1;
	s10 =	sld [smem:$0x3FB9];
	_ =	sdelay $0x3  }
0x37: {  	[smem:$0x3FB9] =	sst s10  }
0x38: {  	s10 =	sld [smem:$0x3FBA]  }
0x39: {  	_ = 	snop;
	(pc) =	sbr.ind lr, $3  }
0x3a: {  	_ = 	snop  }
0x3b: {  	_ = 	snop  }
0x3c: {  	p2 =	seq.s32 s10, $0x1;
	s10 =	sld [smem:$0x3FB9]  }
0x3d: {  	_ =	shalt  }
0x3e: {  	_ =	shalt  }
0x3f: {  	_ =	shalt  }
0x40: {  	_ =	shalt  }
0x41: {  	_ =	shalt  }
0x42: {  	_ =	shalt  }
0x43: {  	_ =	shalt  }
0x44: {  	_ =	shalt  }
0x45: {  	_ =	shalt  }
0x46: {  	_ =	shalt  }
0x47: {  	_ =	shalt  }
0x48: {  	_ =	shalt  }
0x49: {  	_ =	shalt  }
0x4a: {  	_ =	shalt  }
0x4b: {  	_ =	shalt  }
0x4c: {  	_ =	shalt  }
0x4d: {  	_ =	shalt  }
0x4e: {  	_ =	shalt  }
0x4f: {  	_ =	shalt  }
0x50: {  	_ =	shalt  }
0x51: {  	_ =	shalt  }
0x52: {  	_ =	shalt  }
0x53: {  	_ =	shalt  }
0x54: {  	_ =	shalt  }
0x55: {  	_ =	shalt  }
0x56: {  	_ =	shalt  }
0x57: {  	_ =	shalt  }
0x58: {  	_ =	shalt  }
0x59: {  	_ =	shalt  }
0x5a: {  	_ =	shalt  }
0x5b: {  	_ =	shalt  }
0x5c: {  	_ =	shalt  }
0x5d: {  	_ =	shalt  }
0x5e: {  	_ =	shalt  }
0x5f: {  	_ =	shalt  }
0x60: {  	_ =	shalt  }
0x61: {  	_ =	shalt  }
0x62: {  	_ =	shalt  }
0x63: {  	_ =	shalt  }
0x64: {  	_ =	shalt  }
0x65: {  	_ =	shalt  }
0x66: {  	_ =	shalt  }
0x67: {  	_ =	shalt  }
0x68: {  	_ =	shalt  }
0x69: {  	_ =	shalt  }
0x6a: {  	_ =	shalt  }
0x6b: {  	_ =	shalt  }
0x6c: {  	_ =	shalt  }
0x6d: {  	_ =	shalt  }
0x6e: {  	_ =	shalt  }
0x6f: {  	_ =	shalt  }
0x70: {  	_ =	shalt  }
0x71: {  	_ =	shalt  }
0x72: {  	_ =	shalt  }
0x73: {  	_ =	shalt  }
0x74: {  	_ =	shalt  }
0x75: {  	_ =	shalt  }
0x76: {  	_ =	shalt  }
0x77: {  	_ =	shalt  }
0x78: {  	_ =	shalt  }
0x79: {  	_ =	shalt  }
0x7a: {  	_ =	shalt  }
0x7b: {  	_ =	shalt  }
0x7c: {  	_ =	shalt  }
0x7d: {  	_ =	shalt  }
0x7e: {  	_ =	shalt  }
0x7f: {  	_ =	shalt  }
0x80: {  	_ =	shalt  }
0x81: {  	_ =	shalt  }
0x82: {  	_ =	shalt  }
0x83: {  	_ =	shalt  }
0x84: {  	_ =	shalt  }
0x85: {  	_ =	shalt  }
0x86: {  	_ =	shalt  }
0x87: {  	_ =	shalt  }
.Lfunc_end0:
.L_simem_size_0:
called_computation_lowered:
.L_overlay_start_0:
0x88: {  	s2 =	sld [smem:$0x3FD9]  }
0x89: {  	s3 =	sld [smem:$0x3FFE];
	_ =	sdelay $0x1  }
0x8a: {  	s1 =	srdreg.scid  }
0x8b: {  	s0 =	sand.u32 $0x1, s1  }
0x8c: {  	s14 =	sshll.u32 s0, $0xA;
	s2 =	sadd.s32 s3, s2  }
0x8d: {  	s2 =	sadd.s32 s2, s14  }
0x8e: {  	[smem:$0x3FC5] =	sst s2  }
0x8f: {  	_ = 	snop  }
0x90: {  	s2 =	sld [smem:$0x3FD0];
	_ =	sdelay $0x2  }
0x91: {  	s4 =	simm.s32 $0xA;
	s5 =	simm.s32 $0x10;
	s15 =	sld [smem:$0x3FC7]  }
0x92: {  	[smem:s5], [sflag:s4] =	dma.local [hbm:s2], $0x1  }
0x93: {  	_ =	swait.eq [sflag:s4], $0x1  }
0x94: {  	[sflag:s4] =	ssyncset.done $0x0  }
0x95: {  	s16 =	sld [smem:$0x10];
	[sflag:s4] =	ssyncadd.s32 $0xFFFFFFFF  }
0x96: {  	s17 =	sld [smem:$0x11];
	(tm) =	ssettm $0x1  }
0x97: {  	s18 =	sld [smem:$0x3FFB];
	_ =	sdelay $0x3  }
0x98: {  	_ =	strace s18  }
0x99: {  	s5 =	sld [smem:$0x3FFC];
	_ =	sdelay $0x3  }
0x9a: {  	_ =	strace s5  }
0x9b: {  	s5 =	sld [smem:$0x3FFD];
	_ =	sdelay $0x3  }
0x9c: {  	_ =	strace s5  }
0x9d: {  	_ =	strace $0x8FFFFFFF  }
0x9e: {  	s19 =	sld [smem:$0x3FDB];
	_ =	sdelay $0x1  }
0x9f: {  	s6 =	simm.s32 $_scs_section_size  }
0xa0: {  	s7 =	simm.s32 $_size__tile_overlayer_lowered;
	s8 =	simm.s32 $_tile_overlayer_lowered  }
0xa1: {  	s22 =	simm.s32 $0x1BFF;
	s21 =	sshll.u32 s8, $0x1;
	s5 =	sadd.s32 s6, s19  }
0xa2: {  	s9 =	simm.s32 $0x0;
	s20 =	sshll.u32 s7, $0x1;
	s7 =	sadd.s32 s21, s5  }
0xa3: {  	[timem:s9], [sflag:s22] =	dma.local [hbm:s7], s20  }
0xa4: {  	_ =	swait.ge [sflag:s22], s20  }
0xa5: {  	s6 =	ssub.s32 $0x0, s20;
	[sflag:s22] =	ssyncset.done $0x0  }
0xa6: {  	[sflag:s22] =	ssyncadd.s32 s6;
	_ =	sdelay $0x1  }
0xa7: {  	s23 =	simm.s32 $0x1B8B  }
0xa8: {  	_ =	swait.ge [sflag:s23], $0x1  }
0xa9: {  	[sflag:s23] =	ssyncset.done $0x0  }
0xaa: {  	s25 =	simm.s32 $0x1B8E;
	s24 =	sld [smem:$0x3FFE];
	[sflag:s23] =	ssyncadd.s32 $0xFFFFFFFF  }
0xab: {  	s26 =	simm.s32 $execute0_lowered;
	[smem:$0x3FD2] =	sst s25  }
0xac: {  	s7 =	sshll.u32 s26, $0x1;
	_ =	strace $0x80000046;
	[dreg:$0x1] =	wrdreg $0xFFFFFFFF  }
0xad: {  	s28 =	simm.s32 $_size_execute0_lowered;
	s5 =	sadd.s32 s5, s7;
	[dreg:$0x0] =	wrdreg $0x0  }
0xae: {  	s7 =	sshll.u32 s28, $0x1;
	[dreg:$0x2] =	wrdreg s5  }
0xaf: {  	[dreg:$0x3] =	wrdreg s7  }
0xb0: {  	[dreg:$0x4] =	wrdreg $0xC0  }
0xb1: {  	_ =	task [dreg:s9], $0x5FFFF  }
0xb2: {  	[dreg:$0x1] =	wrdreg $0xFFFFFFFF  }
0xb3: {  	[dreg:$0x0] =	wrdreg $0x60  }
0xb4: {  	[dreg:$0x2] =	wrdreg s24  }
0xb5: {  	[dreg:$0x3] =	wrdreg s15  }
0xb6: {  	[dreg:$0x4] =	wrdreg s16  }
0xb7: {  	[dreg:$0x5] =	wrdreg s17  }
0xb8: {  	[dreg:$0x6] =	wrdreg $0x9  }
0xb9: {  	_ =	task.clear_ibuf [dreg:s9], $0x7FFFF;
	_ =	strace $0x90000046  }
0xba: {  	s29 =	simm.s32 $0x9;
	_ =	strace $0x80000048  }
0xbb: {  	_ =	swait.ge [sflag:s29], $0x1  }
0xbc: {  	[sflag:s29] =	ssyncadd.s32 $0xFFFFFFFF  }
0xbd: {  	_ =	strace $0x90000048  }
0xbe: {  	_ =	sfence  }
0xbf: {  	s30 =	sld [smem:$0x0];
	_ =	sdelay $0x2  }
0xc0: {  	s31 =	sshll.u32 s1, $0xD;
	s1 =	sshrl.u32 s1, $0x2  }
0xc1: {  	s3 =	sand.u32 $0x4000, s31;
	s1 =	sadd.s32 s1, s30  }
0xc2: {  	s0 =	sor.u32 s3, s0;
	s1 =	sshll.u32 s1, $0x11  }
0xc3: {  	s0 =	sor.u32 s1, s0  }
0xc4: {  	s0 =	sadd.s32 $0x8F2B, s0  }
0xc5: {  	[sflag:s0] =	ssyncadd.remote.s32 $0x1  }
0xc6: {  	_ =	sfence.sel $0xFFFF  }
0xc7: {  	[dreg:$0x0] =	wrdreg $0xFFFFFFFF;
	(pc) =	sbr.abs _section_cstart, $3  }
0xc8: {  	[dreg:$0x1] =	wrdreg $0xFFFFFFFF  }
0xc9: {  	_ =	task.clear_ibuf [dreg:s9], $0x2FFFF;
	_ =	strace $0x9FFFFFFF  }
0xca: {  	(tm) =	ssettm $0x7FFFFFFF  }
0xcb: {  	_ =	shalt  }
tec
execute0_lowered:
.L_overlay_start_1:
0x0: {  	(tag) =	ssettag $0x1  }
0x1: {  	s1 =	srdreg.scid  }
0x2: {  	s1 =	sand.u32 $0x1, s1  }
0x3: {  	s4 =	rddreg [dreg:$0x0];
	p0 =	seq.s32 s1, $0x1  }
.Ltmp0:
0x4: {  	s2 =	rddreg [dreg:$0x1];
	(pc) =	sbr.rel @p0 .LBB2_12-.Ltmp0, $4  }
0x5: {  	s3 =	rddreg [dreg:$0x2]  }
0x6: {  	s7 =	rddreg [dreg:$0x3];
	s6 =	simm.s32 $0x0  }
0x7: {  	[smem:$0x7FF] =	sst s6  }
0x8: {  	s0 =	rddreg [dreg:$0x4];
	_ =	strace $0x80000047;
	s1 =	stileid.u32  }
0x9: {  	s8 =	sshrl.u32 s1, $0x3;
	s5 =	sshll.u32 s1, $0x7  }
0xa: {  	s5 =	sand.u32 $0x380, s5;
	s9 =	sshll.u32 s8, $0x10  }
0xb: {  	s9 =	sor.u32 s5, s9  }
0xc: {  	s10 =	sadd.s32 $0x200A00, s4;
	s25 =	simm.s32 $0x80;
	s9 =	sshrl.u32 s9, $0x3  }
0xd: {  	s11 =	simm.s32 $0x400;
	s26 =	simm.s32 $0x2;
	s9 =	sadd.s32 s10, s9  }
0xe: {  	[tilespmem:s6], [sflag:$0x2] =	stream.strided.gather [hbm4b:s9+s25], $0x2000, s11, s25, $0x38;
	[tilespmem:$0x6880] =	vst v63  }
0xf: {  	_ =	swait.ge [sflag:s26], $0x2000  }
0x10: {  	[sflag:s26] =	ssyncset.done $0x0  }
0x11: {  	v0 =	vimm.f32 $-Inf;
	[sflag:s26] =	ssyncadd.s32 $0xFFFFE000  }
0x12: {  	v5 =	vimm.s32 $0x0;
	[tilespmem:$0x2200] =	vst v0  }
0x13: {  	[tilespmem:$0x2280] =	vst v5  }
0x14: {  	v6 =	vimm.f32 $0.0e+00;
	[tilespmem:$0x6780] =	vst v5  }
0x15: {  	[tilespmem:$0x6700] =	vst v6  }
0x16: {  	[tilespmem:$0x2290] =	vst v5  }
0x17: {  	[tilespmem:$0x6790] =	vst v5  }
0x18: {  	[tilespmem:$0x6710] =	vst v6  }
0x19: {  	[tilespmem:$0x22A0] =	vst v5  }
0x1a: {  	[tilespmem:$0x67A0] =	vst v5  }
0x1b: {  	[tilespmem:$0x6720] =	vst v6  }
0x1c: {  	[tilespmem:$0x22B0] =	vst v5  }
0x1d: {  	[tilespmem:$0x67B0] =	vst v5  }
0x1e: {  	[tilespmem:$0x6730] =	vst v6  }
0x1f: {  	[tilespmem:$0x22C0] =	vst v5  }
0x20: {  	[tilespmem:$0x67C0] =	vst v5  }
0x21: {  	[tilespmem:$0x6740] =	vst v6  }
0x22: {  	v1 =	vlaneseq.u32;
	[tilespmem:$0x22D0] =	vst v5  }
0x23: {  	[tilespmem:$0x67D0] =	vst v5;
	v0 =	vmul.u32 $0x10, v1;
	v1 =	vand.u32 $0x7, v1  }
0x24: {  	[tilespmem:$0x6750] =	vst v6;
	v2 =	vmul.u32 $0x10, v1  }
0x25: {  	[tilespmem:$0x22E0] =	vst v5;
	v1 =	vor.u32 $0x1, v0  }
0x26: {  	[tilespmem:$0x67E0] =	vst v5;
	v4 =	vor.u32 s6, v0;
	v2 =	vor.u32 $0xFFFFFF80, v2;
	v8 =	vor.u32 s6, v1  }
0x27: {  	[tilespmem:$0x6760] =	vst v6;
	v3 =	vor.u32 $0x2, v0;
	v9 =	vand.u32 v2, v4  }
0x28: {  	[tilespmem:$0x22F0] =	vst v5;
	v10 =	vor.u32 s6, v3;
	v4 =	vor.u32 $0x3, v0  }
0x29: {  	[tilespmem:$0x67F0] =	vst v5;
	v5 =	vor.u32 $0x4, v0;
	v11 =	vor.u32 s6, v4  }
0x2a: {  	[tilespmem:$0x6770] =	vst v6;
	v6 =	vor.u32 $0x5, v0;
	v12 =	vor.u32 s6, v5  }
0x2b: {  	v7 =	vor.u32 $0x6, v0;
	v13 =	vor.u32 s6, v6;
	v14 =	vld.idx.msk [tilespmem:v8+s6+$0x0], $0xffff  }
0x2c: {  	v16 =	vor.u32 s6, v7;
	v8 =	vor.u32 $0x7, v0;
	v15 =	vld.idx.msk [tilespmem:v9+s6+$0x0], $0xffff  }
0x2d: {  	v17 =	vld.idx.msk [tilespmem:v10+s6+$0x0], $0xffff;
	v9 =	vor.u32 $0x8, v0;
	v18 =	vor.u32 s6, v8  }
0x2e: {  	v10 =	vor.u32 $0x9, v0;
	v19 =	vld.idx.msk [tilespmem:v11+s6+$0x0], $0xffff;
	v20 =	vor.u32 s6, v9  }
0x2f: {  	v21 =	vld.idx.msk [tilespmem:v12+s6+$0x0], $0xffff;
	v22 =	vor.u32 s6, v10;
	v11 =	vor.u32 $0xA, v0  }
0x30: {  	v12 =	vor.u32 $0xB, v0;
	v23 =	vld.idx.msk [tilespmem:v13+s6+$0x0], $0xffff;
	v24 =	vor.u32 s6, v11  }
0x31: {  	v13 =	vor.u32 $0xC, v0;
	v25 =	vld.idx.msk [tilespmem:v16+s6+$0x0], $0xffff;
	v26 =	vor.u32 s6, v12;
	v15 =	vmax.f32 v15, v14  }
0x32: {  	v27 =	vor.u32 s6, v13;
	v14 =	vor.u32 $0xD, v0;
	v18 =	vld.idx.msk [tilespmem:v18+s6+$0x0], $0xffff;
	v16 =	vmax.f32 v15, v17  }
0x33: {  	v15 =	vor.u32 $0xE, v0;
	v17 =	vld.idx.msk [tilespmem:v20+s6+$0x0], $0xffff;
	v20 =	vor.u32 s6, v14;
	v19 =	vmax.f32 v16, v19  }
0x34: {  	v22 =	vld.idx.msk [tilespmem:v22+s6+$0x0], $0xffff;
	v16 =	vor.u32 $0xF, v0;
	v28 =	vor.u32 s6, v15;
	v19 =	vmax.f32 v19, v21  }
0x35: {  	v21 =	vld.idx.msk [tilespmem:v24+s6+$0x0], $0xffff;
	v54 =	vor.u32 s6, v16;
	v19 =	vmax.f32 v19, v23  }
0x36: {  	v23 =	vld.idx.msk [tilespmem:v26+s6+$0x0], $0xffff;
	v19 =	vmax.f32 v19, v25  }
0x37: {  	v55 =	vld.idx.msk [tilespmem:v27+s6+$0x0], $0xffff;
	v18 =	vmax.f32 v19, v18  }
0x38: {  	v19 =	vld.idx.msk [tilespmem:v20+s6+$0x0], $0xffff;
	v17 =	vmax.f32 v18, v17  }
0x39: {  	v18 =	vld.idx.msk [tilespmem:v28+s6+$0x0], $0xffff;
	v17 =	vmax.f32 v17, v22  }
0x3a: {  	v20 =	vld.idx.msk [tilespmem:v54+s6+$0x0], $0xffff;
	v17 =	vmax.f32 v17, v21  }
0x3b: {  	s28 =	simm.s32 $0x100;
	v17 =	vmax.f32 v17, v23  }
0x3c: {  	v22 =	vor.u32 s28, v1;
	v21 =	vor.u32 s28, v0;
	v17 =	vmax.f32 v17, v55  }
0x3d: {  	v21 =	vand.u32 v2, v21;
	v17 =	vmax.f32 v17, v19  }
0x3e: {  	v19 =	vor.u32 s28, v3;
	v17 =	vmax.f32 v17, v18  }
0x3f: {  	s9 =	simm.s32 $0x2000;
	v18 =	vor.u32 s28, v4;
	v17 =	vmax.f32 v17, v20  }
0x40: {  	v20 =	vor.u32 s28, v5;
	[tilespmem:s9+$0x0] =	vst v17  }
0x41: {  	v17 =	vld.idx.msk [tilespmem:v22+s6+$0x0], $0xffff;
	v22 =	vor.u32 s28, v6  }
0x42: {  	v23 =	vor.u32 s28, v7;
	v21 =	vld.idx.msk [tilespmem:v21+s6+$0x0], $0xffff  }
0x43: {  	v56 =	vor.u32 s28, v8;
	v19 =	vld.idx.msk [tilespmem:v19+s6+$0x0], $0xffff  }
0x44: {  	v57 =	vor.u32 s28, v9;
	v18 =	vld.idx.msk [tilespmem:v18+s6+$0x0], $0xffff  }
0x45: {  	v58 =	vor.u32 s28, v10;
	v20 =	vld.idx.msk [tilespmem:v20+s6+$0x0], $0xffff  }
0x46: {  	v59 =	vor.u32 s28, v11;
	v22 =	vld.idx.msk [tilespmem:v22+s6+$0x0], $0xffff  }
0x47: {  	v23 =	vld.idx.msk [tilespmem:v23+s6+$0x0], $0xffff;
	v17 =	vmax.f32 v21, v17  }
0x48: {  	v60 =	vor.u32 s28, v12;
	v21 =	vld.idx.msk [tilespmem:v56+s6+$0x0], $0xffff;
	v17 =	vmax.f32 v17, v19  }
0x49: {  	v61 =	vor.u32 s28, v13;
	v19 =	vld.idx.msk [tilespmem:v57+s6+$0x0], $0xffff;
	v17 =	vmax.f32 v17, v18  }
0x4a: {  	v18 =	vld.idx.msk [tilespmem:v58+s6+$0x0], $0xffff;
	v17 =	vmax.f32 v17, v20;
	v20 =	vor.u32 s28, v14  }
0x4b: {  	v62 =	vld.idx.msk [tilespmem:v59+s6+$0x0], $0xffff;
	v17 =	vmax.f32 v17, v22;
	v22 =	vor.u32 s28, v15  }
0x4c: {  	v17 =	vmax.f32 v17, v23;
	v23 =	vor.u32 s28, v16  }
0x4d: {  	v63 =	vld.idx.msk [tilespmem:v60+s6+$0x0], $0xffff;
	v17 =	vmax.f32 v17, v21  }
0x4e: {  	v24 =	vld.idx.msk [tilespmem:v61+s6+$0x0], $0xffff;
	v17 =	vmax.f32 v17, v19  }
0x4f: {  	v18 =	vmax.f32 v17, v18;
	v17 =	vld.idx.msk [tilespmem:v20+s6+$0x0], $0xffff  }
0x50: {  	s29 =	sshll.u32 s1, $0x11;
	s8 =	sshll.u32 s8, $0xA;
	v19 =	vmax.f32 v18, v62;
	v18 =	vld.idx.msk [tilespmem:v22+s6+$0x0], $0xffff  }
0x51: {  	s30 =	sadd.s32 s29, s4;
	s8 =	sor.u32 s5, s8;
	v20 =	vld.idx.msk [tilespmem:v23+s6+$0x0], $0xffff  }
0x52: {  	s5 =	sadd.s32 $0xA00, s30;
	s31 =	sshrl.u32 s8, $0x3;
	s8 =	simm.s32 $0x200;
	v22 =	vmax.f32 v19, v63  }
0x53: {  	s4 =	sadd.s32 s3, s31;
	s3 =	sadd.s32 s7, s31;
	s7 =	simm.s32 $0x300;
	v21 =	vor.u32 s8, v0;
	v19 =	vor.u32 s8, v1;
	v22 =	vmax.f32 v22, v24  }
.LBB2_2:
0x54: {  	p0 =	sne.s32 s7, $0x1F00;
	v21 =	vand.u32 v2, v21;
	v17 =	vmax.f32 v22, v17  }
0x55: {  	v22 =	vor.u32 s8, v3;
	v17 =	vmax.f32 v17, v18  }
0x56: {  	s9 =	sadd.s32 $0x10, s9;
	v18 =	vor.u32 s8, v4;
	v17 =	vmax.f32 v17, v20  }
0x57: {  	v20 =	vor.u32 s8, v5;
	[tilespmem:s9+$0x0] =	vst v17  }
0x58: {  	v17 =	vld.idx.msk [tilespmem:v19+s6+$0x0], $0xffff;
	v19 =	vor.u32 s8, v6  }
0x59: {  	v23 =	vor.u32 s8, v7;
	v21 =	vld.idx.msk [tilespmem:v21+s6+$0x0], $0xffff  }
0x5a: {  	v24 =	vor.u32 s8, v8;
	v22 =	vld.idx.msk [tilespmem:v22+s6+$0x0], $0xffff  }
0x5b: {  	v25 =	vor.u32 s8, v9;
	v18 =	vld.idx.msk [tilespmem:v18+s6+$0x0], $0xffff  }
0x5c: {  	v26 =	vor.u32 s8, v10;
	v20 =	vld.idx.msk [tilespmem:v20+s6+$0x0], $0xffff  }
0x5d: {  	v27 =	vor.u32 s8, v11;
	v19 =	vld.idx.msk [tilespmem:v19+s6+$0x0], $0xffff  }
0x5e: {  	v28 =	vor.u32 s8, v12;
	v23 =	vld.idx.msk [tilespmem:v23+s6+$0x0], $0xffff  }
0x5f: {  	v17 =	vmax.f32 v21, v17;
	v21 =	vld.idx.msk [tilespmem:v24+s6+$0x0], $0xffff;
	v24 =	vor.u32 s8, v13  }
0x60: {  	v17 =	vmax.f32 v17, v22;
	v22 =	vld.idx.msk [tilespmem:v25+s6+$0x0], $0xffff;
	v25 =	vor.u32 s8, v14  }
0x61: {  	v17 =	vmax.f32 v17, v18;
	v18 =	vor.u32 s8, v15;
	v26 =	vld.idx.msk [tilespmem:v26+s6+$0x0], $0xffff  }
0x62: {  	v17 =	vmax.f32 v17, v20;
	v20 =	vor.u32 s8, v16;
	s8 =	smov.u32 s7;
	v27 =	vld.idx.msk [tilespmem:v27+s6+$0x0], $0xffff  }
0x63: {  	v17 =	vmax.f32 v17, v19;
	v19 =	vld.idx.msk [tilespmem:v28+s6+$0x0], $0xffff  }
0x64: {  	v17 =	vmax.f32 v17, v23;
	v23 =	vld.idx.msk [tilespmem:v24+s6+$0x0], $0xffff  }
0x65: {  	v21 =	vmax.f32 v17, v21;
	v17 =	vld.idx.msk [tilespmem:v25+s6+$0x0], $0xffff  }
.Ltmp1:
0x66: {  	v21 =	vmax.f32 v21, v22;
	v18 =	vld.idx.msk [tilespmem:v18+s6+$0x0], $0xffff;
	(pc) =	sbr.rel @p0 .LBB2_2-.Ltmp1, $4  }
0x67: {  	v21 =	vmax.f32 v21, v26;
	v20 =	vld.idx.msk [tilespmem:v20+s6+$0x0], $0xffff  }
0x68: {  	v21 =	vmax.f32 v21, v27  }
0x69: {  	v22 =	vmax.f32 v21, v19  }
0x6a: {  	s7 =	sadd.s32 $0x100, s7;
	v21 =	vor.u32 s8, v0;
	v19 =	vor.u32 s8, v1;
	v22 =	vmax.f32 v22, v23  }
0x6b: {  	v0 =	vand.u32 v2, v21;
	v1 =	vmax.f32 v22, v17  }
0x6c: {  	v2 =	vor.u32 s8, v3;
	v1 =	vmax.f32 v1, v18  }
0x6d: {  	v3 =	vor.u32 s8, v4;
	s7 =	sadd.s32 $0x10, s9;
	v1 =	vmax.f32 v1, v20  }
0x6e: {  	v4 =	vor.u32 s8, v5;
	[tilespmem:s7+$0x0] =	vst v1  }
0x6f: {  	v5 =	vor.u32 s8, v6;
	v1 =	vld.idx.msk [tilespmem:v19+s6+$0x0], $0xffff  }
0x70: {  	v26 =	vor.u32 s8, v7;
	v0 =	vld.idx.msk [tilespmem:v0+s6+$0x0], $0xffff  }
0x71: {  	v27 =	vor.u32 s8, v8;
	v2 =	vld.idx.msk [tilespmem:v2+s6+$0x0], $0xffff  }
0x72: {  	v28 =	vor.u32 s8, v9;
	v3 =	vld.idx.msk [tilespmem:v3+s6+$0x0], $0xffff  }
0x73: {  	v29 =	vor.u32 s8, v10;
	v4 =	vld.idx.msk [tilespmem:v4+s6+$0x0], $0xffff  }
0x74: {  	v30 =	vor.u32 s8, v11;
	v5 =	vld.idx.msk [tilespmem:v5+s6+$0x0], $0xffff  }
0x75: {  	v31 =	vor.u32 s8, v12;
	v6 =	vld.idx.msk [tilespmem:v26+s6+$0x0], $0xffff;
	v0 =	vmax.f32 v0, v1  }
0x76: {  	v32 =	vor.u32 s8, v13;
	v1 =	vld.idx.msk [tilespmem:v27+s6+$0x0], $0xffff;
	v0 =	vmax.f32 v0, v2  }
0x77: {  	v33 =	vor.u32 s8, v14;
	v2 =	vld.idx.msk [tilespmem:v28+s6+$0x0], $0xffff;
	v0 =	vmax.f32 v0, v3  }
0x78: {  	v34 =	vor.u32 s8, v15;
	v3 =	vld.idx.msk [tilespmem:v29+s6+$0x0], $0xffff;
	v0 =	vmax.f32 v0, v4  }
0x79: {  	v35 =	vor.u32 s8, v16;
	v4 =	vld.idx.msk [tilespmem:v30+s6+$0x0], $0xffff;
	v0 =	vmax.f32 v0, v5  }
0x7a: {  	v5 =	vld.idx.msk [tilespmem:v31+s6+$0x0], $0xffff;
	v0 =	vmax.f32 v0, v6  }
0x7b: {  	v36 =	vld.idx.msk [tilespmem:v32+s6+$0x0], $0xffff;
	v0 =	vmax.f32 v0, v1  }
0x7c: {  	v1 =	vld.idx.msk [tilespmem:v33+s6+$0x0], $0xffff;
	v0 =	vmax.f32 v0, v2  }
0x7d: {  	v2 =	vld.idx.msk [tilespmem:v34+s6+$0x0], $0xffff;
	v0 =	vmax.f32 v0, v3  }
0x7e: {  	v3 =	vld.idx.msk [tilespmem:v35+s6+$0x0], $0xffff;
	v4 =	vmax.f32 v0, v4;
	v0 =	vlaneseq.u32  }
0x7f: {  	v4 =	vmax.f32 v4, v5;
	v5 =	vmul.u32 $0x10, v0  }
0x80: {  	v4 =	vmax.f32 v4, v36  }
0x81: {  	v1 =	vmax.f32 v4, v1;
	v4 =	vor.u32 $0x1, v5  }
0x82: {  	v38 =	vor.u32 $0x5, v5;
	v1 =	vmax.f32 v1, v2  }
0x83: {  	s31 =	sadd.s32 $0x10, s7;
	v39 =	vor.u32 $0x6, v5;
	v1 =	vmax.f32 v1, v3  }
0x84: {  	s6 =	simm.s32 $0x2000;
	v40 =	vor.u32 $0x7, v5;
	[tilespmem:s31+$0x0] =	vst v1  }
0x85: {  	v41 =	vor.u32 $0x8, v5;
	v37 =	vld.idx.msk [tilespmem:v5+s6+$0x0], $0xffff  }
0x86: {  	v42 =	vor.u32 $0x9, v5;
	v4 =	vld.idx.msk [tilespmem:v4+s6+$0x0], $0xffff  }
0x87: {  	v43 =	vor.u32 $0xA, v5;
	v7 =	vld.idx.msk [tilespmem:v38+s6+$0x0], $0xffff  }
0x88: {  	v44 =	vor.u32 $0xB, v5;
	v8 =	vld.idx.msk [tilespmem:v39+s6+$0x0], $0xffff  }
0x89: {  	v45 =	vor.u32 $0xC, v5;
	v9 =	vld.idx.msk [tilespmem:v40+s6+$0x0], $0xffff  }
0x8a: {  	v46 =	vor.u32 $0xD, v5;
	v10 =	vld.idx.msk [tilespmem:v41+s6+$0x0], $0xffff  }
0x8b: {  	v47 =	vor.u32 $0xE, v5;
	v11 =	vld.idx.msk [tilespmem:v42+s6+$0x0], $0xffff  }
0x8c: {  	v48 =	vor.u32 $0xF, v5;
	v12 =	vld.idx.msk [tilespmem:v43+s6+$0x0], $0xffff  }
0x8d: {  	v49 =	vor.u32 $0x100, v5;
	v13 =	vld.idx.msk [tilespmem:v44+s6+$0x0], $0xffff  }
0x8e: {  	v50 =	vor.u32 $0x101, v5;
	v14 =	vld.idx.msk [tilespmem:v45+s6+$0x0], $0xffff  }
0x8f: {  	v51 =	vor.u32 $0x102, v5;
	v15 =	vld.idx.msk [tilespmem:v46+s6+$0x0], $0xffff  }
0x90: {  	v52 =	vor.u32 $0x103, v5;
	v16 =	vld.idx.msk [tilespmem:v47+s6+$0x0], $0xffff  }
0x91: {  	v53 =	vor.u32 $0x104, v5;
	v17 =	vld.idx.msk [tilespmem:v48+s6+$0x0], $0xffff  }
0x92: {  	v2 =	vor.u32 $0x2, v5;
	v18 =	vld.idx.msk [tilespmem:v49+s6+$0x0], $0xffff  }
0x93: {  	v3 =	vor.u32 $0x3, v5;
	v19 =	vld.idx.msk [tilespmem:v50+s6+$0x0], $0xffff  }
0x94: {  	v1 =	vor.u32 $0x4, v5;
	v20 =	vld.idx.msk [tilespmem:v51+s6+$0x0], $0xffff  }
0x95: {  	v23 =	vor.u32 $0x105, v5;
	v21 =	vld.idx.msk [tilespmem:v52+s6+$0x0], $0xffff  }
0x96: {  	v24 =	vor.u32 $0x106, v5;
	v22 =	vld.idx.msk [tilespmem:v53+s6+$0x0], $0xffff  }
0x97: {  	v25 =	vor.u32 $0x107, v5;
	v2 =	vld.idx.msk [tilespmem:v2+s6+$0x0], $0xffff  }
0x98: {  	v26 =	vor.u32 $0x108, v5;
	v3 =	vld.idx.msk [tilespmem:v3+s6+$0x0], $0xffff  }
0x99: {  	v27 =	vor.u32 $0x109, v5;
	v1 =	vld.idx.msk [tilespmem:v1+s6+$0x0], $0xffff  }
0x9a: {  	v28 =	vor.u32 $0x10A, v5;
	v23 =	vld.idx.msk [tilespmem:v23+s6+$0x0], $0xffff  }
0x9b: {  	v56 =	vor.u32 $0x10B, v5;
	v55 =	vld.idx.msk [tilespmem:v24+s6+$0x0], $0xffff;
	v4 =	vmax.f32 v37, v4;
	v54 =	vmax.f32 v18, v19  }
0x9c: {  	v58 =	vor.u32 $0x10C, v5;
	v57 =	vld.idx.msk [tilespmem:v25+s6+$0x0], $0xffff;
	v2 =	vmax.f32 v4, v2;
	v4 =	vmax.f32 v54, v20  }
0x9d: {  	v59 =	vor.u32 $0x10D, v5;
	v2 =	vmax.f32 v2, v3;
	v3 =	vmax.f32 v4, v21;
	v4 =	vld.idx.msk [tilespmem:v26+s6+$0x0], $0xffff  }
0x9e: {  	v60 =	vor.u32 $0x10E, v5;
	v1 =	vmax.f32 v2, v1;
	v2 =	vmax.f32 v3, v22;
	v3 =	vld.idx.msk [tilespmem:v27+s6+$0x0], $0xffff  }
0x9f: {  	v5 =	vor.u32 $0x10F, v5;
	v61 =	vld.idx.msk [tilespmem:v28+s6+$0x0], $0xffff;
	v1 =	vmax.f32 v1, v7;
	v2 =	vmax.f32 v2, v23  }
0xa0: {  	v62 =	vld.idx.msk [tilespmem:v56+s6+$0x0], $0xffff;
	v1 =	vmax.f32 v1, v8;
	v2 =	vmax.f32 v2, v55  }
0xa1: {  	v63 =	vld.idx.msk [tilespmem:v58+s6+$0x0], $0xffff;
	v1 =	vmax.f32 v1, v9;
	v2 =	vmax.f32 v2, v57  }
0xa2: {  	v1 =	vmax.f32 v1, v10;
	v2 =	vmax.f32 v2, v4;
	v4 =	vld.idx.msk [tilespmem:v59+s6+$0x0], $0xffff  }
0xa3: {  	v1 =	vmax.f32 v1, v11;
	v2 =	vmax.f32 v2, v3;
	v3 =	vld.idx.msk [tilespmem:v60+s6+$0x0], $0xffff  }
0xa4: {  	v5 =	vld.idx.msk [tilespmem:v5+s6+$0x0], $0xffff;
	v1 =	vmax.f32 v1, v12;
	v2 =	vmax.f32 v2, v61  }
0xa5: {  	v1 =	vmax.f32 v1, v13;
	v2 =	vmax.f32 v2, v62  }
0xa6: {  	v1 =	vmax.f32 v1, v14;
	v2 =	vmax.f32 v2, v63  }
0xa7: {  	v1 =	vmax.f32 v1, v15;
	v2 =	vmax.f32 v2, v4  }
0xa8: {  	v1 =	vmax.f32 v1, v16;
	v2 =	vmax.f32 v2, v3  }
0xa9: {  	s8 =	simm.s32 $0x2280;
	s9 =	simm.s32 $0x0;
	s7 =	simm.s32 $0x0;
	v3 =	vimm.s32 $0x0;
	v1 =	vmax.f32 v1, v17;
	v2 =	vmax.f32 v2, v5  }
.LBB2_4:
0xaa: {  	v4 =	vmax.f32 v1, v2  }
0xab: {  	(xrf0) =	vmax.scan.msk.f32 $0xffff, v4;
	_ =	sdelay $0x5  }
0xac: {  	v4, _, _ =	vpop (xrf0)  }
0xad: {  	v4 =	vbroadcast v4, $0xF;
	_ =	sdelay $0x1  }
0xae: {  	vm0 =	veq.f32 v1, v4  }
0xaf: {  	v5 =	vmpcnt.ones.xlane vm0;
	_ =	sdelay $0x1  }
0xb0: {  	vm0 =	veq.s32 v5, $0x0  }
0xb1: {  	v6 =	vsel vm0, v2, v1  }
0xb2: {  	vm1 =	veq.f32 v6, v4  }
0xb3: {  	v6 =	vmctz.xlane vm1  }
0xb4: {  	v7 =	vsel vm0, $0x10, v3  }
0xb5: {  	v7 =	vadd.s32 v6, v7  }
0xb6: {  	v7 =	vshll.u32 v7, $0x4  }
0xb7: {  	v8 =	vor.u32 v0, v7;
	_ =	sdelay $0x4  }
0xb8: {  	v9 =	vld.idx.msk [tilespmem:v8+s6+$0x0], $0xffff;
	_ =	sdelay $0x4  }
0xb9: {  	vm12 =	veq.f32 v9, v4  }
0xba: {  	v10 =	vmctz.xlane vm12;
	_ =	sdelay $0x1  }
0xbb: {  	v7 =	vadd.s32 v10, v7  }
0xbc: {  	v7 =	vshll.u32 v7, $0x4  }
0xbd: {  	v11 =	vor.u32 v0, v7;
	_ =	sdelay $0x4  }
0xbe: {  	v12 =	vld.idx.msk [tilespmem:v11+s7+$0x0], $0xffff;
	_ =	sdelay $0x4  }
0xbf: {  	vm13 =	veq.f32 v12, v4  }
0xc0: {  	v4 =	vmctz.xlane vm13;
	_ =	sdelay $0x1  }
0xc1: {  	vm1 =	veq.s32 v4, v0  }
0xc2: {  	vm14 =	veq.s32 v10, v0;
	v12 =	vsel vm1, $0xFF800000, v12  }
0xc3: {  	v10 =	vsel vm14, $0xFF800000, v9;
	(xrf0) =	vmax.scan.msk.f32 $0xffff, v12  }
0xc4: {  	(xrf0) =	vmax.scan.msk.f32 $0xffff, v10;
	_ =	sdelay $0x2  }
0xc5: {  	v62 =	vmov s9;
	_ =	sdelay $0x1  }
0xc6: {  	p0 =	sne.s32 s9, $0x3F;
	v13, _, _ =	vpop (xrf0)  }
.Ltmp2:
0xc7: {  	v14, _, _ =	vpop (xrf0);
	(pc) =	sbr.rel @p0 .LBB2_4-.Ltmp2, $4  }
0xc8: {  	v4 =	vadd.s32 v4, v7;
	v63 =	vmax.f32 v14, v13;
	v13 =	vbroadcast v13, $0xF  }
0xc9: {  	vm2 =	vne.s32 v5, $0x0;
	vm3 =	veq.s32 v6, v0;
	[tilespmem:v62+s8+$0x0] =	vst.idx.msk $0x1, v4;
	v4 =	vbroadcast v63, $0xF  }
0xca: {  	vm15 =	vmand vm3, vm2;
	vm0 =	vmand vm0, vm3;
	[tilespmem:v11+s7+$0x0] =	vst.idx.msk $0xffff, v12;
	v5 =	vsel vm14, v13, v9  }
0xcb: {  	s9 =	sadd.s32 $0x1, s9;
	[tilespmem:v8+s6+$0x0] =	vst.idx.msk $0xffff, v5;
	v1 =	vsel vm15, v4, v1;
	v2 =	vsel vm0, v4, v2  }
0xcc: {  	s6 =	simm.s32 $0x40;
	s7 =	simm.s32 $0x2280;
	s8 =	simm.s32 $0x2300  }
0xcd: {  	[tilespmem:s8], [sflag:$0x1] =	stream.indirect.gather [hbm4b:s5+s6], $0x80, s7, s6, $0xb8;
	[tilespmem:$0x6880] =	vst v63  }
0xce: {  	v0 =	vimm.s32 $0x0;
	v3 =	vlaneseq.u32;
	s9 =	simm.s32 $0x0;
	s8 =	simm.s32 $0x2000  }
.LBB2_6:
0xcf: {  	v4 =	vmax.f32 v1, v2  }
0xd0: {  	(xrf0) =	vmax.scan.msk.f32 $0xffff, v4;
	_ =	sdelay $0x5  }
0xd1: {  	v4, _, _ =	vpop (xrf0)  }
0xd2: {  	v4 =	vbroadcast v4, $0xF;
	_ =	sdelay $0x1  }
0xd3: {  	vm0 =	veq.f32 v1, v4  }
0xd4: {  	v5 =	vmpcnt.ones.xlane vm0;
	_ =	sdelay $0x1  }
0xd5: {  	vm0 =	veq.s32 v5, $0x0  }
0xd6: {  	v6 =	vsel vm0, v2, v1  }
0xd7: {  	vm1 =	veq.f32 v6, v4  }
0xd8: {  	v6 =	vmctz.xlane vm1  }
0xd9: {  	v7 =	vsel vm0, $0x10, v0  }
0xda: {  	v7 =	vadd.s32 v6, v7  }
0xdb: {  	v7 =	vshll.u32 v7, $0x4  }
0xdc: {  	v8 =	vor.u32 v3, v7;
	_ =	sdelay $0x4  }
0xdd: {  	v9 =	vld.idx.msk [tilespmem:v8+s8+$0x0], $0xffff;
	_ =	sdelay $0x4  }
0xde: {  	vm12 =	veq.f32 v9, v4  }
0xdf: {  	v10 =	vmctz.xlane vm12;
	_ =	sdelay $0x1  }
0xe0: {  	v7 =	vadd.s32 v10, v7  }
0xe1: {  	v7 =	vshll.u32 v7, $0x4  }
0xe2: {  	v11 =	vor.u32 v3, v7;
	_ =	sdelay $0x4  }
0xe3: {  	v12 =	vld.idx.msk [tilespmem:v11+s9+$0x0], $0xffff;
	_ =	sdelay $0x4  }
0xe4: {  	vm13 =	veq.f32 v12, v4  }
0xe5: {  	v4 =	vmctz.xlane vm13;
	_ =	sdelay $0x1  }
0xe6: {  	vm1 =	veq.s32 v4, v3  }
0xe7: {  	vm14 =	veq.s32 v10, v3;
	v12 =	vsel vm1, $0xFF800000, v12  }
0xe8: {  	v10 =	vsel vm14, $0xFF800000, v9;
	(xrf0) =	vmax.scan.msk.f32 $0xffff, v12  }
0xe9: {  	(xrf0) =	vmax.scan.msk.f32 $0xffff, v10;
	_ =	sdelay $0x2  }
0xea: {  	v62 =	vmov s6;
	_ =	sdelay $0x1  }
0xeb: {  	p0 =	sne.s32 s6, $0x63;
	v13, _, _ =	vpop (xrf0)  }
.Ltmp3:
0xec: {  	v14, _, _ =	vpop (xrf0);
	(pc) =	sbr.rel @p0 .LBB2_6-.Ltmp3, $4  }
0xed: {  	v4 =	vadd.s32 v4, v7;
	v63 =	vmax.f32 v14, v13;
	v13 =	vbroadcast v13, $0xF  }
0xee: {  	vm2 =	vne.s32 v5, $0x0;
	vm3 =	veq.s32 v6, v3;
	[tilespmem:v62+s7+$0x0] =	vst.idx.msk $0x1, v4;
	v4 =	vbroadcast v63, $0xF  }
0xef: {  	vm15 =	vmand vm3, vm2;
	vm0 =	vmand vm0, vm3;
	[tilespmem:v11+s9+$0x0] =	vst.idx.msk $0xffff, v12;
	v5 =	vsel vm14, v13, v9  }
0xf0: {  	s6 =	sadd.s32 $0x1, s6;
	[tilespmem:v8+s8+$0x0] =	vst.idx.msk $0xffff, v5;
	v1 =	vsel vm15, v4, v1;
	v2 =	vsel vm0, v4, v2  }
0xf1: {  	s6 =	simm.s32 $0x40  }
0xf2: {  	s7 =	simm.s32 $0x22C0;
	s8 =	simm.s32 $0x4300;
	s29 =	simm.s32 $0x1  }
0xf3: {  	[tilespmem:s8], [sflag:$0x1] =	stream.indirect.gather [hbm4b:s5+s6], $0x80, s7, s6, $0xb8;
	[tilespmem:$0x6880] =	vst v63  }
0xf4: {  	_ =	swait.ge [sflag:s29], $0x2000  }
0xf5: {  	[sflag:s29] =	ssyncset.done $0x0  }
0xf6: {  	[sflag:s29] =	ssyncadd.s32 $0xFFFFE000  }
0xf7: {  	_ =	swait.ge [sflag:s29], $0x2000  }
0xf8: {  	[sflag:s29] =	ssyncset.done $0x0  }
0xf9: {  	v6 =	vimm.f32 $-Inf;
	[sflag:s29] =	ssyncadd.s32 $0xFFFFE000  }
0xfa: {  	[tilespmem:$0x6620] =	vst v6  }
0xfb: {  	[tilespmem:$0x6630] =	vst v6  }
0xfc: {  	[tilespmem:$0x6640] =	vst v6  }
0xfd: {  	[tilespmem:$0x6650] =	vst v6  }
0xfe: {  	[tilespmem:$0x6660] =	vst v6  }
0xff: {  	v1 =	vlaneseq.u32;
	[tilespmem:$0x6670] =	vst v6  }
0x100: {  	v0 =	vmul.u32 $0x10, v1;
	v1 =	vand.u32 $0x7, v1;
	[tilespmem:$0x6680] =	vst v6  }
0x101: {  	v2 =	vmul.u32 $0x10, v1;
	[tilespmem:$0x6690] =	vst v6  }
0x102: {  	s30 =	simm.s32 $0x0;
	v1 =	vor.u32 $0x1, v0;
	[tilespmem:$0x66A0] =	vst v6  }
0x103: {  	v4 =	vor.u32 s30, v0;
	v2 =	vor.u32 $0xFFFFFF80, v2;
	v8 =	vor.u32 s30, v1;
	[tilespmem:$0x66B0] =	vst v6  }
0x104: {  	v3 =	vor.u32 $0x2, v0;
	v9 =	vand.u32 v2, v4;
	[tilespmem:$0x66C0] =	vst v6  }
0x105: {  	v10 =	vor.u32 s30, v3;
	v4 =	vor.u32 $0x3, v0;
	[tilespmem:$0x66D0] =	vst v6  }
0x106: {  	v5 =	vor.u32 $0x4, v0;
	v11 =	vor.u32 s30, v4;
	[tilespmem:$0x66E0] =	vst v6  }
0x107: {  	s5 =	simm.s32 $0x2300;
	v12 =	vor.u32 s30, v5;
	[tilespmem:$0x66F0] =	vst v6;
	v6 =	vor.u32 $0x5, v0  }
0x108: {  	v7 =	vor.u32 $0x6, v0;
	v14 =	vld.idx.msk [tilespmem:v8+s5+$0x0], $0xffff;
	v13 =	vor.u32 s30, v6  }
0x109: {  	v16 =	vor.u32 s30, v7;
	v8 =	vor.u32 $0x7, v0;
	v15 =	vld.idx.msk [tilespmem:v9+s5+$0x0], $0xffff  }
0x10a: {  	v17 =	vld.idx.msk [tilespmem:v10+s5+$0x0], $0xffff;
	v9 =	vor.u32 $0x8, v0;
	v18 =	vor.u32 s30, v8  }
0x10b: {  	v10 =	vor.u32 $0x9, v0;
	v19 =	vld.idx.msk [tilespmem:v11+s5+$0x0], $0xffff;
	v20 =	vor.u32 s30, v9  }
0x10c: {  	v21 =	vld.idx.msk [tilespmem:v12+s5+$0x0], $0xffff;
	v22 =	vor.u32 s30, v10;
	v11 =	vor.u32 $0xA, v0  }
0x10d: {  	v12 =	vor.u32 $0xB, v0;
	v24 =	vor.u32 s30, v11;
	v23 =	vld.idx.msk [tilespmem:v13+s5+$0x0], $0xffff  }
0x10e: {  	v25 =	vld.idx.msk [tilespmem:v16+s5+$0x0], $0xffff;
	v26 =	vor.u32 s30, v12;
	v13 =	vor.u32 $0xC, v0;
	v15 =	vmax.f32 v15, v14  }
0x10f: {  	v14 =	vor.u32 $0xD, v0;
	v18 =	vld.idx.msk [tilespmem:v18+s5+$0x0], $0xffff;
	v27 =	vor.u32 s30, v13;
	v16 =	vmax.f32 v15, v17  }
0x110: {  	v15 =	vor.u32 $0xE, v0;
	v17 =	vld.idx.msk [tilespmem:v20+s5+$0x0], $0xffff;
	v20 =	vor.u32 s30, v14;
	v19 =	vmax.f32 v16, v19  }
0x111: {  	v22 =	vld.idx.msk [tilespmem:v22+s5+$0x0], $0xffff;
	v16 =	vor.u32 $0xF, v0;
	v28 =	vor.u32 s30, v15;
	v19 =	vmax.f32 v19, v21  }
0x112: {  	v21 =	vld.idx.msk [tilespmem:v24+s5+$0x0], $0xffff;
	v54 =	vor.u32 s30, v16;
	v19 =	vmax.f32 v19, v23  }
0x113: {  	v23 =	vld.idx.msk [tilespmem:v26+s5+$0x0], $0xffff;
	v19 =	vmax.f32 v19, v25  }
0x114: {  	v55 =	vld.idx.msk [tilespmem:v27+s5+$0x0], $0xffff;
	v18 =	vmax.f32 v19, v18  }
0x115: {  	v19 =	vld.idx.msk [tilespmem:v20+s5+$0x0], $0xffff;
	v17 =	vmax.f32 v18, v17  }
0x116: {  	v18 =	vld.idx.msk [tilespmem:v28+s5+$0x0], $0xffff;
	v17 =	vmax.f32 v17, v22  }
0x117: {  	v20 =	vld.idx.msk [tilespmem:v54+s5+$0x0], $0xffff;
	v17 =	vmax.f32 v17, v21  }
0x118: {  	s31 =	simm.s32 $0x100;
	v17 =	vmax.f32 v17, v23  }
0x119: {  	v22 =	vor.u32 s31, v1;
	v21 =	vor.u32 s31, v0;
	v17 =	vmax.f32 v17, v55  }
0x11a: {  	v21 =	vand.u32 v2, v21;
	v17 =	vmax.f32 v17, v19  }
0x11b: {  	v19 =	vor.u32 s31, v3;
	v17 =	vmax.f32 v17, v18  }
0x11c: {  	s6 =	simm.s32 $0x6300;
	v18 =	vor.u32 s31, v4;
	v17 =	vmax.f32 v17, v20  }
0x11d: {  	v20 =	vor.u32 s31, v5;
	[tilespmem:s6+$0x0] =	vst v17  }
0x11e: {  	v17 =	vld.idx.msk [tilespmem:v22+s5+$0x0], $0xffff;
	v22 =	vor.u32 s31, v6  }
0x11f: {  	v23 =	vor.u32 s31, v7;
	v21 =	vld.idx.msk [tilespmem:v21+s5+$0x0], $0xffff  }
0x120: {  	v56 =	vor.u32 s31, v8;
	v19 =	vld.idx.msk [tilespmem:v19+s5+$0x0], $0xffff  }
0x121: {  	v57 =	vor.u32 s31, v9;
	v18 =	vld.idx.msk [tilespmem:v18+s5+$0x0], $0xffff  }
0x122: {  	v58 =	vor.u32 s31, v10;
	v20 =	vld.idx.msk [tilespmem:v20+s5+$0x0], $0xffff  }
0x123: {  	v22 =	vld.idx.msk [tilespmem:v22+s5+$0x0], $0xffff  }
0x124: {  	v59 =	vor.u32 s31, v11;
	v23 =	vld.idx.msk [tilespmem:v23+s5+$0x0], $0xffff;
	v17 =	vmax.f32 v21, v17  }
0x125: {  	v60 =	vor.u32 s31, v12;
	v21 =	vld.idx.msk [tilespmem:v56+s5+$0x0], $0xffff;
	v17 =	vmax.f32 v17, v19  }
0x126: {  	v61 =	vor.u32 s31, v13;
	v19 =	vld.idx.msk [tilespmem:v57+s5+$0x0], $0xffff;
	v17 =	vmax.f32 v17, v18  }
0x127: {  	v18 =	vld.idx.msk [tilespmem:v58+s5+$0x0], $0xffff;
	v17 =	vmax.f32 v17, v20;
	v20 =	vor.u32 s31, v14  }
0x128: {  	v17 =	vmax.f32 v17, v22;
	v22 =	vor.u32 s31, v15  }
0x129: {  	v62 =	vld.idx.msk [tilespmem:v59+s5+$0x0], $0xffff;
	v17 =	vmax.f32 v17, v23;
	v23 =	vor.u32 s31, v16  }
0x12a: {  	v63 =	vld.idx.msk [tilespmem:v60+s5+$0x0], $0xffff;
	v17 =	vmax.f32 v17, v21  }
0x12b: {  	v24 =	vld.idx.msk [tilespmem:v61+s5+$0x0], $0xffff;
	v17 =	vmax.f32 v17, v19  }
0x12c: {  	v18 =	vmax.f32 v17, v18;
	v17 =	vld.idx.msk [tilespmem:v20+s5+$0x0], $0xffff  }
0x12d: {  	v19 =	vld.idx.msk [tilespmem:v22+s5+$0x0], $0xffff  }
0x12e: {  	v18 =	vmax.f32 v18, v62;
	v20 =	vld.idx.msk [tilespmem:v23+s5+$0x0], $0xffff  }
0x12f: {  	s7 =	simm.s32 $0x200;
	v22 =	vmax.f32 v18, v63  }
0x130: {  	s8 =	simm.s32 $0x300;
	v21 =	vor.u32 s7, v0;
	v18 =	vor.u32 s7, v1;
	v22 =	vmax.f32 v22, v24  }
.LBB2_8:
0x131: {  	p0 =	sne.s32 s8, $0x3100;
	v21 =	vand.u32 v2, v21;
	v17 =	vmax.f32 v22, v17  }
0x132: {  	v22 =	vor.u32 s7, v3;
	v17 =	vmax.f32 v17, v19  }
0x133: {  	s6 =	sadd.s32 $0x10, s6;
	v19 =	vor.u32 s7, v4;
	v17 =	vmax.f32 v17, v20  }
0x134: {  	v20 =	vor.u32 s7, v5;
	[tilespmem:s6+$0x0] =	vst v17  }
0x135: {  	v17 =	vld.idx.msk [tilespmem:v18+s5+$0x0], $0xffff;
	v18 =	vor.u32 s7, v6  }
0x136: {  	v23 =	vor.u32 s7, v7;
	v21 =	vld.idx.msk [tilespmem:v21+s5+$0x0], $0xffff  }
0x137: {  	v24 =	vor.u32 s7, v8;
	v22 =	vld.idx.msk [tilespmem:v22+s5+$0x0], $0xffff  }
0x138: {  	v25 =	vor.u32 s7, v9;
	v19 =	vld.idx.msk [tilespmem:v19+s5+$0x0], $0xffff  }
0x139: {  	v26 =	vor.u32 s7, v10;
	v20 =	vld.idx.msk [tilespmem:v20+s5+$0x0], $0xffff  }
0x13a: {  	v27 =	vor.u32 s7, v11;
	v18 =	vld.idx.msk [tilespmem:v18+s5+$0x0], $0xffff  }
0x13b: {  	v28 =	vor.u32 s7, v12;
	v23 =	vld.idx.msk [tilespmem:v23+s5+$0x0], $0xffff  }
0x13c: {  	v17 =	vmax.f32 v21, v17;
	v21 =	vld.idx.msk [tilespmem:v24+s5+$0x0], $0xffff;
	v24 =	vor.u32 s7, v13  }
0x13d: {  	v17 =	vmax.f32 v17, v22;
	v22 =	vld.idx.msk [tilespmem:v25+s5+$0x0], $0xffff;
	v25 =	vor.u32 s7, v14  }
0x13e: {  	v17 =	vmax.f32 v17, v19;
	v19 =	vor.u32 s7, v15;
	v26 =	vld.idx.msk [tilespmem:v26+s5+$0x0], $0xffff  }
0x13f: {  	v17 =	vmax.f32 v17, v20;
	v20 =	vor.u32 s7, v16;
	s7 =	smov.u32 s8;
	v27 =	vld.idx.msk [tilespmem:v27+s5+$0x0], $0xffff  }
0x140: {  	v17 =	vmax.f32 v17, v18;
	v18 =	vld.idx.msk [tilespmem:v28+s5+$0x0], $0xffff  }
0x141: {  	v17 =	vmax.f32 v17, v23;
	v23 =	vld.idx.msk [tilespmem:v24+s5+$0x0], $0xffff  }
0x142: {  	v21 =	vmax.f32 v17, v21;
	v17 =	vld.idx.msk [tilespmem:v25+s5+$0x0], $0xffff  }
.Ltmp4:
0x143: {  	v21 =	vmax.f32 v21, v22;
	v19 =	vld.idx.msk [tilespmem:v19+s5+$0x0], $0xffff;
	(pc) =	sbr.rel @p0 .LBB2_8-.Ltmp4, $4  }
0x144: {  	v21 =	vmax.f32 v21, v26;
	v20 =	vld.idx.msk [tilespmem:v20+s5+$0x0], $0xffff  }
0x145: {  	v21 =	vmax.f32 v21, v27  }
0x146: {  	v22 =	vmax.f32 v21, v18  }
0x147: {  	s8 =	sadd.s32 $0x100, s8;
	v21 =	vor.u32 s7, v0;
	v18 =	vor.u32 s7, v1;
	v22 =	vmax.f32 v22, v23  }
0x148: {  	v0 =	vand.u32 v2, v21;
	v1 =	vmax.f32 v22, v17  }
0x149: {  	v2 =	vor.u32 s7, v3;
	v1 =	vmax.f32 v1, v19  }
0x14a: {  	v3 =	vor.u32 s7, v4;
	s6 =	sadd.s32 $0x10, s6;
	v1 =	vmax.f32 v1, v20  }
0x14b: {  	v4 =	vor.u32 s7, v5;
	[tilespmem:s6+$0x0] =	vst v1  }
0x14c: {  	v5 =	vor.u32 s7, v6;
	v1 =	vld.idx.msk [tilespmem:v18+s5+$0x0], $0xffff  }
0x14d: {  	v6 =	vor.u32 s7, v7;
	v0 =	vld.idx.msk [tilespmem:v0+s5+$0x0], $0xffff  }
0x14e: {  	v7 =	vor.u32 s7, v8;
	v2 =	vld.idx.msk [tilespmem:v2+s5+$0x0], $0xffff  }
0x14f: {  	v28 =	vor.u32 s7, v9;
	v3 =	vld.idx.msk [tilespmem:v3+s5+$0x0], $0xffff  }
0x150: {  	v29 =	vor.u32 s7, v10;
	v4 =	vld.idx.msk [tilespmem:v4+s5+$0x0], $0xffff  }
0x151: {  	v30 =	vor.u32 s7, v11;
	v5 =	vld.idx.msk [tilespmem:v5+s5+$0x0], $0xffff  }
0x152: {  	v31 =	vor.u32 s7, v12;
	v6 =	vld.idx.msk [tilespmem:v6+s5+$0x0], $0xffff;
	v0 =	vmax.f32 v0, v1  }
0x153: {  	v1 =	vld.idx.msk [tilespmem:v7+s5+$0x0], $0xffff;
	v7 =	vor.u32 s7, v13;
	v0 =	vmax.f32 v0, v2  }
0x154: {  	v32 =	vor.u32 s7, v14;
	v2 =	vld.idx.msk [tilespmem:v28+s5+$0x0], $0xffff;
	v0 =	vmax.f32 v0, v3  }
0x155: {  	v33 =	vor.u32 s7, v15;
	v3 =	vld.idx.msk [tilespmem:v29+s5+$0x0], $0xffff;
	v0 =	vmax.f32 v0, v4  }
0x156: {  	v34 =	vor.u32 s7, v16;
	v4 =	vld.idx.msk [tilespmem:v30+s5+$0x0], $0xffff;
	v0 =	vmax.f32 v0, v5  }
0x157: {  	v5 =	vld.idx.msk [tilespmem:v31+s5+$0x0], $0xffff;
	v0 =	vmax.f32 v0, v6  }
0x158: {  	v6 =	vld.idx.msk [tilespmem:v7+s5+$0x0], $0xffff;
	v0 =	vmax.f32 v0, v1  }
0x159: {  	v7 =	vld.idx.msk [tilespmem:v32+s5+$0x0], $0xffff;
	v0 =	vmax.f32 v0, v2  }
0x15a: {  	v2 =	vld.idx.msk [tilespmem:v33+s5+$0x0], $0xffff;
	v0 =	vmax.f32 v0, v3  }
0x15b: {  	v3 =	vld.idx.msk [tilespmem:v34+s5+$0x0], $0xffff;
	v1 =	vmax.f32 v0, v4;
	v0 =	vlaneseq.u32  }
0x15c: {  	v4 =	vmax.f32 v1, v5;
	v1 =	vmul.u32 $0x10, v0  }
0x15d: {  	v4 =	vmax.f32 v4, v6  }
0x15e: {  	v4 =	vmax.f32 v4, v7;
	v5 =	vor.u32 $0x1, v1  }
0x15f: {  	v7 =	vor.u32 $0x5, v1;
	v2 =	vmax.f32 v4, v2  }
0x160: {  	s31 =	sadd.s32 $0x10, s6;
	v35 =	vor.u32 $0x6, v1;
	v2 =	vmax.f32 v2, v3  }
0x161: {  	s5 =	simm.s32 $0x6300;
	v36 =	vor.u32 $0x7, v1;
	[tilespmem:s31+$0x0] =	vst v2  }
0x162: {  	v37 =	vor.u32 $0x8, v1;
	v6 =	vld.idx.msk [tilespmem:v1+s5+$0x0], $0xffff  }
0x163: {  	v38 =	vor.u32 $0x9, v1;
	v5 =	vld.idx.msk [tilespmem:v5+s5+$0x0], $0xffff  }
0x164: {  	v39 =	vor.u32 $0xA, v1;
	v7 =	vld.idx.msk [tilespmem:v7+s5+$0x0], $0xffff  }
0x165: {  	v40 =	vor.u32 $0xB, v1;
	v8 =	vld.idx.msk [tilespmem:v35+s5+$0x0], $0xffff  }
0x166: {  	v41 =	vor.u32 $0xC, v1;
	v9 =	vld.idx.msk [tilespmem:v36+s5+$0x0], $0xffff  }
0x167: {  	v42 =	vor.u32 $0xD, v1;
	v10 =	vld.idx.msk [tilespmem:v37+s5+$0x0], $0xffff  }
0x168: {  	v43 =	vor.u32 $0xE, v1;
	v11 =	vld.idx.msk [tilespmem:v38+s5+$0x0], $0xffff  }
0x169: {  	v44 =	vor.u32 $0xF, v1;
	v12 =	vld.idx.msk [tilespmem:v39+s5+$0x0], $0xffff  }
0x16a: {  	v45 =	vor.u32 $0x100, v1;
	v13 =	vld.idx.msk [tilespmem:v40+s5+$0x0], $0xffff  }
0x16b: {  	v46 =	vor.u32 $0x101, v1;
	v14 =	vld.idx.msk [tilespmem:v41+s5+$0x0], $0xffff  }
0x16c: {  	v47 =	vor.u32 $0x102, v1;
	v15 =	vld.idx.msk [tilespmem:v42+s5+$0x0], $0xffff  }
0x16d: {  	v48 =	vor.u32 $0x103, v1;
	v16 =	vld.idx.msk [tilespmem:v43+s5+$0x0], $0xffff  }
0x16e: {  	v49 =	vor.u32 $0x104, v1;
	v17 =	vld.idx.msk [tilespmem:v44+s5+$0x0], $0xffff  }
0x16f: {  	v23 =	vor.u32 $0x105, v1;
	v18 =	vld.idx.msk [tilespmem:v45+s5+$0x0], $0xffff  }
0x170: {  	v24 =	vor.u32 $0x106, v1;
	v19 =	vld.idx.msk [tilespmem:v46+s5+$0x0], $0xffff  }
0x171: {  	v25 =	vor.u32 $0x107, v1;
	v20 =	vld.idx.msk [tilespmem:v47+s5+$0x0], $0xffff  }
0x172: {  	v26 =	vor.u32 $0x108, v1;
	v21 =	vld.idx.msk [tilespmem:v48+s5+$0x0], $0xffff  }
0x173: {  	v27 =	vor.u32 $0x109, v1;
	v22 =	vld.idx.msk [tilespmem:v49+s5+$0x0], $0xffff  }
0x174: {  	v28 =	vor.u32 $0x10A, v1;
	v23 =	vld.idx.msk [tilespmem:v23+s5+$0x0], $0xffff  }
0x175: {  	v29 =	vor.u32 $0x10B, v1;
	v24 =	vld.idx.msk [tilespmem:v24+s5+$0x0], $0xffff  }
0x176: {  	v30 =	vor.u32 $0x10C, v1;
	v25 =	vld.idx.msk [tilespmem:v25+s5+$0x0], $0xffff  }
0x177: {  	v31 =	vor.u32 $0x10D, v1;
	v26 =	vld.idx.msk [tilespmem:v26+s5+$0x0], $0xffff  }
0x178: {  	v32 =	vor.u32 $0x10E, v1;
	v27 =	vld.idx.msk [tilespmem:v27+s5+$0x0], $0xffff  }
0x179: {  	v33 =	vor.u32 $0x10F, v1;
	v28 =	vld.idx.msk [tilespmem:v28+s5+$0x0], $0xffff  }
0x17a: {  	v34 =	vor.u32 $0x200, v1;
	v29 =	vld.idx.msk [tilespmem:v29+s5+$0x0], $0xffff  }
0x17b: {  	v54 =	vor.u32 $0x300, v1;
	v30 =	vld.idx.msk [tilespmem:v30+s5+$0x0], $0xffff  }
0x17c: {  	v55 =	vor.u32 $0x301, v1;
	v31 =	vld.idx.msk [tilespmem:v31+s5+$0x0], $0xffff  }
0x17d: {  	v58 =	vor.u32 $0x304, v1;
	v32 =	vld.idx.msk [tilespmem:v32+s5+$0x0], $0xffff  }
0x17e: {  	v61 =	vor.u32 $0x305, v1;
	v33 =	vld.idx.msk [tilespmem:v33+s5+$0x0], $0xffff  }
0x17f: {  	v4 =	vor.u32 $0x2, v1;
	v34 =	vld.idx.msk [tilespmem:v34+s5+$0x0], $0xffff  }
0x180: {  	v3 =	vor.u32 $0x3, v1;
	v60 =	vld.idx.msk [tilespmem:v54+s5+$0x0], $0xffff  }
0x181: {  	v2 =	vor.u32 $0x4, v1;
	v62 =	vld.idx.msk [tilespmem:v55+s5+$0x0], $0xffff  }
0x182: {  	v35 =	vor.u32 $0x201, v1;
	v46 =	vld.idx.msk [tilespmem:v58+s5+$0x0], $0xffff  }
0x183: {  	v36 =	vor.u32 $0x202, v1;
	v48 =	vld.idx.msk [tilespmem:v61+s5+$0x0], $0xffff  }
0x184: {  	v37 =	vor.u32 $0x203, v1;
	v4 =	vld.idx.msk [tilespmem:v4+s5+$0x0], $0xffff  }
0x185: {  	v38 =	vor.u32 $0x204, v1;
	v3 =	vld.idx.msk [tilespmem:v3+s5+$0x0], $0xffff  }
0x186: {  	v39 =	vor.u32 $0x205, v1;
	v2 =	vld.idx.msk [tilespmem:v2+s5+$0x0], $0xffff  }
0x187: {  	v40 =	vor.u32 $0x206, v1;
	v35 =	vld.idx.msk [tilespmem:v35+s5+$0x0], $0xffff  }
0x188: {  	v41 =	vor.u32 $0x207, v1;
	v36 =	vld.idx.msk [tilespmem:v36+s5+$0x0], $0xffff  }
0x189: {  	v56 =	vor.u32 $0x302, v1;
	v37 =	vld.idx.msk [tilespmem:v37+s5+$0x0], $0xffff  }
0x18a: {  	v42 =	vor.u32 $0x208, v1;
	v38 =	vld.idx.msk [tilespmem:v38+s5+$0x0], $0xffff  }
0x18b: {  	v43 =	vor.u32 $0x209, v1;
	v39 =	vld.idx.msk [tilespmem:v39+s5+$0x0], $0xffff  }
0x18c: {  	v57 =	vor.u32 $0x303, v1;
	v40 =	vld.idx.msk [tilespmem:v40+s5+$0x0], $0xffff;
	v5 =	vmax.f32 v6, v5  }
0x18d: {  	v47 =	vor.u32 $0x309, v1;
	v6 =	vld.idx.msk [tilespmem:v41+s5+$0x0], $0xffff;
	v4 =	vmax.f32 v5, v4  }
0x18e: {  	v45 =	vor.u32 $0x20B, v1;
	v41 =	vld.idx.msk [tilespmem:v56+s5+$0x0], $0xffff;
	v3 =	vmax.f32 v4, v3  }
0x18f: {  	v50 =	vor.u32 $0x20C, v1;
	v51 =	vor.u32 $0x20D, v1;
	v5 =	vld.idx.msk [tilespmem:v42+s5+$0x0], $0xffff;
	v2 =	vmax.f32 v3, v2  }
0x190: {  	v52 =	vor.u32 $0x20E, v1;
	v53 =	vor.u32 $0x20F, v1;
	v4 =	vld.idx.msk [tilespmem:v43+s5+$0x0], $0xffff;
	v2 =	vmax.f32 v2, v7  }
0x191: {  	v63 =	vor.u32 $0x306, v1;
	v44 =	vor.u32 $0x20A, v1;
	v43 =	vld.idx.msk [tilespmem:v57+s5+$0x0], $0xffff;
	v2 =	vmax.f32 v2, v8  }
0x192: {  	v49 =	vor.u32 $0x30A, v1;
	v54 =	vor.u32 $0x30C, v1;
	v57 =	vld.idx.msk [tilespmem:v47+s5+$0x0], $0xffff;
	v2 =	vmax.f32 v2, v9  }
0x193: {  	v58 =	vor.u32 $0x30E, v1;
	v59 =	vmax.f32 v18, v19;
	v7 =	vld.idx.msk [tilespmem:v45+s5+$0x0], $0xffff;
	v2 =	vmax.f32 v2, v10  }
0x194: {  	v56 =	vor.u32 $0x30D, v1;
	v42 =	vor.u32 $0x307, v1;
	v8 =	vld.idx.msk [tilespmem:v50+s5+$0x0], $0xffff;
	v2 =	vmax.f32 v2, v11  }
0x195: {  	v45 =	vor.u32 $0x308, v1;
	v9 =	vld.idx.msk [tilespmem:v51+s5+$0x0], $0xffff;
	v2 =	vmax.f32 v2, v12;
	v12 =	vmax.f32 v59, v20  }
0x196: {  	v50 =	vmax.f32 v34, v35;
	v10 =	vld.idx.msk [tilespmem:v52+s5+$0x0], $0xffff;
	v52 =	vor.u32 $0x30B, v1;
	v12 =	vmax.f32 v12, v21  }
0x197: {  	v51 =	vld.idx.msk [tilespmem:v63+s5+$0x0], $0xffff;
	v1 =	vor.u32 $0x30F, v1;
	v2 =	vmax.f32 v2, v13;
	v12 =	vmax.f32 v12, v22  }
0x198: {  	v11 =	vld.idx.msk [tilespmem:v53+s5+$0x0], $0xffff;
	v13 =	vmax.f32 v60, v62;
	v2 =	vmax.f32 v2, v14;
	v12 =	vmax.f32 v12, v23  }
0x199: {  	v53 =	vld.idx.msk [tilespmem:v42+s5+$0x0], $0xffff;
	v13 =	vmax.f32 v13, v41;
	v12 =	vmax.f32 v12, v24;
	v24 =	vmax.f32 v50, v36  }
0x19a: {  	v55 =	vld.idx.msk [tilespmem:v45+s5+$0x0], $0xffff;
	v2 =	vmax.f32 v2, v15;
	v13 =	vmax.f32 v13, v43;
	v24 =	vmax.f32 v24, v37  }
0x19b: {  	v3 =	vld.idx.msk [tilespmem:v44+s5+$0x0], $0xffff;
	v2 =	vmax.f32 v2, v16;
	v13 =	vmax.f32 v13, v46;
	v24 =	vmax.f32 v24, v38  }
0x19c: {  	v59 =	vld.idx.msk [tilespmem:v49+s5+$0x0], $0xffff;
	v2 =	vmax.f32 v2, v17;
	v13 =	vmax.f32 v13, v48;
	v24 =	vmax.f32 v24, v39  }
0x19d: {  	v61 =	vld.idx.msk [tilespmem:v52+s5+$0x0], $0xffff;
	v12 =	vmax.f32 v12, v25;
	v13 =	vmax.f32 v13, v51;
	v60 =	vmax.f32 v24, v40  }
0x19e: {  	v62 =	vld.idx.msk [tilespmem:v54+s5+$0x0], $0xffff;
	v12 =	vmax.f32 v12, v26;
	v13 =	vmax.f32 v13, v53;
	v6 =	vmax.f32 v60, v6  }
0x19f: {  	v63 =	vld.idx.msk [tilespmem:v56+s5+$0x0], $0xffff;
	v12 =	vmax.f32 v12, v27;
	v5 =	vmax.f32 v6, v5;
	v6 =	vmax.f32 v13, v55  }
0x1a0: {  	v12 =	vmax.f32 v12, v28;
	v4 =	vmax.f32 v5, v4;
	v5 =	vmax.f32 v6, v57;
	v6 =	vld.idx.msk [tilespmem:v58+s5+$0x0], $0xffff  }
0x1a1: {  	v12 =	vmax.f32 v12, v29;
	v3 =	vmax.f32 v4, v3;
	v4 =	vmax.f32 v5, v59;
	v5 =	vld.idx.msk [tilespmem:v1+s5+$0x0], $0xffff  }
0x1a2: {  	v1 =	vmax.f32 v12, v30;
	v3 =	vmax.f32 v3, v7;
	v4 =	vmax.f32 v4, v61  }
0x1a3: {  	v1 =	vmax.f32 v1, v31;
	v3 =	vmax.f32 v3, v8;
	v4 =	vmax.f32 v4, v62  }
0x1a4: {  	v1 =	vmax.f32 v1, v32;
	v3 =	vmax.f32 v3, v9;
	v4 =	vmax.f32 v4, v63  }
0x1a5: {  	s8 =	simm.s32 $0x6700;
	s9 =	simm.s32 $0x2280;
	v1 =	vmax.f32 v1, v33;
	v3 =	vmax.f32 v3, v10;
	v4 =	vmax.f32 v4, v6  }
0x1a6: {  	s10 =	simm.s32 $0x6780;
	s6 =	simm.s32 $0x0;
	s7 =	simm.s32 $0x2300;
	v3 =	vmax.f32 v3, v11;
	v4 =	vmax.f32 v4, v5;
	v5 =	vimm.s32 $0x30  }
.LBB2_10:
0x1a7: {  	v6 =	vmax.f32 v2, v1;
	v7 =	vmax.f32 v3, v4  }
0x1a8: {  	v6 =	vmax.f32 v6, v7  }
0x1a9: {  	(xrf0) =	vmax.scan.msk.f32 $0xffff, v6;
	_ =	sdelay $0x5  }
0x1aa: {  	v6, _, _ =	vpop (xrf0)  }
0x1ab: {  	v6 =	vbroadcast v6, $0xF;
	_ =	sdelay $0x1  }
0x1ac: {  	vm0 =	veq.f32 v3, v6  }
0x1ad: {  	vm1 =	veq.f32 v1, v6;
	v7 =	vmpcnt.ones.xlane vm0  }
0x1ae: {  	vm8 =	veq.f32 v2, v6;
	v8 =	vmpcnt.ones.xlane vm1  }
0x1af: {  	v9 =	vmpcnt.ones.xlane vm8;
	vm9 =	vgt.s32 v7, $0x0  }
0x1b0: {  	vm1 =	vgt.s32 v8, $0x0;
	v7 =	vsel vm9, v3, v4  }
0x1b1: {  	vm2 =	vgt.s32 v9, $0x0;
	v7 =	vsel vm1, v1, v7  }
0x1b2: {  	v7 =	vsel vm2, v2, v7  }
0x1b3: {  	v57 =	vsel vm9, $0x20, v5;
	vm3 =	veq.f32 v7, v6  }
0x1b4: {  	v7 =	vsel vm1, $0x10, v57;
	v58 =	vmctz.xlane vm3  }
0x1b5: {  	v7 =	vsel vm2, $0x0, v7  }
0x1b6: {  	v7 =	vadd.s32 v58, v7  }
0x1b7: {  	v7 =	vshll.u32 v7, $0x4  }
0x1b8: {  	v10 =	vor.u32 v0, v7;
	_ =	sdelay $0x4  }
0x1b9: {  	v11 =	vld.idx.msk [tilespmem:v10+s5+$0x0], $0xffff;
	_ =	sdelay $0x4  }
0x1ba: {  	vm10 =	veq.f32 v11, v6  }
0x1bb: {  	v12 =	vmctz.xlane vm10;
	_ =	sdelay $0x1  }
0x1bc: {  	v7 =	vadd.s32 v12, v7  }
0x1bd: {  	v13 =	vshll.u32 v12, $0x4;
	v7 =	vshll.u32 v7, $0x4  }
0x1be: {  	v13 =	vand.u32 $0x70, v13;
	v14 =	vand.u32 $0xFFFFFF80, v7  }
0x1bf: {  	v13 =	vor.u32 v14, v13  }
0x1c0: {  	v13 =	vor.u32 v0, v13;
	_ =	sdelay $0x4  }
0x1c1: {  	v59 =	vld.idx.msk [tilespmem:v13+s7+$0x0], $0xffff;
	_ =	sdelay $0x4  }
0x1c2: {  	vm11 =	veq.f32 v59, v6  }
0x1c3: {  	v15 =	vmctz.xlane vm11;
	_ =	sdelay $0x1  }
0x1c4: {  	v16 =	vmov s6;
	v7 =	vadd.s32 v15, v7  }
0x1c5: {  	vm3 =	veq.s32 v15, v0;
	v60 =	vshra.s32 v7, $0x7  }
0x1c6: {  	vm12 =	veq.s32 v12, v0;
	v14 =	vsel vm3, $0xFF800000, v59  }
0x1c7: {  	v12 =	vsel vm12, $0xFF800000, v11;
	(xrf0) =	vmax.scan.msk.f32 $0xffff, v14  }
0x1c8: {  	(xrf0) =	vmax.scan.msk.f32 $0xffff, v12  }
0x1c9: {  	[tilespmem:v16+s8+$0x0] =	vst.idx.msk $0x1, v6  }
0x1ca: {  	v6 =	vld.idx.msk [tilespmem:v60+s9+$0x0], $0xffff  }
0x1cb: {  	vm4 =	veq.s32 v58, v0  }
0x1cc: {  	vm5 =	vle.s32 v9, $0x0;
	vm13 =	vmand vm2, vm4;
	vm2 =	vmor vm2, vm1  }
0x1cd: {  	vm14 =	vmor vm1, vm9;
	vm1 =	vmand vm1, vm5;
	vm2 =	vmneg vm2;
	v61, _, _ =	vpop (xrf0)  }
0x1ce: {  	p0 =	sne.s32 s6, $0x63;
	vm1 =	vmand vm1, vm4;
	vm0 =	vmand vm9, vm2;
	v7 =	vand.u32 $0x7F, v7;
	v62, _, _ =	vpop (xrf0)  }
.Ltmp5:
0x1cf: {  	v12 =	vbroadcast v61, $0xF;
	v63 =	vmax.f32 v62, v61;
	v6 =	vshll.u32 v6, $0x7;
	(pc) =	sbr.rel @p0 .LBB2_10-.Ltmp5, $4  }
0x1d0: {  	vm3 =	vmneg vm14;
	v8 =	vbroadcast v63, $0xF;
	v6 =	vor.u32 v6, v7  }
0x1d1: {  	vm0 =	vmand vm0, vm4;
	vm15 =	vmand vm5, vm3;
	v7 =	vsel vm12, v12, v11;
	[tilespmem:v16+s10+$0x0] =	vst.idx.msk $0x1, v6  }
0x1d2: {  	vm2 =	vmand vm4, vm15;
	v2 =	vsel vm13, v8, v2;
	v1 =	vsel vm1, v8, v1;
	[tilespmem:v13+s7+$0x0] =	vst.idx.msk $0xffff, v14  }
0x1d3: {  	s6 =	sadd.s32 $0x1, s6;
	v3 =	vsel vm0, v8, v3;
	v4 =	vsel vm2, v8, v4;
	[tilespmem:v10+s5+$0x0] =	vst.idx.msk $0xffff, v7  }
0x1d4: {  	s5 =	simm.s32 $0x80  }
0x1d5: {  	s6 =	simm.s32 $0x6780;
	s7 =	simm.s32 $0x6800;
	s28 =	simm.s32 $0x1  }
0x1d6: {  	[tilespmem:s7], [sflag:$0x1] =	stream.indirect.gather [hbm4b:s2+s5], $0x1, s6, s5, $0xb8;
	[tilespmem:$0x6880] =	vst v63  }
0x1d7: {  	_ =	swait.ge [sflag:s28], $0x80  }
0x1d8: {  	s29 =	simm.s32 $0x0;
	[sflag:s28] =	ssyncset.done $0x0  }
0x1d9: {  	s30 =	simm.s32 $0x6700;
	s31 =	simm.s32 $0x2;
	[sflag:s28] =	ssyncadd.s32 $0xFFFFFF80  }
0x1da: {  	[hbm4b:s4+s29] =	stream.linear.scatter [tilespmem:s30], [sflag:$0x2], $0x80, $0x38;
	[tilespmem:$0x6880] =	vst v63  }
0x1db: {  	_ =	swait.ge [sflag:s31], $0x80  }
0x1dc: {  	[sflag:s31] =	ssyncset.done $0x0  }
0x1dd: {  	[sflag:s31] =	ssyncadd.s32 $0xFFFFFF80  }
0x1de: {  	[hbm4b:s3+s29] =	stream.linear.scatter [tilespmem:s7], [sflag:$0x2], $0x80, $0x38;
	[tilespmem:$0x6880] =	vst v63  }
0x1df: {  	_ =	swait.ge [sflag:s31], $0x80  }
0x1e0: {  	[sflag:s31] =	ssyncset.done $0x0  }
0x1e1: {  	[sflag:s31] =	ssyncadd.s32 $0xFFFFFF80  }
.LBB2_12:
0x1e2: {  	_ =	sfence.sel $0x180000  }
0x1e3: {  	[bflag:$0x0] =	sbarrier.arrive $0xFFFF  }
0x1e4: {  	p0 =	sne.s32 s1, $0x0;
	_ =	strace $0x90000047  }
0x1e5: {  	s0 =	sadd.s32 @!p0 $0x100000, s0;
	[bflag:$0x2] =	sbarrier.arrive $0xFFFF  }
0x1e6: {  	[sflag:s0] =	ssyncadd.tile.s32 @!p0 $0x1;
	_ =	shalt  }
.Lfunc_end2:
_tile_overlayer_lowered:
.L_overlay_start_2:
0x1e7: {  	(tag) =	ssettag $0x2  }
0x1e8: {  	s0 =	rddreg [dreg:$0x0];
	s2 =	stileid.u32  }
0x1e9: {  	s1 =	rddreg [dreg:$0x1];
	p0 =	sne.s32 s2, $0x0  }
0x1ea: {  	s3 =	rddreg [dreg:$0x2];
	[bflag:$0x3] =	sbarrier.arrive $0xFFFF;
	s2 =	simm.s32 @!p0 $0x1C02  }
0x1eb: {  	[timem:s3], [sflag:s2] =	dma.local @!p0 [hbm:s0], s1  }
0x1ec: {  	s0 =	simm.s32 @!p0 $0x2  }
0x1ed: {  	_ =	swait.ge @!p0 [sflag:s0], s1  }
0x1ee: {  	s1 =	ssub.s32 @!p0 $0x0, s1;
	[sflag:s0] =	ssyncset.done @!p0 $0x0  }
0x1ef: {  	[sflag:s0] =	ssyncadd.s32 @!p0 s1  }
0x1f0: {  	[bflag:$0x3] =	sbarrier.arrive $0xFFFF  }
0x1f1: {  	_ =	shalt  }

</sc_bundles>
